<compile_context>
chip_gen: v7x
topology: tpu7x:2x2x1
jax: 0.10.2.dev20260603
libtpu: 0.0.44.dev20260713+nightly
codegen_flags: <defaults>
</compile_context>

<pallas_src>
import functools

import jax
import jax.numpy as jnp
from jax import lax
from jax.experimental import pallas as pl
from jax.experimental.pallas import tpu as pltpu
from jax.experimental.pallas import tpu_sc as plsc

N = 50000
E = 800000
D = 64
DP = 72
NHALF = 25088
ROWS_PER_TILE = NHALF // 16
ACC_ROWS = NHALF + 256
CHUNK = 64
NCHG = E // CHUNK
CBASE = NCHG // 16
CREM = NCHG % 16
IRING = 8
RRING = 3
ROW_BLK = 1000


def _ln_pad_body(x_ref, g_ref, b_ref, o_ref):
    x = x_ref[...]
    mu = jnp.mean(x, axis=1, keepdims=True)
    xc = x - mu
    var = jnp.mean(xc * xc, axis=1, keepdims=True)
    y = xc * lax.rsqrt(var + 1e-5) * g_ref[...] + b_ref[...]
    col = lax.broadcasted_iota(jnp.int32, (ROW_BLK, DP - D), 1)
    pad = jnp.where(col == 0, 1.0, 0.0).astype(jnp.float32)
    o_ref[...] = jnp.concatenate([y, pad], axis=1)


def _ln_pad(h, g, b):
    return pl.pallas_call(
        _ln_pad_body,
        grid=(N // ROW_BLK,),
        in_specs=[
            pl.BlockSpec((ROW_BLK, D), lambda i: (i, 0)),
            pl.BlockSpec((1, D), lambda i: (0, 0)),
            pl.BlockSpec((1, D), lambda i: (0, 0)),
        ],
        out_specs=pl.BlockSpec((ROW_BLK, DP), lambda i: (i, 0)),
        out_shape=jax.ShapeDtypeStruct((N, DP), jnp.float32),
    )(h, g.reshape(1, D), b.reshape(1, D))


def _final_body(ap_ref, an_ref, wp_ref, wn_ref, c_ref, o_ref):
    ap = ap_ref[...]
    an = an_ref[...]
    xp = ap[:, :D] / jnp.maximum(ap[:, D:D + 1], 1.0)
    xn = an[:, :D] / jnp.maximum(an[:, D:D + 1], 1.0)
    y = (jnp.dot(xp, wp_ref[...], preferred_element_type=jnp.float32)
         + jnp.dot(xn, wn_ref[...], preferred_element_type=jnp.float32)
         + c_ref[...])
    o_ref[...] = jnp.clip(y, -50.0, 50.0)


def _final(aggp, aggn, wp, wn, c):
    return pl.pallas_call(
        _final_body,
        grid=(N // ROW_BLK,),
        in_specs=[
            pl.BlockSpec((ROW_BLK, DP), lambda i: (i, 0)),
            pl.BlockSpec((ROW_BLK, DP), lambda i: (i, 0)),
            pl.BlockSpec((D, D), lambda i: (0, 0)),
            pl.BlockSpec((D, D), lambda i: (0, 0)),
            pl.BlockSpec((1, D), lambda i: (0, 0)),
        ],
        out_specs=pl.BlockSpec((ROW_BLK, D), lambda i: (i, 0)),
        out_shape=jax.ShapeDtypeStruct((N, D), jnp.float32),
    )(aggp, aggn, wp, wn, c.reshape(1, D))


def _sc_body(hn_hbm, eip_hbm, ein_hbm, zeros_hbm, outp_hbm, outn_hbm,
             ei_buf, rows_bufs, acc, gsem, ssem, isem):
    c = lax.axis_index("c")
    s = lax.axis_index("s")
    base = c * NHALF
    tile_row0 = s * ROWS_PER_TILE
    i32 = jnp.int32

    def drain_rows(sem):
        pltpu.make_async_copy(
            zeros_hbm.at[pl.ds(0, CHUNK)], rows_bufs.at[0], sem).wait()

    def drain_idx(sem):
        pltpu.make_async_copy(eip_hbm.at[0], ei_buf.at[0], sem).wait()

    def run_phase(ei_hbm, out_hbm):
        pltpu.sync_copy(zeros_hbm, acc.at[pl.ds(tile_row0, ROWS_PER_TILE)])
        plsc.subcore_barrier()

        count = jnp.where(s < CREM, CBASE + 1, CBASE)

        for jj in range(2):
            pltpu.async_copy(
                ei_hbm.at[s + 16 * jj], ei_buf.at[jj], isem.at[jj])

        def body(j, carry):
            slot = j % IRING
            p = j % RRING

            @pl.when(j >= RRING)
            def _():
                drain_rows(ssem.at[p])

            drain_idx(isem.at[slot])
            pltpu.async_copy(
                hn_hbm.at[ei_buf.at[slot, 0]], rows_bufs.at[p], gsem.at[p])

            dummy = NHALF + s * 16 + lax.iota(i32, 16)
            for v in range(CHUNK // 16):
                d = ei_buf[slot, 1, pl.ds(v * 16, 16)] - base
                ok = (d >= 0) & (d < NHALF)
                ei_buf[slot, 1, pl.ds(v * 16, 16)] = jnp.where(ok, d, dummy)

            @pl.when(j + 2 < count)
            def _():
                slot2 = (j + 2) % IRING
                pltpu.async_copy(
                    ei_hbm.at[s + 16 * (j + 2)], ei_buf.at[slot2],
                    isem.at[slot2])

            @pl.when(j >= 2)
            def _():
                pj = (j - 2) % RRING
                sj = (j - 2) % IRING
                drain_rows(gsem.at[pj])
                pltpu.async_copy(
                    rows_bufs.at[pj], acc.at[ei_buf.at[sj, 1]],
                    ssem.at[pj], add=True)
            return carry

        lax.fori_loop(0, count, body, 0)

        last = count - 1
        for off in (1, 0):
            kk = last - off
            drain_rows(gsem.at[kk % RRING])
            pltpu.async_copy(
                rows_bufs.at[kk % RRING], acc.at[ei_buf.at[kk % IRING, 1]],
                ssem.at[kk % RRING], add=True)
        for q in range(RRING):
            drain_rows(ssem.at[(last - q) % RRING])

        plsc.subcore_barrier()
        pltpu.sync_copy(
            acc.at[pl.ds(tile_row0, ROWS_PER_TILE)],
            out_hbm.at[pl.ds(base + tile_row0, ROWS_PER_TILE)])
        plsc.subcore_barrier()

    run_phase(eip_hbm, outp_hbm)
    run_phase(ein_hbm, outn_hbm)


@functools.partial(jax.jit, static_argnums=())
def _sc_segsum(hn, eip, ein, zeros):
    mesh = plsc.VectorSubcoreMesh(core_axis_name="c", subcore_axis_name="s")
    f = pl.kernel(
        _sc_body,
        mesh=mesh,
        compiler_params=pltpu.CompilerParams(use_tc_tiling_on_sc=False),
        out_type=[
            jax.ShapeDtypeStruct((2 * NHALF, DP), jnp.float32),
            jax.ShapeDtypeStruct((2 * NHALF, DP), jnp.float32),
        ],
        scratch_types=[
            pltpu.VMEM((IRING, 2, CHUNK), jnp.int32),
            pltpu.VMEM((RRING, CHUNK, DP), jnp.float32),
            pltpu.VMEM_SHARED((ACC_ROWS, DP), jnp.float32),
            pltpu.SemaphoreType.DMA((RRING,)),
            pltpu.SemaphoreType.DMA((RRING,)),
            pltpu.SemaphoreType.DMA((IRING,)),
        ],
    )
    return f(hn, eip, ein, zeros)


def kernel(t, h, edge_index_pos, edge_index_neg, ln_gamma, ln_beta,
           W_pos, b_pos, W_neg, b_neg, W_psi_pos, b_psi_pos,
           W_psi_neg, b_psi_neg):
    hn = _ln_pad(h, ln_gamma, ln_beta)
    zeros = jnp.zeros((ROWS_PER_TILE, DP), dtype=jnp.float32)
    eip = jnp.stack([edge_index_pos[0].reshape(NCHG, CHUNK),
                     edge_index_pos[1].reshape(NCHG, CHUNK)], axis=1)
    ein = jnp.stack([edge_index_neg[0].reshape(NCHG, CHUNK),
                     edge_index_neg[1].reshape(NCHG, CHUNK)], axis=1)
    aggp, aggn = _sc_segsum(hn, eip, ein, zeros)
    wp = W_pos @ W_psi_pos
    wn = W_neg @ W_psi_neg
    cb = b_pos @ W_psi_pos + b_psi_pos + b_neg @ W_psi_neg + b_psi_neg
    return _final(aggp[:N], aggn[:N], wp, wn, cb)

# --- scband reference (transcript-rebuilt; emitter-appended) ---
"""Pipeline reference for scband-odefunc-10986526343306 (READ-ONLY COPY).

The authoritative reference and input builder live on the scoring server;
editing this copy changes nothing except your own understanding.
"""

import jax, jax.numpy as jnp
import numpy as np

N = 50000
E = 800000
D = 64


def layer_norm(x, g, b):
    mu = jnp.mean(x, axis=-1, keepdims=True)
    var = jnp.mean((x - mu) ** 2, axis=-1, keepdims=True)
    return (x - mu) / jnp.sqrt(var + 1e-5) * g + b


def gcn_conv(h, ei, W, b):
    src = ei[0]
    dst = ei[1]
    msgs = jnp.take(h, src, axis=0)
    agg = jax.ops.segment_sum(msgs, dst, num_segments=h.shape[0])
    deg = jax.ops.segment_sum(jnp.ones((ei.shape[1],), dtype=h.dtype), dst, num_segments=h.shape[0])
    agg = agg / jnp.clip(deg, 1.0)[:, None]
    return agg @ W + b


def setup_inputs(seed: int = 0):
    key = jax.random.key(seed)
    ks = jax.random.split(key, 12)
    inp = {}
    inp["t"] = 0
    inp["h"] = jax.random.normal(ks[0], (N, D), dtype=jnp.float32)
    inp["edge_index_pos"] = jax.random.randint(ks[1], (2, E), 0, N, dtype=jnp.int32)
    inp["edge_index_neg"] = jax.random.randint(ks[2], (2, E), 0, N, dtype=jnp.int32)
    inp["ln_gamma"] = jnp.ones((D,), dtype=jnp.float32)
    inp["ln_beta"] = jnp.zeros((D,), dtype=jnp.float32)
    inp["W_pos"] = jax.random.normal(ks[3], (D, D), dtype=jnp.float32) * 0.05
    inp["b_pos"] = jnp.zeros((D,), dtype=jnp.float32)
    inp["W_neg"] = jax.random.normal(ks[4], (D, D), dtype=jnp.float32) * 0.05
    inp["b_neg"] = jnp.zeros((D,), dtype=jnp.float32)
    inp["W_psi_pos"] = jax.random.normal(ks[5], (D, D), dtype=jnp.float32) * 0.05
    inp["b_psi_pos"] = jnp.zeros((D,), dtype=jnp.float32)
    inp["W_psi_neg"] = jax.random.normal(ks[6], (D, D), dtype=jnp.float32) * 0.05
    inp["b_psi_neg"] = jnp.zeros((D,), dtype=jnp.float32)
    return inp


def reference(t, h, edge_index_pos, edge_index_neg, ln_gamma, ln_beta, W_pos, b_pos, W_neg, b_neg, W_psi_pos, b_psi_pos, W_psi_neg, b_psi_neg):
    hn = layer_norm(h, ln_gamma, ln_beta)
    h_pos = gcn_conv(hn, edge_index_pos, W_pos, b_pos)
    h_neg = gcn_conv(hn, edge_index_neg, W_neg, b_neg)
    # dropout is identity in eval mode
    delta_h = (h_pos @ W_psi_pos + b_psi_pos) + (h_neg @ W_psi_neg + b_psi_neg)
    return jnp.clip(delta_h, -50.0, 50.0)

if __name__ == "__main__":
    import jax
    _d = setup_inputs()
    print(jax.jit(kernel)(*tuple(_d.values())))

</pallas_src>

<mosaic_0001>
#map = affine_map<(d0, d1) -> (0, 0)>
#map1 = affine_map<(d0, d1) -> (0, 0, 0)>
module attributes {stable_mosaic.version = 14 : i64} {
  func.func @_sc_body(%arg0: i32, %arg1: i32, %arg2: memref<50000x72xf32, #tpu.memory_space<hbm>>, %arg3: memref<12500x2x64xi32, #tpu.memory_space<hbm>>, %arg4: memref<12500x2x64xi32, #tpu.memory_space<hbm>>, %arg5: memref<1568x72xf32, #tpu.memory_space<hbm>>, %arg6: memref<50176x72xf32, #tpu.memory_space<hbm>>, %arg7: memref<50176x72xf32, #tpu.memory_space<hbm>>, %arg8: memref<8x2x64xi32, #tpu.memory_space<vmem>>, %arg9: memref<3x64x72xf32, #tpu.memory_space<vmem>>, %arg10: memref<25344x72xf32, #tpu.memory_space<vmem_shared>>, %arg11: memref<3x!tpu.dma_semaphore, #tpu.memory_space<semaphore_mem>>, %arg12: memref<3x!tpu.dma_semaphore, #tpu.memory_space<semaphore_mem>>, %arg13: memref<8x!tpu.dma_semaphore, #tpu.memory_space<semaphore_mem>>) attributes {dimension_semantics = [#tpu.dimension_semantics<core_parallel>, #tpu.dimension_semantics<subcore_parallel>], iteration_bounds = array<i64: 2, 16>, scalar_prefetch = 0 : i64, scratch_operands = 6 : i64, tpu.core_type = #tpu.core_type<sc_vector_subcore>, window_params = [{transform_indices = #map}, {transform_indices = #map1}, {transform_indices = #map1}, {transform_indices = #map}, {transform_indices = #map}, {transform_indices = #map}]} {
    %mul3A = arith.constant 25088 : i32
    %mul3A_0 = arith.muli %arg0, %mul3A : i32
    %mul3A_1 = arith.constant 1568 : i32
    %mul3A_2 = arith.muli %arg1, %mul3A_1 : i32
    "tpu.region"() ({
      %run_scoped3A = tpu.sem_alloc : memref<!tpu.dma_semaphore, #tpu.memory_space<semaphore_mem>>
      %dma_start3A_714 = arith.constant 0 : i32
      %dma_start3A_715 = tpu.memref_slice %arg10[%mul3A_2, %dma_start3A_714] : memref<25344x72xf32, #tpu.memory_space<vmem_shared>> -> memref<1568x72xf32, #tpu.memory_space<vmem_shared>>
      tpu.enqueue_dma source(%arg5 : memref<1568x72xf32, #tpu.memory_space<hbm>>) target(%dma_start3A_715 : memref<1568x72xf32, #tpu.memory_space<vmem_shared>>) target_semaphore(%run_scoped3A : memref<!tpu.dma_semaphore, #tpu.memory_space<semaphore_mem>>)
      %dma_wait3A_716 = arith.constant 0 : i32
      %dma_wait3A_717 = tpu.memref_slice %arg10[%mul3A_2, %dma_wait3A_716] : memref<25344x72xf32, #tpu.memory_space<vmem_shared>> -> memref<1568x72xf32, #tpu.memory_space<vmem_shared>>
      tpu.wait_dma2 semaphore(%run_scoped3A : memref<!tpu.dma_semaphore, #tpu.memory_space<semaphore_mem>>) src(%arg5 : memref<1568x72xf32, #tpu.memory_space<hbm>>) dst(%dma_wait3A_717 : memref<1568x72xf32, #tpu.memory_space<vmem_shared>>)
      tpu.yield
    }) : () -> ()
    %barrier3A = arith.constant 0 : index
    tpu.barrier barrier_id(%barrier3A)
    %lt3A = arith.constant 4 : i32
    %lt3A_3 = arith.cmpi slt, %arg1, %lt3A : i32
    %jit3A = arith.constant 782 : i32
    %jit3A_4 = arith.constant 781 : i32
    %select_n3A = arith.select %lt3A_3, %jit3A, %jit3A_4 : i32
    %add3A = arith.constant 0 : i32
    %add3A_5 = arith.addi %arg1, %add3A : i32
    %dma_start3A = arith.constant 0 : i32
    %dma_start3A_6 = arith.constant 0 : i32
    %dma_start3A_7 = arith.constant 0 : i32
    %dma_start3A_8 = arith.constant 0 : i32
    %dma_start3A_9 = tpu.memref_slice %arg8[%dma_start3A, %dma_start3A_7, %dma_start3A_8] : memref<8x2x64xi32, #tpu.memory_space<vmem>> -> memref<1x2x64xi32, #tpu.memory_space<vmem>>
    %dma_start3A_10 = tpu.memref_squeeze %dma_start3A_9 : memref<1x2x64xi32, #tpu.memory_space<vmem>> -> memref<2x64xi32, #tpu.memory_space<vmem>>
    %dma_start3A_11 = arith.constant 0 : i32
    %dma_start3A_12 = arith.constant 0 : i32
    %dma_start3A_13 = tpu.memref_slice %arg3[%add3A_5, %dma_start3A_11, %dma_start3A_12] : memref<12500x2x64xi32, #tpu.memory_space<hbm>> -> memref<1x2x64xi32, #tpu.memory_space<hbm>>
    %dma_start3A_14 = tpu.memref_squeeze %dma_start3A_13 : memref<1x2x64xi32, #tpu.memory_space<hbm>> -> memref<2x64xi32, #tpu.memory_space<hbm>>
    %dma_start3A_15 = tpu.memref_slice %arg13[%dma_start3A_6] : memref<8x!tpu.dma_semaphore, #tpu.memory_space<semaphore_mem>> -> memref<1x!tpu.dma_semaphore, #tpu.memory_space<semaphore_mem>>
    %dma_start3A_16 = tpu.memref_squeeze %dma_start3A_15 : memref<1x!tpu.dma_semaphore, #tpu.memory_space<semaphore_mem>> -> memref<!tpu.dma_semaphore, #tpu.memory_space<semaphore_mem>>
    %dma_start3A_17 = arith.constant 0 : i32
    %dma_start3A_18 = arith.constant 0 : i32
    %dma_start3A_19 = tpu.memref_slice %arg8[%dma_start3A, %dma_start3A_17, %dma_start3A_18] : memref<8x2x64xi32, #tpu.memory_space<vmem>> -> memref<1x2x64xi32, #tpu.memory_space<vmem>>
    %dma_start3A_20 = tpu.memref_squeeze %dma_start3A_19 : memref<1x2x64xi32, #tpu.memory_space<vmem>> -> memref<2x64xi32, #tpu.memory_space<vmem>>
    %dma_start3A_21 = arith.constant 0 : i32
    %dma_start3A_22 = arith.constant 0 : i32
    %dma_start3A_23 = tpu.memref_slice %arg3[%add3A_5, %dma_start3A_21, %dma_start3A_22] : memref<12500x2x64xi32, #tpu.memory_space<hbm>> -> memref<1x2x64xi32, #tpu.memory_space<hbm>>
    %dma_start3A_24 = tpu.memref_squeeze %dma_start3A_23 : memref<1x2x64xi32, #tpu.memory_space<hbm>> -> memref<2x64xi32, #tpu.memory_space<hbm>>
    tpu.enqueue_dma source(%dma_start3A_24 : memref<2x64xi32, #tpu.memory_space<hbm>>) target(%dma_start3A_20 : memref<2x64xi32, #tpu.memory_space<vmem>>) target_semaphore(%dma_start3A_16 : memref<!tpu.dma_semaphore, #tpu.memory_space<semaphore_mem>>)
    %add3A_25 = arith.constant 16 : i32
    %add3A_26 = arith.addi %arg1, %add3A_25 : i32
    %dma_start3A_27 = arith.constant 1 : i32
    %dma_start3A_28 = arith.constant 1 : i32
    %dma_start3A_29 = arith.constant 0 : i32
    %dma_start3A_30 = arith.constant 0 : i32
    %dma_start3A_31 = tpu.memref_slice %arg8[%dma_start3A_27, %dma_start3A_29, %dma_start3A_30] : memref<8x2x64xi32, #tpu.memory_space<vmem>> -> memref<1x2x64xi32, #tpu.memory_space<vmem>>
    %dma_start3A_32 = tpu.memref_squeeze %dma_start3A_31 : memref<1x2x64xi32, #tpu.memory_space<vmem>> -> memref<2x64xi32, #tpu.memory_space<vmem>>
    %dma_start3A_33 = arith.constant 0 : i32
    %dma_start3A_34 = arith.constant 0 : i32
    %dma_start3A_35 = tpu.memref_slice %arg3[%add3A_26, %dma_start3A_33, %dma_start3A_34] : memref<12500x2x64xi32, #tpu.memory_space<hbm>> -> memref<1x2x64xi32, #tpu.memory_space<hbm>>
    %dma_start3A_36 = tpu.memref_squeeze %dma_start3A_35 : memref<1x2x64xi32, #tpu.memory_space<hbm>> -> memref<2x64xi32, #tpu.memory_space<hbm>>
    %dma_start3A_37 = tpu.memref_slice %arg13[%dma_start3A_28] : memref<8x!tpu.dma_semaphore, #tpu.memory_space<semaphore_mem>> -> memref<1x!tpu.dma_semaphore, #tpu.memory_space<semaphore_mem>>
    %dma_start3A_38 = tpu.memref_squeeze %dma_start3A_37 : memref<1x!tpu.dma_semaphore, #tpu.memory_space<semaphore_mem>> -> memref<!tpu.dma_semaphore, #tpu.memory_space<semaphore_mem>>
    %dma_start3A_39 = arith.constant 0 : i32
    %dma_start3A_40 = arith.constant 0 : i32
    %dma_start3A_41 = tpu.memref_slice %arg8[%dma_start3A_27, %dma_start3A_39, %dma_start3A_40] : memref<8x2x64xi32, #tpu.memory_space<vmem>> -> memref<1x2x64xi32, #tpu.memory_space<vmem>>
    %dma_start3A_42 = tpu.memref_squeeze %dma_start3A_41 : memref<1x2x64xi32, #tpu.memory_space<vmem>> -> memref<2x64xi32, #tpu.memory_space<vmem>>
    %dma_start3A_43 = arith.constant 0 : i32
    %dma_start3A_44 = arith.constant 0 : i32
    %dma_start3A_45 = tpu.memref_slice %arg3[%add3A_26, %dma_start3A_43, %dma_start3A_44] : memref<12500x2x64xi32, #tpu.memory_space<hbm>> -> memref<1x2x64xi32, #tpu.memory_space<hbm>>
    %dma_start3A_46 = tpu.memref_squeeze %dma_start3A_45 : memref<1x2x64xi32, #tpu.memory_space<hbm>> -> memref<2x64xi32, #tpu.memory_space<hbm>>
    tpu.enqueue_dma source(%dma_start3A_46 : memref<2x64xi32, #tpu.memory_space<hbm>>) target(%dma_start3A_42 : memref<2x64xi32, #tpu.memory_space<vmem>>) target_semaphore(%dma_start3A_38 : memref<!tpu.dma_semaphore, #tpu.memory_space<semaphore_mem>>)
    %while3A = arith.constant 0 : i32
    %while3A_47 = arith.constant 0 : i32
    %while3A_48 = arith.subi %select_n3A, %while3A_47 : i32
    %while3A_49 = arith.addi %while3A_47, %while3A_48 : i32
    %while3A_50 = arith.constant 1 : i32
    %while3A_51 = arith.divsi %while3A_48, %while3A_50 : i32
    %while3A_52 = arith.muli %while3A_51, %while3A_50 : i32
    %while3A_53 = arith.addi %while3A_47, %while3A_52 : i32
    %while3A_54 = arith.constant 1 : i32
    scf.for %while3A_714 = %while3A_47 to %while3A_53 step %while3A_54  : i32 {
      %jit3A_715 = arith.constant 8 : i32
      %eq3A_716 = arith.constant 0 : i32
      %eq3A_717 = arith.cmpi eq, %jit3A_715, %eq3A_716 : i32
      %jit3A_718 = arith.constant 1 : i32
      %select_n3A_719 = arith.select %eq3A_717, %jit3A_718, %jit3A_715 : i32
      %rem3A_720 = arith.remsi %while3A_714, %select_n3A_719 : i32
      %ne3A_721 = arith.constant 0 : i32
      %ne3A_722 = arith.cmpi ne, %rem3A_720, %ne3A_721 : i32
      %lt3A_723 = arith.constant 0 : i32
      %lt3A_724 = arith.cmpi slt, %rem3A_720, %lt3A_723 : i32
      %lt3A_725 = arith.constant 0 : i32
      %lt3A_726 = arith.cmpi slt, %select_n3A_719, %lt3A_725 : i32
      %ne3A_727 = arith.xori %lt3A_724, %lt3A_726 : i1
      %and3A_728 = arith.andi %ne3A_727, %ne3A_722 : i1
      %add3A_729 = arith.addi %rem3A_720, %select_n3A_719 : i32
      %select_n3A_730 = arith.select %and3A_728, %add3A_729, %rem3A_720 : i32
      %jit3A_731 = arith.constant 3 : i32
      %eq3A_732 = arith.constant 0 : i32
      %eq3A_733 = arith.cmpi eq, %jit3A_731, %eq3A_732 : i32
      %jit3A_734 = arith.constant 1 : i32
      %select_n3A_735 = arith.select %eq3A_733, %jit3A_734, %jit3A_731 : i32
      %rem3A_736 = arith.remsi %while3A_714, %select_n3A_735 : i32
      %ne3A_737 = arith.constant 0 : i32
      %ne3A_738 = arith.cmpi ne, %rem3A_736, %ne3A_737 : i32
      %lt3A_739 = arith.constant 0 : i32
      %lt3A_740 = arith.cmpi slt, %rem3A_736, %lt3A_739 : i32
      %lt3A_741 = arith.constant 0 : i32
      %lt3A_742 = arith.cmpi slt, %select_n3A_735, %lt3A_741 : i32
      %ne3A_743 = arith.xori %lt3A_740, %lt3A_742 : i1
      %and3A_744 = arith.andi %ne3A_743, %ne3A_738 : i1
      %add3A_745 = arith.addi %rem3A_736, %select_n3A_735 : i32
      %select_n3A_746 = arith.select %and3A_744, %add3A_745, %rem3A_736 : i32
      %ge3A = arith.constant 3 : i32
      %ge3A_747 = arith.cmpi sge, %while3A_714, %ge3A : i32
      %convert_element_type3A = arith.extui %ge3A_747 : i1 to i32
      %cond3A = arith.constant 0 : i32
      %cond3A_748 = arith.cmpi ne, %convert_element_type3A, %cond3A : i32
      scf.if %cond3A_748 {
        %dma_wait3A_889 = arith.constant 0 : i32
        %dma_wait3A_890 = arith.constant 0 : i32
        %dma_wait3A_891 = arith.constant 0 : i32
        %dma_wait3A_892 = tpu.memref_slice %arg9[%dma_wait3A_889, %dma_wait3A_890, %dma_wait3A_891] : memref<3x64x72xf32, #tpu.memory_space<vmem>> -> memref<1x64x72xf32, #tpu.memory_space<vmem>>
        %dma_wait3A_893 = tpu.memref_squeeze %dma_wait3A_892 : memref<1x64x72xf32, #tpu.memory_space<vmem>> -> memref<64x72xf32, #tpu.memory_space<vmem>>
        %dma_wait3A_894 = arith.constant 0 : i32
        %dma_wait3A_895 = arith.constant 0 : i32
        %dma_wait3A_896 = tpu.memref_slice %arg5[%dma_wait3A_894, %dma_wait3A_895] : memref<1568x72xf32, #tpu.memory_space<hbm>> -> memref<64x72xf32, #tpu.memory_space<hbm>>
        %dma_wait3A_897 = tpu.memref_slice %arg12[%select_n3A_746] : memref<3x!tpu.dma_semaphore, #tpu.memory_space<semaphore_mem>> -> memref<1x!tpu.dma_semaphore, #tpu.memory_space<semaphore_mem>>
        %dma_wait3A_898 = tpu.memref_squeeze %dma_wait3A_897 : memref<1x!tpu.dma_semaphore, #tpu.memory_space<semaphore_mem>> -> memref<!tpu.dma_semaphore, #tpu.memory_space<semaphore_mem>>
        %dma_wait3A_899 = arith.constant 0 : i32
        %dma_wait3A_900 = arith.constant 0 : i32
        %dma_wait3A_901 = tpu.memref_slice %arg9[%dma_wait3A_889, %dma_wait3A_899, %dma_wait3A_900] : memref<3x64x72xf32, #tpu.memory_space<vmem>> -> memref<1x64x72xf32, #tpu.memory_space<vmem>>
        %dma_wait3A_902 = tpu.memref_squeeze %dma_wait3A_901 : memref<1x64x72xf32, #tpu.memory_space<vmem>> -> memref<64x72xf32, #tpu.memory_space<vmem>>
        %dma_wait3A_903 = arith.constant 0 : i32
        %dma_wait3A_904 = arith.constant 0 : i32
        %dma_wait3A_905 = tpu.memref_slice %arg5[%dma_wait3A_903, %dma_wait3A_904] : memref<1568x72xf32, #tpu.memory_space<hbm>> -> memref<64x72xf32, #tpu.memory_space<hbm>>
        tpu.wait_dma2 semaphore(%dma_wait3A_898 : memref<!tpu.dma_semaphore, #tpu.memory_space<semaphore_mem>>) src(%dma_wait3A_905 : memref<64x72xf32, #tpu.memory_space<hbm>>) dst(%dma_wait3A_902 : memref<64x72xf32, #tpu.memory_space<vmem>>)
      } else {
      }
      %dma_wait3A_749 = arith.constant 0 : i32
      %dma_wait3A_750 = arith.constant 0 : i32
      %dma_wait3A_751 = arith.constant 0 : i32
      %dma_wait3A_752 = arith.constant 0 : i32
      %dma_wait3A_753 = tpu.memref_slice %arg8[%dma_wait3A_750, %dma_wait3A_751, %dma_wait3A_752] : memref<8x2x64xi32, #tpu.memory_space<vmem>> -> memref<1x2x64xi32, #tpu.memory_space<vmem>>
      %dma_wait3A_754 = tpu.memref_squeeze %dma_wait3A_753 : memref<1x2x64xi32, #tpu.memory_space<vmem>> -> memref<2x64xi32, #tpu.memory_space<vmem>>
      %dma_wait3A_755 = arith.constant 0 : i32
      %dma_wait3A_756 = arith.constant 0 : i32
      %dma_wait3A_757 = tpu.memref_slice %arg3[%dma_wait3A_749, %dma_wait3A_755, %dma_wait3A_756] : memref<12500x2x64xi32, #tpu.memory_space<hbm>> -> memref<1x2x64xi32, #tpu.memory_space<hbm>>
      %dma_wait3A_758 = tpu.memref_squeeze %dma_wait3A_757 : memref<1x2x64xi32, #tpu.memory_space<hbm>> -> memref<2x64xi32, #tpu.memory_space<hbm>>
      %dma_wait3A_759 = tpu.memref_slice %arg13[%select_n3A_730] : memref<8x!tpu.dma_semaphore, #tpu.memory_space<semaphore_mem>> -> memref<1x!tpu.dma_semaphore, #tpu.memory_space<semaphore_mem>>
      %dma_wait3A_760 = tpu.memref_squeeze %dma_wait3A_759 : memref<1x!tpu.dma_semaphore, #tpu.memory_space<semaphore_mem>> -> memref<!tpu.dma_semaphore, #tpu.memory_space<semaphore_mem>>
      %dma_wait3A_761 = arith.constant 0 : i32
      %dma_wait3A_762 = arith.constant 0 : i32
      %dma_wait3A_763 = tpu.memref_slice %arg8[%dma_wait3A_750, %dma_wait3A_761, %dma_wait3A_762] : memref<8x2x64xi32, #tpu.memory_space<vmem>> -> memref<1x2x64xi32, #tpu.memory_space<vmem>>
      %dma_wait3A_764 = tpu.memref_squeeze %dma_wait3A_763 : memref<1x2x64xi32, #tpu.memory_space<vmem>> -> memref<2x64xi32, #tpu.memory_space<vmem>>
      %dma_wait3A_765 = arith.constant 0 : i32
      %dma_wait3A_766 = arith.constant 0 : i32
      %dma_wait3A_767 = tpu.memref_slice %arg3[%dma_wait3A_749, %dma_wait3A_765, %dma_wait3A_766] : memref<12500x2x64xi32, #tpu.memory_space<hbm>> -> memref<1x2x64xi32, #tpu.memory_space<hbm>>
      %dma_wait3A_768 = tpu.memref_squeeze %dma_wait3A_767 : memref<1x2x64xi32, #tpu.memory_space<hbm>> -> memref<2x64xi32, #tpu.memory_space<hbm>>
      tpu.wait_dma2 semaphore(%dma_wait3A_760 : memref<!tpu.dma_semaphore, #tpu.memory_space<semaphore_mem>>) src(%dma_wait3A_768 : memref<2x64xi32, #tpu.memory_space<hbm>>) dst(%dma_wait3A_764 : memref<2x64xi32, #tpu.memory_space<vmem>>)
      %dma_start3A_769 = arith.constant 0 : i32
      %dma_start3A_770 = arith.constant 0 : i32
      %dma_start3A_771 = arith.constant 0 : i32
      %dma_start3A_772 = tpu.memref_slice %arg9[%select_n3A_746, %dma_start3A_770, %dma_start3A_771] : memref<3x64x72xf32, #tpu.memory_space<vmem>> -> memref<1x64x72xf32, #tpu.memory_space<vmem>>
      %dma_start3A_773 = tpu.memref_squeeze %dma_start3A_772 : memref<1x64x72xf32, #tpu.memory_space<vmem>> -> memref<64x72xf32, #tpu.memory_space<vmem>>
      %dma_start3A_774 = arith.constant 0 : i32
      %dma_start3A_775 = tpu.memref_slice %arg8[%select_n3A_730, %dma_start3A_769, %dma_start3A_774] : memref<8x2x64xi32, #tpu.memory_space<vmem>> -> memref<1x1x64xi32, #tpu.memory_space<vmem>>
      %dma_start3A_776 = tpu.memref_squeeze %dma_start3A_775 : memref<1x1x64xi32, #tpu.memory_space<vmem>> -> memref<64xi32, #tpu.memory_space<vmem>>
      %dma_start3A_777 = arith.constant 0 : i32
      %dma_start3A_778 = arith.constant 0 : i32
      %dma_start3A_779 = tpu.memref_slice %arg2[%dma_start3A_777, %dma_start3A_778] : memref<50000x72xf32, #tpu.memory_space<hbm>> -> memref<50000x72xf32, #tpu.memory_space<hbm>>
      %dma_start3A_780 = tpu.memref_slice %arg11[%select_n3A_746] : memref<3x!tpu.dma_semaphore, #tpu.memory_space<semaphore_mem>> -> memref<1x!tpu.dma_semaphore, #tpu.memory_space<semaphore_mem>>
      %dma_start3A_781 = tpu.memref_squeeze %dma_start3A_780 : memref<1x!tpu.dma_semaphore, #tpu.memory_space<semaphore_mem>> -> memref<!tpu.dma_semaphore, #tpu.memory_space<semaphore_mem>>
      tpu.enqueue_indirect_dma source(%dma_start3A_779 : memref<50000x72xf32, #tpu.memory_space<hbm>>) target(%dma_start3A_773 : memref<64x72xf32, #tpu.memory_space<vmem>>) offsets(%dma_start3A_776 : memref<64xi32, #tpu.memory_space<vmem>>) semaphore(%dma_start3A_781 : memref<!tpu.dma_semaphore, #tpu.memory_space<semaphore_mem>>)
      %mul3A_782 = arith.constant 16 : i32
      %mul3A_783 = arith.muli %arg1, %mul3A_782 : i32
      %add3A_784 = arith.constant 25088 : i32
      %add3A_785 = arith.addi %add3A_784, %mul3A_783 : i32
      %iota3A = tpu.iota {dimensions = array<i32: 0>} : vector<16xi32>
      %add3A_786 = vector.broadcast %add3A_785 : i32 to vector<16xi32>
      %add3A_787 = arith.addi %add3A_786, %iota3A : vector<16xi32>
      %get3A = arith.constant 1 : i32
      %get3A_788 = arith.index_cast %select_n3A_730 : i32 to index
      %get3A_789 = arith.index_cast %get3A : i32 to index
      %get3A_790 = arith.constant 0 : index
      %get3A_791 = tpu.vector_load %arg8[%get3A_788, %get3A_789, %get3A_790] {strides = array<i32>} : memref<8x2x64xi32, #tpu.memory_space<vmem>>, vector<1x1x16xi32>,
      %get3A_792 = vector.shape_cast %get3A_791 : vector<1x1x16xi32> to vector<16xi32>
      %sub3A_793 = vector.broadcast %mul3A_0 : i32 to vector<16xi32>
      %sub3A_794 = arith.subi %get3A_792, %sub3A_793 : vector<16xi32>
      %ge3A_795 = arith.constant 0 : i32
      %ge3A_796 = vector.broadcast %ge3A_795 : i32 to vector<16xi32>
      %ge3A_797 = arith.cmpi sge, %sub3A_794, %ge3A_796 : vector<16xi32>
      %lt3A_798 = arith.constant 25088 : i32
      %lt3A_799 = vector.broadcast %lt3A_798 : i32 to vector<16xi32>
      %lt3A_800 = arith.cmpi slt, %sub3A_794, %lt3A_799 : vector<16xi32>
      %and3A_801 = arith.andi %ge3A_797, %lt3A_800 : vector<16xi1>
      %select_n3A_802 = arith.select %and3A_801, %sub3A_794, %add3A_787 : vector<16xi1>, vector<16xi32>
      %swap3A = arith.constant 1 : i32
      %swap3A_803 = arith.index_cast %select_n3A_730 : i32 to index
      %swap3A_804 = arith.index_cast %swap3A : i32 to index
      %swap3A_805 = arith.constant 0 : index
      %swap3A_806 = tpu.vector_load %arg8[%swap3A_803, %swap3A_804, %swap3A_805] {strides = array<i32>} : memref<8x2x64xi32, #tpu.memory_space<vmem>>, vector<1x1x16xi32>,
      %swap3A_807 = vector.shape_cast %swap3A_806 : vector<1x1x16xi32> to vector<16xi32>
      %swap3A_808 = vector.shape_cast %select_n3A_802 : vector<16xi32> to vector<1x1x16xi32>
      tpu.vector_store %arg8[%swap3A_803, %swap3A_804, %swap3A_805], %swap3A_808 {strides = array<i32>} : memref<8x2x64xi32, #tpu.memory_space<vmem>>, vector<1x1x16xi32>,
      %get3A_809 = arith.constant 1 : i32
      %get3A_810 = arith.index_cast %select_n3A_730 : i32 to index
      %get3A_811 = arith.index_cast %get3A_809 : i32 to index
      %get3A_812 = arith.constant 16 : index
      %get3A_813 = tpu.vector_load %arg8[%get3A_810, %get3A_811, %get3A_812] {strides = array<i32>} : memref<8x2x64xi32, #tpu.memory_space<vmem>>, vector<1x1x16xi32>,
      %get3A_814 = vector.shape_cast %get3A_813 : vector<1x1x16xi32> to vector<16xi32>
      %sub3A_815 = vector.broadcast %mul3A_0 : i32 to vector<16xi32>
      %sub3A_816 = arith.subi %get3A_814, %sub3A_815 : vector<16xi32>
      %ge3A_817 = arith.constant 0 : i32
      %ge3A_818 = vector.broadcast %ge3A_817 : i32 to vector<16xi32>
      %ge3A_819 = arith.cmpi sge, %sub3A_816, %ge3A_818 : vector<16xi32>
      %lt3A_820 = arith.constant 25088 : i32
      %lt3A_821 = vector.broadcast %lt3A_820 : i32 to vector<16xi32>
      %lt3A_822 = arith.cmpi slt, %sub3A_816, %lt3A_821 : vector<16xi32>
      %and3A_823 = arith.andi %ge3A_819, %lt3A_822 : vector<16xi1>
      %select_n3A_824 = arith.select %and3A_823, %sub3A_816, %add3A_787 : vector<16xi1>, vector<16xi32>
      %swap3A_825 = arith.constant 1 : i32
      %swap3A_826 = arith.index_cast %select_n3A_730 : i32 to index
      %swap3A_827 = arith.index_cast %swap3A_825 : i32 to index
      %swap3A_828 = arith.constant 16 : index
      %swap3A_829 = tpu.vector_load %arg8[%swap3A_826, %swap3A_827, %swap3A_828] {strides = array<i32>} : memref<8x2x64xi32, #tpu.memory_space<vmem>>, vector<1x1x16xi32>,
      %swap3A_830 = vector.shape_cast %swap3A_829 : vector<1x1x16xi32> to vector<16xi32>
      %swap3A_831 = vector.shape_cast %select_n3A_824 : vector<16xi32> to vector<1x1x16xi32>
      tpu.vector_store %arg8[%swap3A_826, %swap3A_827, %swap3A_828], %swap3A_831 {strides = array<i32>} : memref<8x2x64xi32, #tpu.memory_space<vmem>>, vector<1x1x16xi32>,
      %get3A_832 = arith.constant 1 : i32
      %get3A_833 = arith.index_cast %select_n3A_730 : i32 to index
      %get3A_834 = arith.index_cast %get3A_832 : i32 to index
      %get3A_835 = arith.constant 32 : index
      %get3A_836 = tpu.vector_load %arg8[%get3A_833, %get3A_834, %get3A_835] {strides = array<i32>} : memref<8x2x64xi32, #tpu.memory_space<vmem>>, vector<1x1x16xi32>,
      %get3A_837 = vector.shape_cast %get3A_836 : vector<1x1x16xi32> to vector<16xi32>
      %sub3A_838 = vector.broadcast %mul3A_0 : i32 to vector<16xi32>
      %sub3A_839 = arith.subi %get3A_837, %sub3A_838 : vector<16xi32>
      %ge3A_840 = arith.constant 0 : i32
      %ge3A_841 = vector.broadcast %ge3A_840 : i32 to vector<16xi32>
      %ge3A_842 = arith.cmpi sge, %sub3A_839, %ge3A_841 : vector<16xi32>
      %lt3A_843 = arith.constant 25088 : i32
      %lt3A_844 = vector.broadcast %lt3A_843 : i32 to vector<16xi32>
      %lt3A_845 = arith.cmpi slt, %sub3A_839, %lt3A_844 : vector<16xi32>
      %and3A_846 = arith.andi %ge3A_842, %lt3A_845 : vector<16xi1>
      %select_n3A_847 = arith.select %and3A_846, %sub3A_839, %add3A_787 : vector<16xi1>, vector<16xi32>
      %swap3A_848 = arith.constant 1 : i32
      %swap3A_849 = arith.index_cast %select_n3A_730 : i32 to index
      %swap3A_850 = arith.index_cast %swap3A_848 : i32 to index
      %swap3A_851 = arith.constant 32 : index
      %swap3A_852 = tpu.vector_load %arg8[%swap3A_849, %swap3A_850, %swap3A_851] {strides = array<i32>} : memref<8x2x64xi32, #tpu.memory_space<vmem>>, vector<1x1x16xi32>,
      %swap3A_853 = vector.shape_cast %swap3A_852 : vector<1x1x16xi32> to vector<16xi32>
      %swap3A_854 = vector.shape_cast %select_n3A_847 : vector<16xi32> to vector<1x1x16xi32>
      tpu.vector_store %arg8[%swap3A_849, %swap3A_850, %swap3A_851], %swap3A_854 {strides = array<i32>} : memref<8x2x64xi32, #tpu.memory_space<vmem>>, vector<1x1x16xi32>,
      %get3A_855 = arith.constant 1 : i32
      %get3A_856 = arith.index_cast %select_n3A_730 : i32 to index
      %get3A_857 = arith.index_cast %get3A_855 : i32 to index
      %get3A_858 = arith.constant 48 : index
      %get3A_859 = tpu.vector_load %arg8[%get3A_856, %get3A_857, %get3A_858] {strides = array<i32>} : memref<8x2x64xi32, #tpu.memory_space<vmem>>, vector<1x1x16xi32>,
      %get3A_860 = vector.shape_cast %get3A_859 : vector<1x1x16xi32> to vector<16xi32>
      %sub3A_861 = vector.broadcast %mul3A_0 : i32 to vector<16xi32>
      %sub3A_862 = arith.subi %get3A_860, %sub3A_861 : vector<16xi32>
      %ge3A_863 = arith.constant 0 : i32
      %ge3A_864 = vector.broadcast %ge3A_863 : i32 to vector<16xi32>
      %ge3A_865 = arith.cmpi sge, %sub3A_862, %ge3A_864 : vector<16xi32>
      %lt3A_866 = arith.constant 25088 : i32
      %lt3A_867 = vector.broadcast %lt3A_866 : i32 to vector<16xi32>
      %lt3A_868 = arith.cmpi slt, %sub3A_862, %lt3A_867 : vector<16xi32>
      %and3A_869 = arith.andi %ge3A_865, %lt3A_868 : vector<16xi1>
      %select_n3A_870 = arith.select %and3A_869, %sub3A_862, %add3A_787 : vector<16xi1>, vector<16xi32>
      %swap3A_871 = arith.constant 1 : i32
      %swap3A_872 = arith.index_cast %select_n3A_730 : i32 to index
      %swap3A_873 = arith.index_cast %swap3A_871 : i32 to index
      %swap3A_874 = arith.constant 48 : index
      %swap3A_875 = tpu.vector_load %arg8[%swap3A_872, %swap3A_873, %swap3A_874] {strides = array<i32>} : memref<8x2x64xi32, #tpu.memory_space<vmem>>, vector<1x1x16xi32>,
      %swap3A_876 = vector.shape_cast %swap3A_875 : vector<1x1x16xi32> to vector<16xi32>
      %swap3A_877 = vector.shape_cast %select_n3A_870 : vector<16xi32> to vector<1x1x16xi32>
      tpu.vector_store %arg8[%swap3A_872, %swap3A_873, %swap3A_874], %swap3A_877 {strides = array<i32>} : memref<8x2x64xi32, #tpu.memory_space<vmem>>, vector<1x1x16xi32>,
      %add3A_878 = arith.constant 2 : i32
      %add3A_879 = arith.addi %while3A_714, %add3A_878 : i32
      %lt3A_880 = arith.cmpi slt, %add3A_879, %select_n3A : i32
      %convert_element_type3A_881 = arith.extui %lt3A_880 : i1 to i32
      %cond3A_882 = arith.constant 0 : i32
      %cond3A_883 = arith.cmpi ne, %convert_element_type3A_881, %cond3A_882 : i32
      scf.if %cond3A_883 {
        %add3A_889 = arith.constant 2 : i32
        %add3A_890 = arith.addi %while3A_714, %add3A_889 : i32
        %jit3A_891 = arith.constant 8 : i32
        %eq3A_892 = arith.constant 0 : i32
        %eq3A_893 = arith.cmpi eq, %jit3A_891, %eq3A_892 : i32
        %jit3A_894 = arith.constant 1 : i32
        %select_n3A_895 = arith.select %eq3A_893, %jit3A_894, %jit3A_891 : i32
        %rem3A_896 = arith.remsi %add3A_890, %select_n3A_895 : i32
        %ne3A_897 = arith.constant 0 : i32
        %ne3A_898 = arith.cmpi ne, %rem3A_896, %ne3A_897 : i32
        %lt3A_899 = arith.constant 0 : i32
        %lt3A_900 = arith.cmpi slt, %rem3A_896, %lt3A_899 : i32
        %lt3A_901 = arith.constant 0 : i32
        %lt3A_902 = arith.cmpi slt, %select_n3A_895, %lt3A_901 : i32
        %ne3A_903 = arith.xori %lt3A_900, %lt3A_902 : i1
        %and3A_904 = arith.andi %ne3A_903, %ne3A_898 : i1
        %add3A_905 = arith.addi %rem3A_896, %select_n3A_895 : i32
        %select_n3A_906 = arith.select %and3A_904, %add3A_905, %rem3A_896 : i32
        %add3A_907 = arith.constant 2 : i32
        %add3A_908 = arith.addi %while3A_714, %add3A_907 : i32
        %mul3A_909 = arith.constant 16 : i32
        %mul3A_910 = arith.muli %mul3A_909, %add3A_908 : i32
        %add3A_911 = arith.addi %arg1, %mul3A_910 : i32
        %dma_start3A_912 = arith.constant 0 : i32
        %dma_start3A_913 = arith.constant 0 : i32
        %dma_start3A_914 = tpu.memref_slice %arg8[%select_n3A_906, %dma_start3A_912, %dma_start3A_913] : memref<8x2x64xi32, #tpu.memory_space<vmem>> -> memref<1x2x64xi32, #tpu.memory_space<vmem>>
        %dma_start3A_915 = tpu.memref_squeeze %dma_start3A_914 : memref<1x2x64xi32, #tpu.memory_space<vmem>> -> memref<2x64xi32, #tpu.memory_space<vmem>>
        %dma_start3A_916 = arith.constant 0 : i32
        %dma_start3A_917 = arith.constant 0 : i32
        %dma_start3A_918 = tpu.memref_slice %arg3[%add3A_911, %dma_start3A_916, %dma_start3A_917] : memref<12500x2x64xi32, #tpu.memory_space<hbm>> -> memref<1x2x64xi32, #tpu.memory_space<hbm>>
        %dma_start3A_919 = tpu.memref_squeeze %dma_start3A_918 : memref<1x2x64xi32, #tpu.memory_space<hbm>> -> memref<2x64xi32, #tpu.memory_space<hbm>>
        %dma_start3A_920 = tpu.memref_slice %arg13[%select_n3A_906] : memref<8x!tpu.dma_semaphore, #tpu.memory_space<semaphore_mem>> -> memref<1x!tpu.dma_semaphore, #tpu.memory_space<semaphore_mem>>
        %dma_start3A_921 = tpu.memref_squeeze %dma_start3A_920 : memref<1x!tpu.dma_semaphore, #tpu.memory_space<semaphore_mem>> -> memref<!tpu.dma_semaphore, #tpu.memory_space<semaphore_mem>>
        %dma_start3A_922 = arith.constant 0 : i32
        %dma_start3A_923 = arith.constant 0 : i32
        %dma_start3A_924 = tpu.memref_slice %arg8[%select_n3A_906, %dma_start3A_922, %dma_start3A_923] : memref<8x2x64xi32, #tpu.memory_space<vmem>> -> memref<1x2x64xi32, #tpu.memory_space<vmem>>
        %dma_start3A_925 = tpu.memref_squeeze %dma_start3A_924 : memref<1x2x64xi32, #tpu.memory_space<vmem>> -> memref<2x64xi32, #tpu.memory_space<vmem>>
        %dma_start3A_926 = arith.constant 0 : i32
        %dma_start3A_927 = arith.constant 0 : i32
        %dma_start3A_928 = tpu.memref_slice %arg3[%add3A_911, %dma_start3A_926, %dma_start3A_927] : memref<12500x2x64xi32, #tpu.memory_space<hbm>> -> memref<1x2x64xi32, #tpu.memory_space<hbm>>
        %dma_start3A_929 = tpu.memref_squeeze %dma_start3A_928 : memref<1x2x64xi32, #tpu.memory_space<hbm>> -> memref<2x64xi32, #tpu.memory_space<hbm>>
        tpu.enqueue_dma source(%dma_start3A_929 : memref<2x64xi32, #tpu.memory_space<hbm>>) target(%dma_start3A_925 : memref<2x64xi32, #tpu.memory_space<vmem>>) target_semaphore(%dma_start3A_921 : memref<!tpu.dma_semaphore, #tpu.memory_space<semaphore_mem>>)
      } else {
      }
      %ge3A_884 = arith.constant 2 : i32
      %ge3A_885 = arith.cmpi sge, %while3A_714, %ge3A_884 : i32
      %convert_element_type3A_886 = arith.extui %ge3A_885 : i1 to i32
      %cond3A_887 = arith.constant 0 : i32
      %cond3A_888 = arith.cmpi ne, %convert_element_type3A_886, %cond3A_887 : i32
      scf.if %cond3A_888 {
        %sub3A_889 = arith.constant 2 : i32
        %sub3A_890 = arith.subi %while3A_714, %sub3A_889 : i32
        %jit3A_891 = arith.constant 3 : i32
        %eq3A_892 = arith.constant 0 : i32
        %eq3A_893 = arith.cmpi eq, %jit3A_891, %eq3A_892 : i32
        %jit3A_894 = arith.constant 1 : i32
        %select_n3A_895 = arith.select %eq3A_893, %jit3A_894, %jit3A_891 : i32
        %rem3A_896 = arith.remsi %sub3A_890, %select_n3A_895 : i32
        %ne3A_897 = arith.constant 0 : i32
        %ne3A_898 = arith.cmpi ne, %rem3A_896, %ne3A_897 : i32
        %lt3A_899 = arith.constant 0 : i32
        %lt3A_900 = arith.cmpi slt, %rem3A_896, %lt3A_899 : i32
        %lt3A_901 = arith.constant 0 : i32
        %lt3A_902 = arith.cmpi slt, %select_n3A_895, %lt3A_901 : i32
        %ne3A_903 = arith.xori %lt3A_900, %lt3A_902 : i1
        %and3A_904 = arith.andi %ne3A_903, %ne3A_898 : i1
        %add3A_905 = arith.addi %rem3A_896, %select_n3A_895 : i32
        %select_n3A_906 = arith.select %and3A_904, %add3A_905, %rem3A_896 : i32
        %sub3A_907 = arith.constant 2 : i32
        %sub3A_908 = arith.subi %while3A_714, %sub3A_907 : i32
        %jit3A_909 = arith.constant 8 : i32
        %eq3A_910 = arith.constant 0 : i32
        %eq3A_911 = arith.cmpi eq, %jit3A_909, %eq3A_910 : i32
        %jit3A_912 = arith.constant 1 : i32
        %select_n3A_913 = arith.select %eq3A_911, %jit3A_912, %jit3A_909 : i32
        %rem3A_914 = arith.remsi %sub3A_908, %select_n3A_913 : i32
        %ne3A_915 = arith.constant 0 : i32
        %ne3A_916 = arith.cmpi ne, %rem3A_914, %ne3A_915 : i32
        %lt3A_917 = arith.constant 0 : i32
        %lt3A_918 = arith.cmpi slt, %rem3A_914, %lt3A_917 : i32
        %lt3A_919 = arith.constant 0 : i32
        %lt3A_920 = arith.cmpi slt, %select_n3A_913, %lt3A_919 : i32
        %ne3A_921 = arith.xori %lt3A_918, %lt3A_920 : i1
        %and3A_922 = arith.andi %ne3A_921, %ne3A_916 : i1
        %add3A_923 = arith.addi %rem3A_914, %select_n3A_913 : i32
        %select_n3A_924 = arith.select %and3A_922, %add3A_923, %rem3A_914 : i32
        %dma_wait3A_925 = arith.constant 0 : i32
        %dma_wait3A_926 = arith.constant 0 : i32
        %dma_wait3A_927 = arith.constant 0 : i32
        %dma_wait3A_928 = tpu.memref_slice %arg9[%dma_wait3A_925, %dma_wait3A_926, %dma_wait3A_927] : memref<3x64x72xf32, #tpu.memory_space<vmem>> -> memref<1x64x72xf32, #tpu.memory_space<vmem>>
        %dma_wait3A_929 = tpu.memref_squeeze %dma_wait3A_928 : memref<1x64x72xf32, #tpu.memory_space<vmem>> -> memref<64x72xf32, #tpu.memory_space<vmem>>
        %dma_wait3A_930 = arith.constant 0 : i32
        %dma_wait3A_931 = arith.constant 0 : i32
        %dma_wait3A_932 = tpu.memref_slice %arg5[%dma_wait3A_930, %dma_wait3A_931] : memref<1568x72xf32, #tpu.memory_space<hbm>> -> memref<64x72xf32, #tpu.memory_space<hbm>>
        %dma_wait3A_933 = tpu.memref_slice %arg11[%select_n3A_906] : memref<3x!tpu.dma_semaphore, #tpu.memory_space<semaphore_mem>> -> memref<1x!tpu.dma_semaphore, #tpu.memory_space<semaphore_mem>>
        %dma_wait3A_934 = tpu.memref_squeeze %dma_wait3A_933 : memref<1x!tpu.dma_semaphore, #tpu.memory_space<semaphore_mem>> -> memref<!tpu.dma_semaphore, #tpu.memory_space<semaphore_mem>>
        %dma_wait3A_935 = arith.constant 0 : i32
        %dma_wait3A_936 = arith.constant 0 : i32
        %dma_wait3A_937 = tpu.memref_slice %arg9[%dma_wait3A_925, %dma_wait3A_935, %dma_wait3A_936] : memref<3x64x72xf32, #tpu.memory_space<vmem>> -> memref<1x64x72xf32, #tpu.memory_space<vmem>>
        %dma_wait3A_938 = tpu.memref_squeeze %dma_wait3A_937 : memref<1x64x72xf32, #tpu.memory_space<vmem>> -> memref<64x72xf32, #tpu.memory_space<vmem>>
        %dma_wait3A_939 = arith.constant 0 : i32
        %dma_wait3A_940 = arith.constant 0 : i32
        %dma_wait3A_941 = tpu.memref_slice %arg5[%dma_wait3A_939, %dma_wait3A_940] : memref<1568x72xf32, #tpu.memory_space<hbm>> -> memref<64x72xf32, #tpu.memory_space<hbm>>
        tpu.wait_dma2 semaphore(%dma_wait3A_934 : memref<!tpu.dma_semaphore, #tpu.memory_space<semaphore_mem>>) src(%dma_wait3A_941 : memref<64x72xf32, #tpu.memory_space<hbm>>) dst(%dma_wait3A_938 : memref<64x72xf32, #tpu.memory_space<vmem>>)
        %dma_start3A_942 = arith.constant 1 : i32
        %dma_start3A_943 = arith.constant 0 : i32
        %dma_start3A_944 = arith.constant 0 : i32
        %dma_start3A_945 = tpu.memref_slice %arg9[%select_n3A_906, %dma_start3A_943, %dma_start3A_944] : memref<3x64x72xf32, #tpu.memory_space<vmem>> -> memref<1x64x72xf32, #tpu.memory_space<vmem>>
        %dma_start3A_946 = tpu.memref_squeeze %dma_start3A_945 : memref<1x64x72xf32, #tpu.memory_space<vmem>> -> memref<64x72xf32, #tpu.memory_space<vmem>>
        %dma_start3A_947 = arith.constant 0 : i32
        %dma_start3A_948 = tpu.memref_slice %arg8[%select_n3A_924, %dma_start3A_942, %dma_start3A_947] : memref<8x2x64xi32, #tpu.memory_space<vmem>> -> memref<1x1x64xi32, #tpu.memory_space<vmem>>
        %dma_start3A_949 = tpu.memref_squeeze %dma_start3A_948 : memref<1x1x64xi32, #tpu.memory_space<vmem>> -> memref<64xi32, #tpu.memory_space<vmem>>
        %dma_start3A_950 = arith.constant 0 : i32
        %dma_start3A_951 = arith.constant 0 : i32
        %dma_start3A_952 = tpu.memref_slice %arg10[%dma_start3A_950, %dma_start3A_951] : memref<25344x72xf32, #tpu.memory_space<vmem_shared>> -> memref<25344x72xf32, #tpu.memory_space<vmem_shared>>
        %dma_start3A_953 = tpu.memref_slice %arg12[%select_n3A_906] : memref<3x!tpu.dma_semaphore, #tpu.memory_space<semaphore_mem>> -> memref<1x!tpu.dma_semaphore, #tpu.memory_space<semaphore_mem>>
        %dma_start3A_954 = tpu.memref_squeeze %dma_start3A_953 : memref<1x!tpu.dma_semaphore, #tpu.memory_space<semaphore_mem>> -> memref<!tpu.dma_semaphore, #tpu.memory_space<semaphore_mem>>
        tpu.enqueue_indirect_dma source(%dma_start3A_946 : memref<64x72xf32, #tpu.memory_space<vmem>>) target(%dma_start3A_952 : memref<25344x72xf32, #tpu.memory_space<vmem_shared>>) offsets(%dma_start3A_949 : memref<64xi32, #tpu.memory_space<vmem>>) semaphore(%dma_start3A_954 : memref<!tpu.dma_semaphore, #tpu.memory_space<semaphore_mem>>) {add = true}
      } else {
      }
    }
    %while3A_55 = arith.constant 1 : i32
    scf.for %while3A_714 = %while3A_53 to %while3A_49 step %while3A_55  : i32 {
      %jit3A_715 = arith.constant 8 : i32
      %eq3A_716 = arith.constant 0 : i32
      %eq3A_717 = arith.cmpi eq, %jit3A_715, %eq3A_716 : i32
      %jit3A_718 = arith.constant 1 : i32
      %select_n3A_719 = arith.select %eq3A_717, %jit3A_718, %jit3A_715 : i32
      %rem3A_720 = arith.remsi %while3A_714, %select_n3A_719 : i32
      %ne3A_721 = arith.constant 0 : i32
      %ne3A_722 = arith.cmpi ne, %rem3A_720, %ne3A_721 : i32
      %lt3A_723 = arith.constant 0 : i32
      %lt3A_724 = arith.cmpi slt, %rem3A_720, %lt3A_723 : i32
      %lt3A_725 = arith.constant 0 : i32
      %lt3A_726 = arith.cmpi slt, %select_n3A_719, %lt3A_725 : i32
      %ne3A_727 = arith.xori %lt3A_724, %lt3A_726 : i1
      %and3A_728 = arith.andi %ne3A_727, %ne3A_722 : i1
      %add3A_729 = arith.addi %rem3A_720, %select_n3A_719 : i32
      %select_n3A_730 = arith.select %and3A_728, %add3A_729, %rem3A_720 : i32
      %jit3A_731 = arith.constant 3 : i32
      %eq3A_732 = arith.constant 0 : i32
      %eq3A_733 = arith.cmpi eq, %jit3A_731, %eq3A_732 : i32
      %jit3A_734 = arith.constant 1 : i32
      %select_n3A_735 = arith.select %eq3A_733, %jit3A_734, %jit3A_731 : i32
      %rem3A_736 = arith.remsi %while3A_714, %select_n3A_735 : i32
      %ne3A_737 = arith.constant 0 : i32
      %ne3A_738 = arith.cmpi ne, %rem3A_736, %ne3A_737 : i32
      %lt3A_739 = arith.constant 0 : i32
      %lt3A_740 = arith.cmpi slt, %rem3A_736, %lt3A_739 : i32
      %lt3A_741 = arith.constant 0 : i32
      %lt3A_742 = arith.cmpi slt, %select_n3A_735, %lt3A_741 : i32
      %ne3A_743 = arith.xori %lt3A_740, %lt3A_742 : i1
      %and3A_744 = arith.andi %ne3A_743, %ne3A_738 : i1
      %add3A_745 = arith.addi %rem3A_736, %select_n3A_735 : i32
      %select_n3A_746 = arith.select %and3A_744, %add3A_745, %rem3A_736 : i32
      %ge3A = arith.constant 3 : i32
      %ge3A_747 = arith.cmpi sge, %while3A_714, %ge3A : i32
      %convert_element_type3A = arith.extui %ge3A_747 : i1 to i32
      %cond3A = arith.constant 0 : i32
      %cond3A_748 = arith.cmpi ne, %convert_element_type3A, %cond3A : i32
      scf.if %cond3A_748 {
        %dma_wait3A_889 = arith.constant 0 : i32
        %dma_wait3A_890 = arith.constant 0 : i32
        %dma_wait3A_891 = arith.constant 0 : i32
        %dma_wait3A_892 = tpu.memref_slice %arg9[%dma_wait3A_889, %dma_wait3A_890, %dma_wait3A_891] : memref<3x64x72xf32, #tpu.memory_space<vmem>> -> memref<1x64x72xf32, #tpu.memory_space<vmem>>
        %dma_wait3A_893 = tpu.memref_squeeze %dma_wait3A_892 : memref<1x64x72xf32, #tpu.memory_space<vmem>> -> memref<64x72xf32, #tpu.memory_space<vmem>>
        %dma_wait3A_894 = arith.constant 0 : i32
        %dma_wait3A_895 = arith.constant 0 : i32
        %dma_wait3A_896 = tpu.memref_slice %arg5[%dma_wait3A_894, %dma_wait3A_895] : memref<1568x72xf32, #tpu.memory_space<hbm>> -> memref<64x72xf32, #tpu.memory_space<hbm>>
        %dma_wait3A_897 = tpu.memref_slice %arg12[%select_n3A_746] : memref<3x!tpu.dma_semaphore, #tpu.memory_space<semaphore_mem>> -> memref<1x!tpu.dma_semaphore, #tpu.memory_space<semaphore_mem>>
        %dma_wait3A_898 = tpu.memref_squeeze %dma_wait3A_897 : memref<1x!tpu.dma_semaphore, #tpu.memory_space<semaphore_mem>> -> memref<!tpu.dma_semaphore, #tpu.memory_space<semaphore_mem>>
        %dma_wait3A_899 = arith.constant 0 : i32
        %dma_wait3A_900 = arith.constant 0 : i32
        %dma_wait3A_901 = tpu.memref_slice %arg9[%dma_wait3A_889, %dma_wait3A_899, %dma_wait3A_900] : memref<3x64x72xf32, #tpu.memory_space<vmem>> -> memref<1x64x72xf32, #tpu.memory_space<vmem>>
        %dma_wait3A_902 = tpu.memref_squeeze %dma_wait3A_901 : memref<1x64x72xf32, #tpu.memory_space<vmem>> -> memref<64x72xf32, #tpu.memory_space<vmem>>
        %dma_wait3A_903 = arith.constant 0 : i32
        %dma_wait3A_904 = arith.constant 0 : i32
        %dma_wait3A_905 = tpu.memref_slice %arg5[%dma_wait3A_903, %dma_wait3A_904] : memref<1568x72xf32, #tpu.memory_space<hbm>> -> memref<64x72xf32, #tpu.memory_space<hbm>>
        tpu.wait_dma2 semaphore(%dma_wait3A_898 : memref<!tpu.dma_semaphore, #tpu.memory_space<semaphore_mem>>) src(%dma_wait3A_905 : memref<64x72xf32, #tpu.memory_space<hbm>>) dst(%dma_wait3A_902 : memref<64x72xf32, #tpu.memory_space<vmem>>)
      } else {
      }
      %dma_wait3A_749 = arith.constant 0 : i32
      %dma_wait3A_750 = arith.constant 0 : i32
      %dma_wait3A_751 = arith.constant 0 : i32
      %dma_wait3A_752 = arith.constant 0 : i32
      %dma_wait3A_753 = tpu.memref_slice %arg8[%dma_wait3A_750, %dma_wait3A_751, %dma_wait3A_752] : memref<8x2x64xi32, #tpu.memory_space<vmem>> -> memref<1x2x64xi32, #tpu.memory_space<vmem>>
      %dma_wait3A_754 = tpu.memref_squeeze %dma_wait3A_753 : memref<1x2x64xi32, #tpu.memory_space<vmem>> -> memref<2x64xi32, #tpu.memory_space<vmem>>
      %dma_wait3A_755 = arith.constant 0 : i32
      %dma_wait3A_756 = arith.constant 0 : i32
      %dma_wait3A_757 = tpu.memref_slice %arg3[%dma_wait3A_749, %dma_wait3A_755, %dma_wait3A_756] : memref<12500x2x64xi32, #tpu.memory_space<hbm>> -> memref<1x2x64xi32, #tpu.memory_space<hbm>>
      %dma_wait3A_758 = tpu.memref_squeeze %dma_wait3A_757 : memref<1x2x64xi32, #tpu.memory_space<hbm>> -> memref<2x64xi32, #tpu.memory_space<hbm>>
      %dma_wait3A_759 = tpu.memref_slice %arg13[%select_n3A_730] : memref<8x!tpu.dma_semaphore, #tpu.memory_space<semaphore_mem>> -> memref<1x!tpu.dma_semaphore, #tpu.memory_space<semaphore_mem>>
      %dma_wait3A_760 = tpu.memref_squeeze %dma_wait3A_759 : memref<1x!tpu.dma_semaphore, #tpu.memory_space<semaphore_mem>> -> memref<!tpu.dma_semaphore, #tpu.memory_space<semaphore_mem>>
      %dma_wait3A_761 = arith.constant 0 : i32
      %dma_wait3A_762 = arith.constant 0 : i32
      %dma_wait3A_763 = tpu.memref_slice %arg8[%dma_wait3A_750, %dma_wait3A_761, %dma_wait3A_762] : memref<8x2x64xi32, #tpu.memory_space<vmem>> -> memref<1x2x64xi32, #tpu.memory_space<vmem>>
      %dma_wait3A_764 = tpu.memref_squeeze %dma_wait3A_763 : memref<1x2x64xi32, #tpu.memory_space<vmem>> -> memref<2x64xi32, #tpu.memory_space<vmem>>
      %dma_wait3A_765 = arith.constant 0 : i32
      %dma_wait3A_766 = arith.constant 0 : i32
      %dma_wait3A_767 = tpu.memref_slice %arg3[%dma_wait3A_749, %dma_wait3A_765, %dma_wait3A_766] : memref<12500x2x64xi32, #tpu.memory_space<hbm>> -> memref<1x2x64xi32, #tpu.memory_space<hbm>>
      %dma_wait3A_768 = tpu.memref_squeeze %dma_wait3A_767 : memref<1x2x64xi32, #tpu.memory_space<hbm>> -> memref<2x64xi32, #tpu.memory_space<hbm>>
      tpu.wait_dma2 semaphore(%dma_wait3A_760 : memref<!tpu.dma_semaphore, #tpu.memory_space<semaphore_mem>>) src(%dma_wait3A_768 : memref<2x64xi32, #tpu.memory_space<hbm>>) dst(%dma_wait3A_764 : memref<2x64xi32, #tpu.memory_space<vmem>>)
      %dma_start3A_769 = arith.constant 0 : i32
      %dma_start3A_770 = arith.constant 0 : i32
      %dma_start3A_771 = arith.constant 0 : i32
      %dma_start3A_772 = tpu.memref_slice %arg9[%select_n3A_746, %dma_start3A_770, %dma_start3A_771] : memref<3x64x72xf32, #tpu.memory_space<vmem>> -> memref<1x64x72xf32, #tpu.memory_space<vmem>>
      %dma_start3A_773 = tpu.memref_squeeze %dma_start3A_772 : memref<1x64x72xf32, #tpu.memory_space<vmem>> -> memref<64x72xf32, #tpu.memory_space<vmem>>
      %dma_start3A_774 = arith.constant 0 : i32
      %dma_start3A_775 = tpu.memref_slice %arg8[%select_n3A_730, %dma_start3A_769, %dma_start3A_774] : memref<8x2x64xi32, #tpu.memory_space<vmem>> -> memref<1x1x64xi32, #tpu.memory_space<vmem>>
      %dma_start3A_776 = tpu.memref_squeeze %dma_start3A_775 : memref<1x1x64xi32, #tpu.memory_space<vmem>> -> memref<64xi32, #tpu.memory_space<vmem>>
      %dma_start3A_777 = arith.constant 0 : i32
      %dma_start3A_778 = arith.constant 0 : i32
      %dma_start3A_779 = tpu.memref_slice %arg2[%dma_start3A_777, %dma_start3A_778] : memref<50000x72xf32, #tpu.memory_space<hbm>> -> memref<50000x72xf32, #tpu.memory_space<hbm>>
      %dma_start3A_780 = tpu.memref_slice %arg11[%select_n3A_746] : memref<3x!tpu.dma_semaphore, #tpu.memory_space<semaphore_mem>> -> memref<1x!tpu.dma_semaphore, #tpu.memory_space<semaphore_mem>>
      %dma_start3A_781 = tpu.memref_squeeze %dma_start3A_780 : memref<1x!tpu.dma_semaphore, #tpu.memory_space<semaphore_mem>> -> memref<!tpu.dma_semaphore, #tpu.memory_space<semaphore_mem>>
      tpu.enqueue_indirect_dma source(%dma_start3A_779 : memref<50000x72xf32, #tpu.memory_space<hbm>>) target(%dma_start3A_773 : memref<64x72xf32, #tpu.memory_space<vmem>>) offsets(%dma_start3A_776 : memref<64xi32, #tpu.memory_space<vmem>>) semaphore(%dma_start3A_781 : memref<!tpu.dma_semaphore, #tpu.memory_space<semaphore_mem>>)
      %mul3A_782 = arith.constant 16 : i32
      %mul3A_783 = arith.muli %arg1, %mul3A_782 : i32
      %add3A_784 = arith.constant 25088 : i32
      %add3A_785 = arith.addi %add3A_784, %mul3A_783 : i32
      %iota3A = tpu.iota {dimensions = array<i32: 0>} : vector<16xi32>
      %add3A_786 = vector.broadcast %add3A_785 : i32 to vector<16xi32>
      %add3A_787 = arith.addi %add3A_786, %iota3A : vector<16xi32>
      %get3A = arith.constant 1 : i32
      %get3A_788 = arith.index_cast %select_n3A_730 : i32 to index
      %get3A_789 = arith.index_cast %get3A : i32 to index
      %get3A_790 = arith.constant 0 : index
      %get3A_791 = tpu.vector_load %arg8[%get3A_788, %get3A_789, %get3A_790] {strides = array<i32>} : memref<8x2x64xi32, #tpu.memory_space<vmem>>, vector<1x1x16xi32>,
      %get3A_792 = vector.shape_cast %get3A_791 : vector<1x1x16xi32> to vector<16xi32>
      %sub3A_793 = vector.broadcast %mul3A_0 : i32 to vector<16xi32>
      %sub3A_794 = arith.subi %get3A_792, %sub3A_793 : vector<16xi32>
      %ge3A_795 = arith.constant 0 : i32
      %ge3A_796 = vector.broadcast %ge3A_795 : i32 to vector<16xi32>
      %ge3A_797 = arith.cmpi sge, %sub3A_794, %ge3A_796 : vector<16xi32>
      %lt3A_798 = arith.constant 25088 : i32
      %lt3A_799 = vector.broadcast %lt3A_798 : i32 to vector<16xi32>
      %lt3A_800 = arith.cmpi slt, %sub3A_794, %lt3A_799 : vector<16xi32>
      %and3A_801 = arith.andi %ge3A_797, %lt3A_800 : vector<16xi1>
      %select_n3A_802 = arith.select %and3A_801, %sub3A_794, %add3A_787 : vector<16xi1>, vector<16xi32>
      %swap3A = arith.constant 1 : i32
      %swap3A_803 = arith.index_cast %select_n3A_730 : i32 to index
      %swap3A_804 = arith.index_cast %swap3A : i32 to index
      %swap3A_805 = arith.constant 0 : index
      %swap3A_806 = tpu.vector_load %arg8[%swap3A_803, %swap3A_804, %swap3A_805] {strides = array<i32>} : memref<8x2x64xi32, #tpu.memory_space<vmem>>, vector<1x1x16xi32>,
      %swap3A_807 = vector.shape_cast %swap3A_806 : vector<1x1x16xi32> to vector<16xi32>
      %swap3A_808 = vector.shape_cast %select_n3A_802 : vector<16xi32> to vector<1x1x16xi32>
      tpu.vector_store %arg8[%swap3A_803, %swap3A_804, %swap3A_805], %swap3A_808 {strides = array<i32>} : memref<8x2x64xi32, #tpu.memory_space<vmem>>, vector<1x1x16xi32>,
      %get3A_809 = arith.constant 1 : i32
      %get3A_810 = arith.index_cast %select_n3A_730 : i32 to index
      %get3A_811 = arith.index_cast %get3A_809 : i32 to index
      %get3A_812 = arith.constant 16 : index
      %get3A_813 = tpu.vector_load %arg8[%get3A_810, %get3A_811, %get3A_812] {strides = array<i32>} : memref<8x2x64xi32, #tpu.memory_space<vmem>>, vector<1x1x16xi32>,
      %get3A_814 = vector.shape_cast %get3A_813 : vector<1x1x16xi32> to vector<16xi32>
      %sub3A_815 = vector.broadcast %mul3A_0 : i32 to vector<16xi32>
      %sub3A_816 = arith.subi %get3A_814, %sub3A_815 : vector<16xi32>
      %ge3A_817 = arith.constant 0 : i32
      %ge3A_818 = vector.broadcast %ge3A_817 : i32 to vector<16xi32>
      %ge3A_819 = arith.cmpi sge, %sub3A_816, %ge3A_818 : vector<16xi32>
      %lt3A_820 = arith.constant 25088 : i32
      %lt3A_821 = vector.broadcast %lt3A_820 : i32 to vector<16xi32>
      %lt3A_822 = arith.cmpi slt, %sub3A_816, %lt3A_821 : vector<16xi32>
      %and3A_823 = arith.andi %ge3A_819, %lt3A_822 : vector<16xi1>
      %select_n3A_824 = arith.select %and3A_823, %sub3A_816, %add3A_787 : vector<16xi1>, vector<16xi32>
      %swap3A_825 = arith.constant 1 : i32
      %swap3A_826 = arith.index_cast %select_n3A_730 : i32 to index
      %swap3A_827 = arith.index_cast %swap3A_825 : i32 to index
      %swap3A_828 = arith.constant 16 : index
      %swap3A_829 = tpu.vector_load %arg8[%swap3A_826, %swap3A_827, %swap3A_828] {strides = array<i32>} : memref<8x2x64xi32, #tpu.memory_space<vmem>>, vector<1x1x16xi32>,
      %swap3A_830 = vector.shape_cast %swap3A_829 : vector<1x1x16xi32> to vector<16xi32>
      %swap3A_831 = vector.shape_cast %select_n3A_824 : vector<16xi32> to vector<1x1x16xi32>
      tpu.vector_store %arg8[%swap3A_826, %swap3A_827, %swap3A_828], %swap3A_831 {strides = array<i32>} : memref<8x2x64xi32, #tpu.memory_space<vmem>>, vector<1x1x16xi32>,
      %get3A_832 = arith.constant 1 : i32
      %get3A_833 = arith.index_cast %select_n3A_730 : i32 to index
      %get3A_834 = arith.index_cast %get3A_832 : i32 to index
      %get3A_835 = arith.constant 32 : index
      %get3A_836 = tpu.vector_load %arg8[%get3A_833, %get3A_834, %get3A_835] {strides = array<i32>} : memref<8x2x64xi32, #tpu.memory_space<vmem>>, vector<1x1x16xi32>,
      %get3A_837 = vector.shape_cast %get3A_836 : vector<1x1x16xi32> to vector<16xi32>
      %sub3A_838 = vector.broadcast %mul3A_0 : i32 to vector<16xi32>
      %sub3A_839 = arith.subi %get3A_837, %sub3A_838 : vector<16xi32>
      %ge3A_840 = arith.constant 0 : i32
      %ge3A_841 = vector.broadcast %ge3A_840 : i32 to vector<16xi32>
      %ge3A_842 = arith.cmpi sge, %sub3A_839, %ge3A_841 : vector<16xi32>
      %lt3A_843 = arith.constant 25088 : i32
      %lt3A_844 = vector.broadcast %lt3A_843 : i32 to vector<16xi32>
      %lt3A_845 = arith.cmpi slt, %sub3A_839, %lt3A_844 : vector<16xi32>
      %and3A_846 = arith.andi %ge3A_842, %lt3A_845 : vector<16xi1>
      %select_n3A_847 = arith.select %and3A_846, %sub3A_839, %add3A_787 : vector<16xi1>, vector<16xi32>
      %swap3A_848 = arith.constant 1 : i32
      %swap3A_849 = arith.index_cast %select_n3A_730 : i32 to index
      %swap3A_850 = arith.index_cast %swap3A_848 : i32 to index
      %swap3A_851 = arith.constant 32 : index
      %swap3A_852 = tpu.vector_load %arg8[%swap3A_849, %swap3A_850, %swap3A_851] {strides = array<i32>} : memref<8x2x64xi32, #tpu.memory_space<vmem>>, vector<1x1x16xi32>,
      %swap3A_853 = vector.shape_cast %swap3A_852 : vector<1x1x16xi32> to vector<16xi32>
      %swap3A_854 = vector.shape_cast %select_n3A_847 : vector<16xi32> to vector<1x1x16xi32>
      tpu.vector_store %arg8[%swap3A_849, %swap3A_850, %swap3A_851], %swap3A_854 {strides = array<i32>} : memref<8x2x64xi32, #tpu.memory_space<vmem>>, vector<1x1x16xi32>,
      %get3A_855 = arith.constant 1 : i32
      %get3A_856 = arith.index_cast %select_n3A_730 : i32 to index
      %get3A_857 = arith.index_cast %get3A_855 : i32 to index
      %get3A_858 = arith.constant 48 : index
      %get3A_859 = tpu.vector_load %arg8[%get3A_856, %get3A_857, %get3A_858] {strides = array<i32>} : memref<8x2x64xi32, #tpu.memory_space<vmem>>, vector<1x1x16xi32>,
      %get3A_860 = vector.shape_cast %get3A_859 : vector<1x1x16xi32> to vector<16xi32>
      %sub3A_861 = vector.broadcast %mul3A_0 : i32 to vector<16xi32>
      %sub3A_862 = arith.subi %get3A_860, %sub3A_861 : vector<16xi32>
      %ge3A_863 = arith.constant 0 : i32
      %ge3A_864 = vector.broadcast %ge3A_863 : i32 to vector<16xi32>
      %ge3A_865 = arith.cmpi sge, %sub3A_862, %ge3A_864 : vector<16xi32>
      %lt3A_866 = arith.constant 25088 : i32
      %lt3A_867 = vector.broadcast %lt3A_866 : i32 to vector<16xi32>
      %lt3A_868 = arith.cmpi slt, %sub3A_862, %lt3A_867 : vector<16xi32>
      %and3A_869 = arith.andi %ge3A_865, %lt3A_868 : vector<16xi1>
      %select_n3A_870 = arith.select %and3A_869, %sub3A_862, %add3A_787 : vector<16xi1>, vector<16xi32>
      %swap3A_871 = arith.constant 1 : i32
      %swap3A_872 = arith.index_cast %select_n3A_730 : i32 to index
      %swap3A_873 = arith.index_cast %swap3A_871 : i32 to index
      %swap3A_874 = arith.constant 48 : index
      %swap3A_875 = tpu.vector_load %arg8[%swap3A_872, %swap3A_873, %swap3A_874] {strides = array<i32>} : memref<8x2x64xi32, #tpu.memory_space<vmem>>, vector<1x1x16xi32>,
      %swap3A_876 = vector.shape_cast %swap3A_875 : vector<1x1x16xi32> to vector<16xi32>
      %swap3A_877 = vector.shape_cast %select_n3A_870 : vector<16xi32> to vector<1x1x16xi32>
      tpu.vector_store %arg8[%swap3A_872, %swap3A_873, %swap3A_874], %swap3A_877 {strides = array<i32>} : memref<8x2x64xi32, #tpu.memory_space<vmem>>, vector<1x1x16xi32>,
      %add3A_878 = arith.constant 2 : i32
      %add3A_879 = arith.addi %while3A_714, %add3A_878 : i32
      %lt3A_880 = arith.cmpi slt, %add3A_879, %select_n3A : i32
      %convert_element_type3A_881 = arith.extui %lt3A_880 : i1 to i32
      %cond3A_882 = arith.constant 0 : i32
      %cond3A_883 = arith.cmpi ne, %convert_element_type3A_881, %cond3A_882 : i32
      scf.if %cond3A_883 {
        %add3A_889 = arith.constant 2 : i32
        %add3A_890 = arith.addi %while3A_714, %add3A_889 : i32
        %jit3A_891 = arith.constant 8 : i32
        %eq3A_892 = arith.constant 0 : i32
        %eq3A_893 = arith.cmpi eq, %jit3A_891, %eq3A_892 : i32
        %jit3A_894 = arith.constant 1 : i32
        %select_n3A_895 = arith.select %eq3A_893, %jit3A_894, %jit3A_891 : i32
        %rem3A_896 = arith.remsi %add3A_890, %select_n3A_895 : i32
        %ne3A_897 = arith.constant 0 : i32
        %ne3A_898 = arith.cmpi ne, %rem3A_896, %ne3A_897 : i32
        %lt3A_899 = arith.constant 0 : i32
        %lt3A_900 = arith.cmpi slt, %rem3A_896, %lt3A_899 : i32
        %lt3A_901 = arith.constant 0 : i32
        %lt3A_902 = arith.cmpi slt, %select_n3A_895, %lt3A_901 : i32
        %ne3A_903 = arith.xori %lt3A_900, %lt3A_902 : i1
        %and3A_904 = arith.andi %ne3A_903, %ne3A_898 : i1
        %add3A_905 = arith.addi %rem3A_896, %select_n3A_895 : i32
        %select_n3A_906 = arith.select %and3A_904, %add3A_905, %rem3A_896 : i32
        %add3A_907 = arith.constant 2 : i32
        %add3A_908 = arith.addi %while3A_714, %add3A_907 : i32
        %mul3A_909 = arith.constant 16 : i32
        %mul3A_910 = arith.muli %mul3A_909, %add3A_908 : i32
        %add3A_911 = arith.addi %arg1, %mul3A_910 : i32
        %dma_start3A_912 = arith.constant 0 : i32
        %dma_start3A_913 = arith.constant 0 : i32
        %dma_start3A_914 = tpu.memref_slice %arg8[%select_n3A_906, %dma_start3A_912, %dma_start3A_913] : memref<8x2x64xi32, #tpu.memory_space<vmem>> -> memref<1x2x64xi32, #tpu.memory_space<vmem>>
        %dma_start3A_915 = tpu.memref_squeeze %dma_start3A_914 : memref<1x2x64xi32, #tpu.memory_space<vmem>> -> memref<2x64xi32, #tpu.memory_space<vmem>>
        %dma_start3A_916 = arith.constant 0 : i32
        %dma_start3A_917 = arith.constant 0 : i32
        %dma_start3A_918 = tpu.memref_slice %arg3[%add3A_911, %dma_start3A_916, %dma_start3A_917] : memref<12500x2x64xi32, #tpu.memory_space<hbm>> -> memref<1x2x64xi32, #tpu.memory_space<hbm>>
        %dma_start3A_919 = tpu.memref_squeeze %dma_start3A_918 : memref<1x2x64xi32, #tpu.memory_space<hbm>> -> memref<2x64xi32, #tpu.memory_space<hbm>>
        %dma_start3A_920 = tpu.memref_slice %arg13[%select_n3A_906] : memref<8x!tpu.dma_semaphore, #tpu.memory_space<semaphore_mem>> -> memref<1x!tpu.dma_semaphore, #tpu.memory_space<semaphore_mem>>
        %dma_start3A_921 = tpu.memref_squeeze %dma_start3A_920 : memref<1x!tpu.dma_semaphore, #tpu.memory_space<semaphore_mem>> -> memref<!tpu.dma_semaphore, #tpu.memory_space<semaphore_mem>>
        %dma_start3A_922 = arith.constant 0 : i32
        %dma_start3A_923 = arith.constant 0 : i32
        %dma_start3A_924 = tpu.memref_slice %arg8[%select_n3A_906, %dma_start3A_922, %dma_start3A_923] : memref<8x2x64xi32, #tpu.memory_space<vmem>> -> memref<1x2x64xi32, #tpu.memory_space<vmem>>
        %dma_start3A_925 = tpu.memref_squeeze %dma_start3A_924 : memref<1x2x64xi32, #tpu.memory_space<vmem>> -> memref<2x64xi32, #tpu.memory_space<vmem>>
        %dma_start3A_926 = arith.constant 0 : i32
        %dma_start3A_927 = arith.constant 0 : i32
        %dma_start3A_928 = tpu.memref_slice %arg3[%add3A_911, %dma_start3A_926, %dma_start3A_927] : memref<12500x2x64xi32, #tpu.memory_space<hbm>> -> memref<1x2x64xi32, #tpu.memory_space<hbm>>
        %dma_start3A_929 = tpu.memref_squeeze %dma_start3A_928 : memref<1x2x64xi32, #tpu.memory_space<hbm>> -> memref<2x64xi32, #tpu.memory_space<hbm>>
        tpu.enqueue_dma source(%dma_start3A_929 : memref<2x64xi32, #tpu.memory_space<hbm>>) target(%dma_start3A_925 : memref<2x64xi32, #tpu.memory_space<vmem>>) target_semaphore(%dma_start3A_921 : memref<!tpu.dma_semaphore, #tpu.memory_space<semaphore_mem>>)
      } else {
      }
      %ge3A_884 = arith.constant 2 : i32
      %ge3A_885 = arith.cmpi sge, %while3A_714, %ge3A_884 : i32
      %convert_element_type3A_886 = arith.extui %ge3A_885 : i1 to i32
      %cond3A_887 = arith.constant 0 : i32
      %cond3A_888 = arith.cmpi ne, %convert_element_type3A_886, %cond3A_887 : i32
      scf.if %cond3A_888 {
        %sub3A_889 = arith.constant 2 : i32
        %sub3A_890 = arith.subi %while3A_714, %sub3A_889 : i32
        %jit3A_891 = arith.constant 3 : i32
        %eq3A_892 = arith.constant 0 : i32
        %eq3A_893 = arith.cmpi eq, %jit3A_891, %eq3A_892 : i32
        %jit3A_894 = arith.constant 1 : i32
        %select_n3A_895 = arith.select %eq3A_893, %jit3A_894, %jit3A_891 : i32
        %rem3A_896 = arith.remsi %sub3A_890, %select_n3A_895 : i32
        %ne3A_897 = arith.constant 0 : i32
        %ne3A_898 = arith.cmpi ne, %rem3A_896, %ne3A_897 : i32
        %lt3A_899 = arith.constant 0 : i32
        %lt3A_900 = arith.cmpi slt, %rem3A_896, %lt3A_899 : i32
        %lt3A_901 = arith.constant 0 : i32
        %lt3A_902 = arith.cmpi slt, %select_n3A_895, %lt3A_901 : i32
        %ne3A_903 = arith.xori %lt3A_900, %lt3A_902 : i1
        %and3A_904 = arith.andi %ne3A_903, %ne3A_898 : i1
        %add3A_905 = arith.addi %rem3A_896, %select_n3A_895 : i32
        %select_n3A_906 = arith.select %and3A_904, %add3A_905, %rem3A_896 : i32
        %sub3A_907 = arith.constant 2 : i32
        %sub3A_908 = arith.subi %while3A_714, %sub3A_907 : i32
        %jit3A_909 = arith.constant 8 : i32
        %eq3A_910 = arith.constant 0 : i32
        %eq3A_911 = arith.cmpi eq, %jit3A_909, %eq3A_910 : i32
        %jit3A_912 = arith.constant 1 : i32
        %select_n3A_913 = arith.select %eq3A_911, %jit3A_912, %jit3A_909 : i32
        %rem3A_914 = arith.remsi %sub3A_908, %select_n3A_913 : i32
        %ne3A_915 = arith.constant 0 : i32
        %ne3A_916 = arith.cmpi ne, %rem3A_914, %ne3A_915 : i32
        %lt3A_917 = arith.constant 0 : i32
        %lt3A_918 = arith.cmpi slt, %rem3A_914, %lt3A_917 : i32
        %lt3A_919 = arith.constant 0 : i32
        %lt3A_920 = arith.cmpi slt, %select_n3A_913, %lt3A_919 : i32
        %ne3A_921 = arith.xori %lt3A_918, %lt3A_920 : i1
        %and3A_922 = arith.andi %ne3A_921, %ne3A_916 : i1
        %add3A_923 = arith.addi %rem3A_914, %select_n3A_913 : i32
        %select_n3A_924 = arith.select %and3A_922, %add3A_923, %rem3A_914 : i32
        %dma_wait3A_925 = arith.constant 0 : i32
        %dma_wait3A_926 = arith.constant 0 : i32
        %dma_wait3A_927 = arith.constant 0 : i32
        %dma_wait3A_928 = tpu.memref_slice %arg9[%dma_wait3A_925, %dma_wait3A_926, %dma_wait3A_927] : memref<3x64x72xf32, #tpu.memory_space<vmem>> -> memref<1x64x72xf32, #tpu.memory_space<vmem>>
        %dma_wait3A_929 = tpu.memref_squeeze %dma_wait3A_928 : memref<1x64x72xf32, #tpu.memory_space<vmem>> -> memref<64x72xf32, #tpu.memory_space<vmem>>
        %dma_wait3A_930 = arith.constant 0 : i32
        %dma_wait3A_931 = arith.constant 0 : i32
        %dma_wait3A_932 = tpu.memref_slice %arg5[%dma_wait3A_930, %dma_wait3A_931] : memref<1568x72xf32, #tpu.memory_space<hbm>> -> memref<64x72xf32, #tpu.memory_space<hbm>>
        %dma_wait3A_933 = tpu.memref_slice %arg11[%select_n3A_906] : memref<3x!tpu.dma_semaphore, #tpu.memory_space<semaphore_mem>> -> memref<1x!tpu.dma_semaphore, #tpu.memory_space<semaphore_mem>>
        %dma_wait3A_934 = tpu.memref_squeeze %dma_wait3A_933 : memref<1x!tpu.dma_semaphore, #tpu.memory_space<semaphore_mem>> -> memref<!tpu.dma_semaphore, #tpu.memory_space<semaphore_mem>>
        %dma_wait3A_935 = arith.constant 0 : i32
        %dma_wait3A_936 = arith.constant 0 : i32
        %dma_wait3A_937 = tpu.memref_slice %arg9[%dma_wait3A_925, %dma_wait3A_935, %dma_wait3A_936] : memref<3x64x72xf32, #tpu.memory_space<vmem>> -> memref<1x64x72xf32, #tpu.memory_space<vmem>>
        %dma_wait3A_938 = tpu.memref_squeeze %dma_wait3A_937 : memref<1x64x72xf32, #tpu.memory_space<vmem>> -> memref<64x72xf32, #tpu.memory_space<vmem>>
        %dma_wait3A_939 = arith.constant 0 : i32
        %dma_wait3A_940 = arith.constant 0 : i32
        %dma_wait3A_941 = tpu.memref_slice %arg5[%dma_wait3A_939, %dma_wait3A_940] : memref<1568x72xf32, #tpu.memory_space<hbm>> -> memref<64x72xf32, #tpu.memory_space<hbm>>
        tpu.wait_dma2 semaphore(%dma_wait3A_934 : memref<!tpu.dma_semaphore, #tpu.memory_space<semaphore_mem>>) src(%dma_wait3A_941 : memref<64x72xf32, #tpu.memory_space<hbm>>) dst(%dma_wait3A_938 : memref<64x72xf32, #tpu.memory_space<vmem>>)
        %dma_start3A_942 = arith.constant 1 : i32
        %dma_start3A_943 = arith.constant 0 : i32
        %dma_start3A_944 = arith.constant 0 : i32
        %dma_start3A_945 = tpu.memref_slice %arg9[%select_n3A_906, %dma_start3A_943, %dma_start3A_944] : memref<3x64x72xf32, #tpu.memory_space<vmem>> -> memref<1x64x72xf32, #tpu.memory_space<vmem>>
        %dma_start3A_946 = tpu.memref_squeeze %dma_start3A_945 : memref<1x64x72xf32, #tpu.memory_space<vmem>> -> memref<64x72xf32, #tpu.memory_space<vmem>>
        %dma_start3A_947 = arith.constant 0 : i32
        %dma_start3A_948 = tpu.memref_slice %arg8[%select_n3A_924, %dma_start3A_942, %dma_start3A_947] : memref<8x2x64xi32, #tpu.memory_space<vmem>> -> memref<1x1x64xi32, #tpu.memory_space<vmem>>
        %dma_start3A_949 = tpu.memref_squeeze %dma_start3A_948 : memref<1x1x64xi32, #tpu.memory_space<vmem>> -> memref<64xi32, #tpu.memory_space<vmem>>
        %dma_start3A_950 = arith.constant 0 : i32
        %dma_start3A_951 = arith.constant 0 : i32
        %dma_start3A_952 = tpu.memref_slice %arg10[%dma_start3A_950, %dma_start3A_951] : memref<25344x72xf32, #tpu.memory_space<vmem_shared>> -> memref<25344x72xf32, #tpu.memory_space<vmem_shared>>
        %dma_start3A_953 = tpu.memref_slice %arg12[%select_n3A_906] : memref<3x!tpu.dma_semaphore, #tpu.memory_space<semaphore_mem>> -> memref<1x!tpu.dma_semaphore, #tpu.memory_space<semaphore_mem>>
        %dma_start3A_954 = tpu.memref_squeeze %dma_start3A_953 : memref<1x!tpu.dma_semaphore, #tpu.memory_space<semaphore_mem>> -> memref<!tpu.dma_semaphore, #tpu.memory_space<semaphore_mem>>
        tpu.enqueue_indirect_dma source(%dma_start3A_946 : memref<64x72xf32, #tpu.memory_space<vmem>>) target(%dma_start3A_952 : memref<25344x72xf32, #tpu.memory_space<vmem_shared>>) offsets(%dma_start3A_949 : memref<64xi32, #tpu.memory_space<vmem>>) semaphore(%dma_start3A_954 : memref<!tpu.dma_semaphore, #tpu.memory_space<semaphore_mem>>) {add = true}
      } else {
      }
    }
    %sub3A = arith.constant 1 : i32
    %sub3A_56 = arith.subi %select_n3A, %sub3A : i32
    %sub3A_57 = arith.constant 1 : i32
    %sub3A_58 = arith.subi %sub3A_56, %sub3A_57 : i32
    %jit3A_59 = arith.constant 3 : i32
    %eq3A = arith.constant 0 : i32
    %eq3A_60 = arith.cmpi eq, %jit3A_59, %eq3A : i32
    %jit3A_61 = arith.constant 1 : i32
    %select_n3A_62 = arith.select %eq3A_60, %jit3A_61, %jit3A_59 : i32
    %rem3A = arith.remsi %sub3A_58, %select_n3A_62 : i32
    %ne3A = arith.constant 0 : i32
    %ne3A_63 = arith.cmpi ne, %rem3A, %ne3A : i32
    %lt3A_64 = arith.constant 0 : i32
    %lt3A_65 = arith.cmpi slt, %rem3A, %lt3A_64 : i32
    %lt3A_66 = arith.constant 0 : i32
    %lt3A_67 = arith.cmpi slt, %select_n3A_62, %lt3A_66 : i32
    %ne3A_68 = arith.xori %lt3A_65, %lt3A_67 : i1
    %and3A = arith.andi %ne3A_68, %ne3A_63 : i1
    %add3A_69 = arith.addi %rem3A, %select_n3A_62 : i32
    %select_n3A_70 = arith.select %and3A, %add3A_69, %rem3A : i32
    %dma_wait3A = arith.constant 0 : i32
    %dma_wait3A_71 = arith.constant 0 : i32
    %dma_wait3A_72 = arith.constant 0 : i32
    %dma_wait3A_73 = tpu.memref_slice %arg9[%dma_wait3A, %dma_wait3A_71, %dma_wait3A_72] : memref<3x64x72xf32, #tpu.memory_space<vmem>> -> memref<1x64x72xf32, #tpu.memory_space<vmem>>
    %dma_wait3A_74 = tpu.memref_squeeze %dma_wait3A_73 : memref<1x64x72xf32, #tpu.memory_space<vmem>> -> memref<64x72xf32, #tpu.memory_space<vmem>>
    %dma_wait3A_75 = arith.constant 0 : i32
    %dma_wait3A_76 = arith.constant 0 : i32
    %dma_wait3A_77 = tpu.memref_slice %arg5[%dma_wait3A_75, %dma_wait3A_76] : memref<1568x72xf32, #tpu.memory_space<hbm>> -> memref<64x72xf32, #tpu.memory_space<hbm>>
    %dma_wait3A_78 = tpu.memref_slice %arg11[%select_n3A_70] : memref<3x!tpu.dma_semaphore, #tpu.memory_space<semaphore_mem>> -> memref<1x!tpu.dma_semaphore, #tpu.memory_space<semaphore_mem>>
    %dma_wait3A_79 = tpu.memref_squeeze %dma_wait3A_78 : memref<1x!tpu.dma_semaphore, #tpu.memory_space<semaphore_mem>> -> memref<!tpu.dma_semaphore, #tpu.memory_space<semaphore_mem>>
    %dma_wait3A_80 = arith.constant 0 : i32
    %dma_wait3A_81 = arith.constant 0 : i32
    %dma_wait3A_82 = tpu.memref_slice %arg9[%dma_wait3A, %dma_wait3A_80, %dma_wait3A_81] : memref<3x64x72xf32, #tpu.memory_space<vmem>> -> memref<1x64x72xf32, #tpu.memory_space<vmem>>
    %dma_wait3A_83 = tpu.memref_squeeze %dma_wait3A_82 : memref<1x64x72xf32, #tpu.memory_space<vmem>> -> memref<64x72xf32, #tpu.memory_space<vmem>>
    %dma_wait3A_84 = arith.constant 0 : i32
    %dma_wait3A_85 = arith.constant 0 : i32
    %dma_wait3A_86 = tpu.memref_slice %arg5[%dma_wait3A_84, %dma_wait3A_85] : memref<1568x72xf32, #tpu.memory_space<hbm>> -> memref<64x72xf32, #tpu.memory_space<hbm>>
    tpu.wait_dma2 semaphore(%dma_wait3A_79 : memref<!tpu.dma_semaphore, #tpu.memory_space<semaphore_mem>>) src(%dma_wait3A_86 : memref<64x72xf32, #tpu.memory_space<hbm>>) dst(%dma_wait3A_83 : memref<64x72xf32, #tpu.memory_space<vmem>>)
    %jit3A_87 = arith.constant 3 : i32
    %eq3A_88 = arith.constant 0 : i32
    %eq3A_89 = arith.cmpi eq, %jit3A_87, %eq3A_88 : i32
    %jit3A_90 = arith.constant 1 : i32
    %select_n3A_91 = arith.select %eq3A_89, %jit3A_90, %jit3A_87 : i32
    %rem3A_92 = arith.remsi %sub3A_58, %select_n3A_91 : i32
    %ne3A_93 = arith.constant 0 : i32
    %ne3A_94 = arith.cmpi ne, %rem3A_92, %ne3A_93 : i32
    %lt3A_95 = arith.constant 0 : i32
    %lt3A_96 = arith.cmpi slt, %rem3A_92, %lt3A_95 : i32
    %lt3A_97 = arith.constant 0 : i32
    %lt3A_98 = arith.cmpi slt, %select_n3A_91, %lt3A_97 : i32
    %ne3A_99 = arith.xori %lt3A_96, %lt3A_98 : i1
    %and3A_100 = arith.andi %ne3A_99, %ne3A_94 : i1
    %add3A_101 = arith.addi %rem3A_92, %select_n3A_91 : i32
    %select_n3A_102 = arith.select %and3A_100, %add3A_101, %rem3A_92 : i32
    %jit3A_103 = arith.constant 8 : i32
    %eq3A_104 = arith.constant 0 : i32
    %eq3A_105 = arith.cmpi eq, %jit3A_103, %eq3A_104 : i32
    %jit3A_106 = arith.constant 1 : i32
    %select_n3A_107 = arith.select %eq3A_105, %jit3A_106, %jit3A_103 : i32
    %rem3A_108 = arith.remsi %sub3A_58, %select_n3A_107 : i32
    %ne3A_109 = arith.constant 0 : i32
    %ne3A_110 = arith.cmpi ne, %rem3A_108, %ne3A_109 : i32
    %lt3A_111 = arith.constant 0 : i32
    %lt3A_112 = arith.cmpi slt, %rem3A_108, %lt3A_111 : i32
    %lt3A_113 = arith.constant 0 : i32
    %lt3A_114 = arith.cmpi slt, %select_n3A_107, %lt3A_113 : i32
    %ne3A_115 = arith.xori %lt3A_112, %lt3A_114 : i1
    %and3A_116 = arith.andi %ne3A_115, %ne3A_110 : i1
    %add3A_117 = arith.addi %rem3A_108, %select_n3A_107 : i32
    %select_n3A_118 = arith.select %and3A_116, %add3A_117, %rem3A_108 : i32
    %jit3A_119 = arith.constant 3 : i32
    %eq3A_120 = arith.constant 0 : i32
    %eq3A_121 = arith.cmpi eq, %jit3A_119, %eq3A_120 : i32
    %jit3A_122 = arith.constant 1 : i32
    %select_n3A_123 = arith.select %eq3A_121, %jit3A_122, %jit3A_119 : i32
    %rem3A_124 = arith.remsi %sub3A_58, %select_n3A_123 : i32
    %ne3A_125 = arith.constant 0 : i32
    %ne3A_126 = arith.cmpi ne, %rem3A_124, %ne3A_125 : i32
    %lt3A_127 = arith.constant 0 : i32
    %lt3A_128 = arith.cmpi slt, %rem3A_124, %lt3A_127 : i32
    %lt3A_129 = arith.constant 0 : i32
    %lt3A_130 = arith.cmpi slt, %select_n3A_123, %lt3A_129 : i32
    %ne3A_131 = arith.xori %lt3A_128, %lt3A_130 : i1
    %and3A_132 = arith.andi %ne3A_131, %ne3A_126 : i1
    %add3A_133 = arith.addi %rem3A_124, %select_n3A_123 : i32
    %select_n3A_134 = arith.select %and3A_132, %add3A_133, %rem3A_124 : i32
    %dma_start3A_135 = arith.constant 1 : i32
    %dma_start3A_136 = arith.constant 0 : i32
    %dma_start3A_137 = arith.constant 0 : i32
    %dma_start3A_138 = tpu.memref_slice %arg9[%select_n3A_102, %dma_start3A_136, %dma_start3A_137] : memref<3x64x72xf32, #tpu.memory_space<vmem>> -> memref<1x64x72xf32, #tpu.memory_space<vmem>>
    %dma_start3A_139 = tpu.memref_squeeze %dma_start3A_138 : memref<1x64x72xf32, #tpu.memory_space<vmem>> -> memref<64x72xf32, #tpu.memory_space<vmem>>
    %dma_start3A_140 = arith.constant 0 : i32
    %dma_start3A_141 = tpu.memref_slice %arg8[%select_n3A_118, %dma_start3A_135, %dma_start3A_140] : memref<8x2x64xi32, #tpu.memory_space<vmem>> -> memref<1x1x64xi32, #tpu.memory_space<vmem>>
    %dma_start3A_142 = tpu.memref_squeeze %dma_start3A_141 : memref<1x1x64xi32, #tpu.memory_space<vmem>> -> memref<64xi32, #tpu.memory_space<vmem>>
    %dma_start3A_143 = arith.constant 0 : i32
    %dma_start3A_144 = arith.constant 0 : i32
    %dma_start3A_145 = tpu.memref_slice %arg10[%dma_start3A_143, %dma_start3A_144] : memref<25344x72xf32, #tpu.memory_space<vmem_shared>> -> memref<25344x72xf32, #tpu.memory_space<vmem_shared>>
    %dma_start3A_146 = tpu.memref_slice %arg12[%select_n3A_134] : memref<3x!tpu.dma_semaphore, #tpu.memory_space<semaphore_mem>> -> memref<1x!tpu.dma_semaphore, #tpu.memory_space<semaphore_mem>>
    %dma_start3A_147 = tpu.memref_squeeze %dma_start3A_146 : memref<1x!tpu.dma_semaphore, #tpu.memory_space<semaphore_mem>> -> memref<!tpu.dma_semaphore, #tpu.memory_space<semaphore_mem>>
    tpu.enqueue_indirect_dma source(%dma_start3A_139 : memref<64x72xf32, #tpu.memory_space<vmem>>) target(%dma_start3A_145 : memref<25344x72xf32, #tpu.memory_space<vmem_shared>>) offsets(%dma_start3A_142 : memref<64xi32, #tpu.memory_space<vmem>>) semaphore(%dma_start3A_147 : memref<!tpu.dma_semaphore, #tpu.memory_space<semaphore_mem>>) {add = true}
    %sub3A_148 = arith.constant 0 : i32
    %sub3A_149 = arith.subi %sub3A_56, %sub3A_148 : i32
    %jit3A_150 = arith.constant 3 : i32
    %eq3A_151 = arith.constant 0 : i32
    %eq3A_152 = arith.cmpi eq, %jit3A_150, %eq3A_151 : i32
    %jit3A_153 = arith.constant 1 : i32
    %select_n3A_154 = arith.select %eq3A_152, %jit3A_153, %jit3A_150 : i32
    %rem3A_155 = arith.remsi %sub3A_149, %select_n3A_154 : i32
    %ne3A_156 = arith.constant 0 : i32
    %ne3A_157 = arith.cmpi ne, %rem3A_155, %ne3A_156 : i32
    %lt3A_158 = arith.constant 0 : i32
    %lt3A_159 = arith.cmpi slt, %rem3A_155, %lt3A_158 : i32
    %lt3A_160 = arith.constant 0 : i32
    %lt3A_161 = arith.cmpi slt, %select_n3A_154, %lt3A_160 : i32
    %ne3A_162 = arith.xori %lt3A_159, %lt3A_161 : i1
    %and3A_163 = arith.andi %ne3A_162, %ne3A_157 : i1
    %add3A_164 = arith.addi %rem3A_155, %select_n3A_154 : i32
    %select_n3A_165 = arith.select %and3A_163, %add3A_164, %rem3A_155 : i32
    %dma_wait3A_166 = arith.constant 0 : i32
    %dma_wait3A_167 = arith.constant 0 : i32
    %dma_wait3A_168 = arith.constant 0 : i32
    %dma_wait3A_169 = tpu.memref_slice %arg9[%dma_wait3A_166, %dma_wait3A_167, %dma_wait3A_168] : memref<3x64x72xf32, #tpu.memory_space<vmem>> -> memref<1x64x72xf32, #tpu.memory_space<vmem>>
    %dma_wait3A_170 = tpu.memref_squeeze %dma_wait3A_169 : memref<1x64x72xf32, #tpu.memory_space<vmem>> -> memref<64x72xf32, #tpu.memory_space<vmem>>
    %dma_wait3A_171 = arith.constant 0 : i32
    %dma_wait3A_172 = arith.constant 0 : i32
    %dma_wait3A_173 = tpu.memref_slice %arg5[%dma_wait3A_171, %dma_wait3A_172] : memref<1568x72xf32, #tpu.memory_space<hbm>> -> memref<64x72xf32, #tpu.memory_space<hbm>>
    %dma_wait3A_174 = tpu.memref_slice %arg11[%select_n3A_165] : memref<3x!tpu.dma_semaphore, #tpu.memory_space<semaphore_mem>> -> memref<1x!tpu.dma_semaphore, #tpu.memory_space<semaphore_mem>>
    %dma_wait3A_175 = tpu.memref_squeeze %dma_wait3A_174 : memref<1x!tpu.dma_semaphore, #tpu.memory_space<semaphore_mem>> -> memref<!tpu.dma_semaphore, #tpu.memory_space<semaphore_mem>>
    %dma_wait3A_176 = arith.constant 0 : i32
    %dma_wait3A_177 = arith.constant 0 : i32
    %dma_wait3A_178 = tpu.memref_slice %arg9[%dma_wait3A_166, %dma_wait3A_176, %dma_wait3A_177] : memref<3x64x72xf32, #tpu.memory_space<vmem>> -> memref<1x64x72xf32, #tpu.memory_space<vmem>>
    %dma_wait3A_179 = tpu.memref_squeeze %dma_wait3A_178 : memref<1x64x72xf32, #tpu.memory_space<vmem>> -> memref<64x72xf32, #tpu.memory_space<vmem>>
    %dma_wait3A_180 = arith.constant 0 : i32
    %dma_wait3A_181 = arith.constant 0 : i32
    %dma_wait3A_182 = tpu.memref_slice %arg5[%dma_wait3A_180, %dma_wait3A_181] : memref<1568x72xf32, #tpu.memory_space<hbm>> -> memref<64x72xf32, #tpu.memory_space<hbm>>
    tpu.wait_dma2 semaphore(%dma_wait3A_175 : memref<!tpu.dma_semaphore, #tpu.memory_space<semaphore_mem>>) src(%dma_wait3A_182 : memref<64x72xf32, #tpu.memory_space<hbm>>) dst(%dma_wait3A_179 : memref<64x72xf32, #tpu.memory_space<vmem>>)
    %jit3A_183 = arith.constant 3 : i32
    %eq3A_184 = arith.constant 0 : i32
    %eq3A_185 = arith.cmpi eq, %jit3A_183, %eq3A_184 : i32
    %jit3A_186 = arith.constant 1 : i32
    %select_n3A_187 = arith.select %eq3A_185, %jit3A_186, %jit3A_183 : i32
    %rem3A_188 = arith.remsi %sub3A_149, %select_n3A_187 : i32
    %ne3A_189 = arith.constant 0 : i32
    %ne3A_190 = arith.cmpi ne, %rem3A_188, %ne3A_189 : i32
    %lt3A_191 = arith.constant 0 : i32
    %lt3A_192 = arith.cmpi slt, %rem3A_188, %lt3A_191 : i32
    %lt3A_193 = arith.constant 0 : i32
    %lt3A_194 = arith.cmpi slt, %select_n3A_187, %lt3A_193 : i32
    %ne3A_195 = arith.xori %lt3A_192, %lt3A_194 : i1
    %and3A_196 = arith.andi %ne3A_195, %ne3A_190 : i1
    %add3A_197 = arith.addi %rem3A_188, %select_n3A_187 : i32
    %select_n3A_198 = arith.select %and3A_196, %add3A_197, %rem3A_188 : i32
    %jit3A_199 = arith.constant 8 : i32
    %eq3A_200 = arith.constant 0 : i32
    %eq3A_201 = arith.cmpi eq, %jit3A_199, %eq3A_200 : i32
    %jit3A_202 = arith.constant 1 : i32
    %select_n3A_203 = arith.select %eq3A_201, %jit3A_202, %jit3A_199 : i32
    %rem3A_204 = arith.remsi %sub3A_149, %select_n3A_203 : i32
    %ne3A_205 = arith.constant 0 : i32
    %ne3A_206 = arith.cmpi ne, %rem3A_204, %ne3A_205 : i32
    %lt3A_207 = arith.constant 0 : i32
    %lt3A_208 = arith.cmpi slt, %rem3A_204, %lt3A_207 : i32
    %lt3A_209 = arith.constant 0 : i32
    %lt3A_210 = arith.cmpi slt, %select_n3A_203, %lt3A_209 : i32
    %ne3A_211 = arith.xori %lt3A_208, %lt3A_210 : i1
    %and3A_212 = arith.andi %ne3A_211, %ne3A_206 : i1
    %add3A_213 = arith.addi %rem3A_204, %select_n3A_203 : i32
    %select_n3A_214 = arith.select %and3A_212, %add3A_213, %rem3A_204 : i32
    %jit3A_215 = arith.constant 3 : i32
    %eq3A_216 = arith.constant 0 : i32
    %eq3A_217 = arith.cmpi eq, %jit3A_215, %eq3A_216 : i32
    %jit3A_218 = arith.constant 1 : i32
    %select_n3A_219 = arith.select %eq3A_217, %jit3A_218, %jit3A_215 : i32
    %rem3A_220 = arith.remsi %sub3A_149, %select_n3A_219 : i32
    %ne3A_221 = arith.constant 0 : i32
    %ne3A_222 = arith.cmpi ne, %rem3A_220, %ne3A_221 : i32
    %lt3A_223 = arith.constant 0 : i32
    %lt3A_224 = arith.cmpi slt, %rem3A_220, %lt3A_223 : i32
    %lt3A_225 = arith.constant 0 : i32
    %lt3A_226 = arith.cmpi slt, %select_n3A_219, %lt3A_225 : i32
    %ne3A_227 = arith.xori %lt3A_224, %lt3A_226 : i1
    %and3A_228 = arith.andi %ne3A_227, %ne3A_222 : i1
    %add3A_229 = arith.addi %rem3A_220, %select_n3A_219 : i32
    %select_n3A_230 = arith.select %and3A_228, %add3A_229, %rem3A_220 : i32
    %dma_start3A_231 = arith.constant 1 : i32
    %dma_start3A_232 = arith.constant 0 : i32
    %dma_start3A_233 = arith.constant 0 : i32
    %dma_start3A_234 = tpu.memref_slice %arg9[%select_n3A_198, %dma_start3A_232, %dma_start3A_233] : memref<3x64x72xf32, #tpu.memory_space<vmem>> -> memref<1x64x72xf32, #tpu.memory_space<vmem>>
    %dma_start3A_235 = tpu.memref_squeeze %dma_start3A_234 : memref<1x64x72xf32, #tpu.memory_space<vmem>> -> memref<64x72xf32, #tpu.memory_space<vmem>>
    %dma_start3A_236 = arith.constant 0 : i32
    %dma_start3A_237 = tpu.memref_slice %arg8[%select_n3A_214, %dma_start3A_231, %dma_start3A_236] : memref<8x2x64xi32, #tpu.memory_space<vmem>> -> memref<1x1x64xi32, #tpu.memory_space<vmem>>
    %dma_start3A_238 = tpu.memref_squeeze %dma_start3A_237 : memref<1x1x64xi32, #tpu.memory_space<vmem>> -> memref<64xi32, #tpu.memory_space<vmem>>
    %dma_start3A_239 = arith.constant 0 : i32
    %dma_start3A_240 = arith.constant 0 : i32
    %dma_start3A_241 = tpu.memref_slice %arg10[%dma_start3A_239, %dma_start3A_240] : memref<25344x72xf32, #tpu.memory_space<vmem_shared>> -> memref<25344x72xf32, #tpu.memory_space<vmem_shared>>
    %dma_start3A_242 = tpu.memref_slice %arg12[%select_n3A_230] : memref<3x!tpu.dma_semaphore, #tpu.memory_space<semaphore_mem>> -> memref<1x!tpu.dma_semaphore, #tpu.memory_space<semaphore_mem>>
    %dma_start3A_243 = tpu.memref_squeeze %dma_start3A_242 : memref<1x!tpu.dma_semaphore, #tpu.memory_space<semaphore_mem>> -> memref<!tpu.dma_semaphore, #tpu.memory_space<semaphore_mem>>
    tpu.enqueue_indirect_dma source(%dma_start3A_235 : memref<64x72xf32, #tpu.memory_space<vmem>>) target(%dma_start3A_241 : memref<25344x72xf32, #tpu.memory_space<vmem_shared>>) offsets(%dma_start3A_238 : memref<64xi32, #tpu.memory_space<vmem>>) semaphore(%dma_start3A_243 : memref<!tpu.dma_semaphore, #tpu.memory_space<semaphore_mem>>) {add = true}
    %sub3A_244 = arith.constant 0 : i32
    %sub3A_245 = arith.subi %sub3A_56, %sub3A_244 : i32
    %jit3A_246 = arith.constant 3 : i32
    %eq3A_247 = arith.constant 0 : i32
    %eq3A_248 = arith.cmpi eq, %jit3A_246, %eq3A_247 : i32
    %jit3A_249 = arith.constant 1 : i32
    %select_n3A_250 = arith.select %eq3A_248, %jit3A_249, %jit3A_246 : i32
    %rem3A_251 = arith.remsi %sub3A_245, %select_n3A_250 : i32
    %ne3A_252 = arith.constant 0 : i32
    %ne3A_253 = arith.cmpi ne, %rem3A_251, %ne3A_252 : i32
    %lt3A_254 = arith.constant 0 : i32
    %lt3A_255 = arith.cmpi slt, %rem3A_251, %lt3A_254 : i32
    %lt3A_256 = arith.constant 0 : i32
    %lt3A_257 = arith.cmpi slt, %select_n3A_250, %lt3A_256 : i32
    %ne3A_258 = arith.xori %lt3A_255, %lt3A_257 : i1
    %and3A_259 = arith.andi %ne3A_258, %ne3A_253 : i1
    %add3A_260 = arith.addi %rem3A_251, %select_n3A_250 : i32
    %select_n3A_261 = arith.select %and3A_259, %add3A_260, %rem3A_251 : i32
    %dma_wait3A_262 = arith.constant 0 : i32
    %dma_wait3A_263 = arith.constant 0 : i32
    %dma_wait3A_264 = arith.constant 0 : i32
    %dma_wait3A_265 = tpu.memref_slice %arg9[%dma_wait3A_262, %dma_wait3A_263, %dma_wait3A_264] : memref<3x64x72xf32, #tpu.memory_space<vmem>> -> memref<1x64x72xf32, #tpu.memory_space<vmem>>
    %dma_wait3A_266 = tpu.memref_squeeze %dma_wait3A_265 : memref<1x64x72xf32, #tpu.memory_space<vmem>> -> memref<64x72xf32, #tpu.memory_space<vmem>>
    %dma_wait3A_267 = arith.constant 0 : i32
    %dma_wait3A_268 = arith.constant 0 : i32
    %dma_wait3A_269 = tpu.memref_slice %arg5[%dma_wait3A_267, %dma_wait3A_268] : memref<1568x72xf32, #tpu.memory_space<hbm>> -> memref<64x72xf32, #tpu.memory_space<hbm>>
    %dma_wait3A_270 = tpu.memref_slice %arg12[%select_n3A_261] : memref<3x!tpu.dma_semaphore, #tpu.memory_space<semaphore_mem>> -> memref<1x!tpu.dma_semaphore, #tpu.memory_space<semaphore_mem>>
    %dma_wait3A_271 = tpu.memref_squeeze %dma_wait3A_270 : memref<1x!tpu.dma_semaphore, #tpu.memory_space<semaphore_mem>> -> memref<!tpu.dma_semaphore, #tpu.memory_space<semaphore_mem>>
    %dma_wait3A_272 = arith.constant 0 : i32
    %dma_wait3A_273 = arith.constant 0 : i32
    %dma_wait3A_274 = tpu.memref_slice %arg9[%dma_wait3A_262, %dma_wait3A_272, %dma_wait3A_273] : memref<3x64x72xf32, #tpu.memory_space<vmem>> -> memref<1x64x72xf32, #tpu.memory_space<vmem>>
    %dma_wait3A_275 = tpu.memref_squeeze %dma_wait3A_274 : memref<1x64x72xf32, #tpu.memory_space<vmem>> -> memref<64x72xf32, #tpu.memory_space<vmem>>
    %dma_wait3A_276 = arith.constant 0 : i32
    %dma_wait3A_277 = arith.constant 0 : i32
    %dma_wait3A_278 = tpu.memref_slice %arg5[%dma_wait3A_276, %dma_wait3A_277] : memref<1568x72xf32, #tpu.memory_space<hbm>> -> memref<64x72xf32, #tpu.memory_space<hbm>>
    tpu.wait_dma2 semaphore(%dma_wait3A_271 : memref<!tpu.dma_semaphore, #tpu.memory_space<semaphore_mem>>) src(%dma_wait3A_278 : memref<64x72xf32, #tpu.memory_space<hbm>>) dst(%dma_wait3A_275 : memref<64x72xf32, #tpu.memory_space<vmem>>)
    %sub3A_279 = arith.constant 1 : i32
    %sub3A_280 = arith.subi %sub3A_56, %sub3A_279 : i32
    %jit3A_281 = arith.constant 3 : i32
    %eq3A_282 = arith.constant 0 : i32
    %eq3A_283 = arith.cmpi eq, %jit3A_281, %eq3A_282 : i32
    %jit3A_284 = arith.constant 1 : i32
    %select_n3A_285 = arith.select %eq3A_283, %jit3A_284, %jit3A_281 : i32
    %rem3A_286 = arith.remsi %sub3A_280, %select_n3A_285 : i32
    %ne3A_287 = arith.constant 0 : i32
    %ne3A_288 = arith.cmpi ne, %rem3A_286, %ne3A_287 : i32
    %lt3A_289 = arith.constant 0 : i32
    %lt3A_290 = arith.cmpi slt, %rem3A_286, %lt3A_289 : i32
    %lt3A_291 = arith.constant 0 : i32
    %lt3A_292 = arith.cmpi slt, %select_n3A_285, %lt3A_291 : i32
    %ne3A_293 = arith.xori %lt3A_290, %lt3A_292 : i1
    %and3A_294 = arith.andi %ne3A_293, %ne3A_288 : i1
    %add3A_295 = arith.addi %rem3A_286, %select_n3A_285 : i32
    %select_n3A_296 = arith.select %and3A_294, %add3A_295, %rem3A_286 : i32
    %dma_wait3A_297 = arith.constant 0 : i32
    %dma_wait3A_298 = arith.constant 0 : i32
    %dma_wait3A_299 = arith.constant 0 : i32
    %dma_wait3A_300 = tpu.memref_slice %arg9[%dma_wait3A_297, %dma_wait3A_298, %dma_wait3A_299] : memref<3x64x72xf32, #tpu.memory_space<vmem>> -> memref<1x64x72xf32, #tpu.memory_space<vmem>>
    %dma_wait3A_301 = tpu.memref_squeeze %dma_wait3A_300 : memref<1x64x72xf32, #tpu.memory_space<vmem>> -> memref<64x72xf32, #tpu.memory_space<vmem>>
    %dma_wait3A_302 = arith.constant 0 : i32
    %dma_wait3A_303 = arith.constant 0 : i32
    %dma_wait3A_304 = tpu.memref_slice %arg5[%dma_wait3A_302, %dma_wait3A_303] : memref<1568x72xf32, #tpu.memory_space<hbm>> -> memref<64x72xf32, #tpu.memory_space<hbm>>
    %dma_wait3A_305 = tpu.memref_slice %arg12[%select_n3A_296] : memref<3x!tpu.dma_semaphore, #tpu.memory_space<semaphore_mem>> -> memref<1x!tpu.dma_semaphore, #tpu.memory_space<semaphore_mem>>
    %dma_wait3A_306 = tpu.memref_squeeze %dma_wait3A_305 : memref<1x!tpu.dma_semaphore, #tpu.memory_space<semaphore_mem>> -> memref<!tpu.dma_semaphore, #tpu.memory_space<semaphore_mem>>
    %dma_wait3A_307 = arith.constant 0 : i32
    %dma_wait3A_308 = arith.constant 0 : i32
    %dma_wait3A_309 = tpu.memref_slice %arg9[%dma_wait3A_297, %dma_wait3A_307, %dma_wait3A_308] : memref<3x64x72xf32, #tpu.memory_space<vmem>> -> memref<1x64x72xf32, #tpu.memory_space<vmem>>
    %dma_wait3A_310 = tpu.memref_squeeze %dma_wait3A_309 : memref<1x64x72xf32, #tpu.memory_space<vmem>> -> memref<64x72xf32, #tpu.memory_space<vmem>>
    %dma_wait3A_311 = arith.constant 0 : i32
    %dma_wait3A_312 = arith.constant 0 : i32
    %dma_wait3A_313 = tpu.memref_slice %arg5[%dma_wait3A_311, %dma_wait3A_312] : memref<1568x72xf32, #tpu.memory_space<hbm>> -> memref<64x72xf32, #tpu.memory_space<hbm>>
    tpu.wait_dma2 semaphore(%dma_wait3A_306 : memref<!tpu.dma_semaphore, #tpu.memory_space<semaphore_mem>>) src(%dma_wait3A_313 : memref<64x72xf32, #tpu.memory_space<hbm>>) dst(%dma_wait3A_310 : memref<64x72xf32, #tpu.memory_space<vmem>>)
    %sub3A_314 = arith.constant 2 : i32
    %sub3A_315 = arith.subi %sub3A_56, %sub3A_314 : i32
    %jit3A_316 = arith.constant 3 : i32
    %eq3A_317 = arith.constant 0 : i32
    %eq3A_318 = arith.cmpi eq, %jit3A_316, %eq3A_317 : i32
    %jit3A_319 = arith.constant 1 : i32
    %select_n3A_320 = arith.select %eq3A_318, %jit3A_319, %jit3A_316 : i32
    %rem3A_321 = arith.remsi %sub3A_315, %select_n3A_320 : i32
    %ne3A_322 = arith.constant 0 : i32
    %ne3A_323 = arith.cmpi ne, %rem3A_321, %ne3A_322 : i32
    %lt3A_324 = arith.constant 0 : i32
    %lt3A_325 = arith.cmpi slt, %rem3A_321, %lt3A_324 : i32
    %lt3A_326 = arith.constant 0 : i32
    %lt3A_327 = arith.cmpi slt, %select_n3A_320, %lt3A_326 : i32
    %ne3A_328 = arith.xori %lt3A_325, %lt3A_327 : i1
    %and3A_329 = arith.andi %ne3A_328, %ne3A_323 : i1
    %add3A_330 = arith.addi %rem3A_321, %select_n3A_320 : i32
    %select_n3A_331 = arith.select %and3A_329, %add3A_330, %rem3A_321 : i32
    %dma_wait3A_332 = arith.constant 0 : i32
    %dma_wait3A_333 = arith.constant 0 : i32
    %dma_wait3A_334 = arith.constant 0 : i32
    %dma_wait3A_335 = tpu.memref_slice %arg9[%dma_wait3A_332, %dma_wait3A_333, %dma_wait3A_334] : memref<3x64x72xf32, #tpu.memory_space<vmem>> -> memref<1x64x72xf32, #tpu.memory_space<vmem>>
    %dma_wait3A_336 = tpu.memref_squeeze %dma_wait3A_335 : memref<1x64x72xf32, #tpu.memory_space<vmem>> -> memref<64x72xf32, #tpu.memory_space<vmem>>
    %dma_wait3A_337 = arith.constant 0 : i32
    %dma_wait3A_338 = arith.constant 0 : i32
    %dma_wait3A_339 = tpu.memref_slice %arg5[%dma_wait3A_337, %dma_wait3A_338] : memref<1568x72xf32, #tpu.memory_space<hbm>> -> memref<64x72xf32, #tpu.memory_space<hbm>>
    %dma_wait3A_340 = tpu.memref_slice %arg12[%select_n3A_331] : memref<3x!tpu.dma_semaphore, #tpu.memory_space<semaphore_mem>> -> memref<1x!tpu.dma_semaphore, #tpu.memory_space<semaphore_mem>>
    %dma_wait3A_341 = tpu.memref_squeeze %dma_wait3A_340 : memref<1x!tpu.dma_semaphore, #tpu.memory_space<semaphore_mem>> -> memref<!tpu.dma_semaphore, #tpu.memory_space<semaphore_mem>>
    %dma_wait3A_342 = arith.constant 0 : i32
    %dma_wait3A_343 = arith.constant 0 : i32
    %dma_wait3A_344 = tpu.memref_slice %arg9[%dma_wait3A_332, %dma_wait3A_342, %dma_wait3A_343] : memref<3x64x72xf32, #tpu.memory_space<vmem>> -> memref<1x64x72xf32, #tpu.memory_space<vmem>>
    %dma_wait3A_345 = tpu.memref_squeeze %dma_wait3A_344 : memref<1x64x72xf32, #tpu.memory_space<vmem>> -> memref<64x72xf32, #tpu.memory_space<vmem>>
    %dma_wait3A_346 = arith.constant 0 : i32
    %dma_wait3A_347 = arith.constant 0 : i32
    %dma_wait3A_348 = tpu.memref_slice %arg5[%dma_wait3A_346, %dma_wait3A_347] : memref<1568x72xf32, #tpu.memory_space<hbm>> -> memref<64x72xf32, #tpu.memory_space<hbm>>
    tpu.wait_dma2 semaphore(%dma_wait3A_341 : memref<!tpu.dma_semaphore, #tpu.memory_space<semaphore_mem>>) src(%dma_wait3A_348 : memref<64x72xf32, #tpu.memory_space<hbm>>) dst(%dma_wait3A_345 : memref<64x72xf32, #tpu.memory_space<vmem>>)
    %barrier3A_349 = arith.constant 0 : index
    tpu.barrier barrier_id(%barrier3A_349)
    %add3A_350 = arith.addi %mul3A_0, %mul3A_2 : i32
    "tpu.region"() ({
      %run_scoped3A = tpu.sem_alloc : memref<!tpu.dma_semaphore, #tpu.memory_space<semaphore_mem>>
      %dma_start3A_714 = arith.constant 0 : i32
      %dma_start3A_715 = tpu.memref_slice %arg6[%add3A_350, %dma_start3A_714] : memref<50176x72xf32, #tpu.memory_space<hbm>> -> memref<1568x72xf32, #tpu.memory_space<hbm>>
      %dma_start3A_716 = arith.constant 0 : i32
      %dma_start3A_717 = tpu.memref_slice %arg10[%mul3A_2, %dma_start3A_716] : memref<25344x72xf32, #tpu.memory_space<vmem_shared>> -> memref<1568x72xf32, #tpu.memory_space<vmem_shared>>
      tpu.enqueue_dma source(%dma_start3A_717 : memref<1568x72xf32, #tpu.memory_space<vmem_shared>>) target(%dma_start3A_715 : memref<1568x72xf32, #tpu.memory_space<hbm>>) target_semaphore(%run_scoped3A : memref<!tpu.dma_semaphore, #tpu.memory_space<semaphore_mem>>)
      %dma_wait3A_718 = arith.constant 0 : i32
      %dma_wait3A_719 = tpu.memref_slice %arg6[%add3A_350, %dma_wait3A_718] : memref<50176x72xf32, #tpu.memory_space<hbm>> -> memref<1568x72xf32, #tpu.memory_space<hbm>>
      %dma_wait3A_720 = arith.constant 0 : i32
      %dma_wait3A_721 = tpu.memref_slice %arg10[%mul3A_2, %dma_wait3A_720] : memref<25344x72xf32, #tpu.memory_space<vmem_shared>> -> memref<1568x72xf32, #tpu.memory_space<vmem_shared>>
      tpu.wait_dma2 semaphore(%run_scoped3A : memref<!tpu.dma_semaphore, #tpu.memory_space<semaphore_mem>>) src(%dma_wait3A_721 : memref<1568x72xf32, #tpu.memory_space<vmem_shared>>) dst(%dma_wait3A_719 : memref<1568x72xf32, #tpu.memory_space<hbm>>)
      tpu.yield
    }) : () -> ()
    %barrier3A_351 = arith.constant 0 : index
    tpu.barrier barrier_id(%barrier3A_351)
    "tpu.region"() ({
      %run_scoped3A = tpu.sem_alloc : memref<!tpu.dma_semaphore, #tpu.memory_space<semaphore_mem>>
      %dma_start3A_714 = arith.constant 0 : i32
      %dma_start3A_715 = tpu.memref_slice %arg10[%mul3A_2, %dma_start3A_714] : memref<25344x72xf32, #tpu.memory_space<vmem_shared>> -> memref<1568x72xf32, #tpu.memory_space<vmem_shared>>
      tpu.enqueue_dma source(%arg5 : memref<1568x72xf32, #tpu.memory_space<hbm>>) target(%dma_start3A_715 : memref<1568x72xf32, #tpu.memory_space<vmem_shared>>) target_semaphore(%run_scoped3A : memref<!tpu.dma_semaphore, #tpu.memory_space<semaphore_mem>>)
      %dma_wait3A_716 = arith.constant 0 : i32
      %dma_wait3A_717 = tpu.memref_slice %arg10[%mul3A_2, %dma_wait3A_716] : memref<25344x72xf32, #tpu.memory_space<vmem_shared>> -> memref<1568x72xf32, #tpu.memory_space<vmem_shared>>
      tpu.wait_dma2 semaphore(%run_scoped3A : memref<!tpu.dma_semaphore, #tpu.memory_space<semaphore_mem>>) src(%arg5 : memref<1568x72xf32, #tpu.memory_space<hbm>>) dst(%dma_wait3A_717 : memref<1568x72xf32, #tpu.memory_space<vmem_shared>>)
      tpu.yield
    }) : () -> ()
    %barrier3A_352 = arith.constant 0 : index
    tpu.barrier barrier_id(%barrier3A_352)
    %lt3A_353 = arith.constant 4 : i32
    %lt3A_354 = arith.cmpi slt, %arg1, %lt3A_353 : i32
    %jit3A_355 = arith.constant 782 : i32
    %jit3A_356 = arith.constant 781 : i32
    %select_n3A_357 = arith.select %lt3A_354, %jit3A_355, %jit3A_356 : i32
    %add3A_358 = arith.constant 0 : i32
    %add3A_359 = arith.addi %arg1, %add3A_358 : i32
    %dma_start3A_360 = arith.constant 0 : i32
    %dma_start3A_361 = arith.constant 0 : i32
    %dma_start3A_362 = arith.constant 0 : i32
    %dma_start3A_363 = arith.constant 0 : i32
    %dma_start3A_364 = tpu.memref_slice %arg8[%dma_start3A_360, %dma_start3A_362, %dma_start3A_363] : memref<8x2x64xi32, #tpu.memory_space<vmem>> -> memref<1x2x64xi32, #tpu.memory_space<vmem>>
    %dma_start3A_365 = tpu.memref_squeeze %dma_start3A_364 : memref<1x2x64xi32, #tpu.memory_space<vmem>> -> memref<2x64xi32, #tpu.memory_space<vmem>>
    %dma_start3A_366 = arith.constant 0 : i32
    %dma_start3A_367 = arith.constant 0 : i32
    %dma_start3A_368 = tpu.memref_slice %arg4[%add3A_359, %dma_start3A_366, %dma_start3A_367] : memref<12500x2x64xi32, #tpu.memory_space<hbm>> -> memref<1x2x64xi32, #tpu.memory_space<hbm>>
    %dma_start3A_369 = tpu.memref_squeeze %dma_start3A_368 : memref<1x2x64xi32, #tpu.memory_space<hbm>> -> memref<2x64xi32, #tpu.memory_space<hbm>>
    %dma_start3A_370 = tpu.memref_slice %arg13[%dma_start3A_361] : memref<8x!tpu.dma_semaphore, #tpu.memory_space<semaphore_mem>> -> memref<1x!tpu.dma_semaphore, #tpu.memory_space<semaphore_mem>>
    %dma_start3A_371 = tpu.memref_squeeze %dma_start3A_370 : memref<1x!tpu.dma_semaphore, #tpu.memory_space<semaphore_mem>> -> memref<!tpu.dma_semaphore, #tpu.memory_space<semaphore_mem>>
    %dma_start3A_372 = arith.constant 0 : i32
    %dma_start3A_373 = arith.constant 0 : i32
    %dma_start3A_374 = tpu.memref_slice %arg8[%dma_start3A_360, %dma_start3A_372, %dma_start3A_373] : memref<8x2x64xi32, #tpu.memory_space<vmem>> -> memref<1x2x64xi32, #tpu.memory_space<vmem>>
    %dma_start3A_375 = tpu.memref_squeeze %dma_start3A_374 : memref<1x2x64xi32, #tpu.memory_space<vmem>> -> memref<2x64xi32, #tpu.memory_space<vmem>>
    %dma_start3A_376 = arith.constant 0 : i32
    %dma_start3A_377 = arith.constant 0 : i32
    %dma_start3A_378 = tpu.memref_slice %arg4[%add3A_359, %dma_start3A_376, %dma_start3A_377] : memref<12500x2x64xi32, #tpu.memory_space<hbm>> -> memref<1x2x64xi32, #tpu.memory_space<hbm>>
    %dma_start3A_379 = tpu.memref_squeeze %dma_start3A_378 : memref<1x2x64xi32, #tpu.memory_space<hbm>> -> memref<2x64xi32, #tpu.memory_space<hbm>>
    tpu.enqueue_dma source(%dma_start3A_379 : memref<2x64xi32, #tpu.memory_space<hbm>>) target(%dma_start3A_375 : memref<2x64xi32, #tpu.memory_space<vmem>>) target_semaphore(%dma_start3A_371 : memref<!tpu.dma_semaphore, #tpu.memory_space<semaphore_mem>>)
    %add3A_380 = arith.constant 16 : i32
    %add3A_381 = arith.addi %arg1, %add3A_380 : i32
    %dma_start3A_382 = arith.constant 1 : i32
    %dma_start3A_383 = arith.constant 1 : i32
    %dma_start3A_384 = arith.constant 0 : i32
    %dma_start3A_385 = arith.constant 0 : i32
    %dma_start3A_386 = tpu.memref_slice %arg8[%dma_start3A_382, %dma_start3A_384, %dma_start3A_385] : memref<8x2x64xi32, #tpu.memory_space<vmem>> -> memref<1x2x64xi32, #tpu.memory_space<vmem>>
    %dma_start3A_387 = tpu.memref_squeeze %dma_start3A_386 : memref<1x2x64xi32, #tpu.memory_space<vmem>> -> memref<2x64xi32, #tpu.memory_space<vmem>>
    %dma_start3A_388 = arith.constant 0 : i32
    %dma_start3A_389 = arith.constant 0 : i32
    %dma_start3A_390 = tpu.memref_slice %arg4[%add3A_381, %dma_start3A_388, %dma_start3A_389] : memref<12500x2x64xi32, #tpu.memory_space<hbm>> -> memref<1x2x64xi32, #tpu.memory_space<hbm>>
    %dma_start3A_391 = tpu.memref_squeeze %dma_start3A_390 : memref<1x2x64xi32, #tpu.memory_space<hbm>> -> memref<2x64xi32, #tpu.memory_space<hbm>>
    %dma_start3A_392 = tpu.memref_slice %arg13[%dma_start3A_383] : memref<8x!tpu.dma_semaphore, #tpu.memory_space<semaphore_mem>> -> memref<1x!tpu.dma_semaphore, #tpu.memory_space<semaphore_mem>>
    %dma_start3A_393 = tpu.memref_squeeze %dma_start3A_392 : memref<1x!tpu.dma_semaphore, #tpu.memory_space<semaphore_mem>> -> memref<!tpu.dma_semaphore, #tpu.memory_space<semaphore_mem>>
    %dma_start3A_394 = arith.constant 0 : i32
    %dma_start3A_395 = arith.constant 0 : i32
    %dma_start3A_396 = tpu.memref_slice %arg8[%dma_start3A_382, %dma_start3A_394, %dma_start3A_395] : memref<8x2x64xi32, #tpu.memory_space<vmem>> -> memref<1x2x64xi32, #tpu.memory_space<vmem>>
    %dma_start3A_397 = tpu.memref_squeeze %dma_start3A_396 : memref<1x2x64xi32, #tpu.memory_space<vmem>> -> memref<2x64xi32, #tpu.memory_space<vmem>>
    %dma_start3A_398 = arith.constant 0 : i32
    %dma_start3A_399 = arith.constant 0 : i32
    %dma_start3A_400 = tpu.memref_slice %arg4[%add3A_381, %dma_start3A_398, %dma_start3A_399] : memref<12500x2x64xi32, #tpu.memory_space<hbm>> -> memref<1x2x64xi32, #tpu.memory_space<hbm>>
    %dma_start3A_401 = tpu.memref_squeeze %dma_start3A_400 : memref<1x2x64xi32, #tpu.memory_space<hbm>> -> memref<2x64xi32, #tpu.memory_space<hbm>>
    tpu.enqueue_dma source(%dma_start3A_401 : memref<2x64xi32, #tpu.memory_space<hbm>>) target(%dma_start3A_397 : memref<2x64xi32, #tpu.memory_space<vmem>>) target_semaphore(%dma_start3A_393 : memref<!tpu.dma_semaphore, #tpu.memory_space<semaphore_mem>>)
    %while3A_402 = arith.constant 0 : i32
    %while3A_403 = arith.constant 0 : i32
    %while3A_404 = arith.subi %select_n3A_357, %while3A_403 : i32
    %while3A_405 = arith.addi %while3A_403, %while3A_404 : i32
    %while3A_406 = arith.constant 1 : i32
    %while3A_407 = arith.divsi %while3A_404, %while3A_406 : i32
    %while3A_408 = arith.muli %while3A_407, %while3A_406 : i32
    %while3A_409 = arith.addi %while3A_403, %while3A_408 : i32
    %while3A_410 = arith.constant 1 : i32
    scf.for %while3A_714 = %while3A_403 to %while3A_409 step %while3A_410  : i32 {
      %jit3A_715 = arith.constant 8 : i32
      %eq3A_716 = arith.constant 0 : i32
      %eq3A_717 = arith.cmpi eq, %jit3A_715, %eq3A_716 : i32
      %jit3A_718 = arith.constant 1 : i32
      %select_n3A_719 = arith.select %eq3A_717, %jit3A_718, %jit3A_715 : i32
      %rem3A_720 = arith.remsi %while3A_714, %select_n3A_719 : i32
      %ne3A_721 = arith.constant 0 : i32
      %ne3A_722 = arith.cmpi ne, %rem3A_720, %ne3A_721 : i32
      %lt3A_723 = arith.constant 0 : i32
      %lt3A_724 = arith.cmpi slt, %rem3A_720, %lt3A_723 : i32
      %lt3A_725 = arith.constant 0 : i32
      %lt3A_726 = arith.cmpi slt, %select_n3A_719, %lt3A_725 : i32
      %ne3A_727 = arith.xori %lt3A_724, %lt3A_726 : i1
      %and3A_728 = arith.andi %ne3A_727, %ne3A_722 : i1
      %add3A_729 = arith.addi %rem3A_720, %select_n3A_719 : i32
      %select_n3A_730 = arith.select %and3A_728, %add3A_729, %rem3A_720 : i32
      %jit3A_731 = arith.constant 3 : i32
      %eq3A_732 = arith.constant 0 : i32
      %eq3A_733 = arith.cmpi eq, %jit3A_731, %eq3A_732 : i32
      %jit3A_734 = arith.constant 1 : i32
      %select_n3A_735 = arith.select %eq3A_733, %jit3A_734, %jit3A_731 : i32
      %rem3A_736 = arith.remsi %while3A_714, %select_n3A_735 : i32
      %ne3A_737 = arith.constant 0 : i32
      %ne3A_738 = arith.cmpi ne, %rem3A_736, %ne3A_737 : i32
      %lt3A_739 = arith.constant 0 : i32
      %lt3A_740 = arith.cmpi slt, %rem3A_736, %lt3A_739 : i32
      %lt3A_741 = arith.constant 0 : i32
      %lt3A_742 = arith.cmpi slt, %select_n3A_735, %lt3A_741 : i32
      %ne3A_743 = arith.xori %lt3A_740, %lt3A_742 : i1
      %and3A_744 = arith.andi %ne3A_743, %ne3A_738 : i1
      %add3A_745 = arith.addi %rem3A_736, %select_n3A_735 : i32
      %select_n3A_746 = arith.select %and3A_744, %add3A_745, %rem3A_736 : i32
      %ge3A = arith.constant 3 : i32
      %ge3A_747 = arith.cmpi sge, %while3A_714, %ge3A : i32
      %convert_element_type3A = arith.extui %ge3A_747 : i1 to i32
      %cond3A = arith.constant 0 : i32
      %cond3A_748 = arith.cmpi ne, %convert_element_type3A, %cond3A : i32
      scf.if %cond3A_748 {
        %dma_wait3A_889 = arith.constant 0 : i32
        %dma_wait3A_890 = arith.constant 0 : i32
        %dma_wait3A_891 = arith.constant 0 : i32
        %dma_wait3A_892 = tpu.memref_slice %arg9[%dma_wait3A_889, %dma_wait3A_890, %dma_wait3A_891] : memref<3x64x72xf32, #tpu.memory_space<vmem>> -> memref<1x64x72xf32, #tpu.memory_space<vmem>>
        %dma_wait3A_893 = tpu.memref_squeeze %dma_wait3A_892 : memref<1x64x72xf32, #tpu.memory_space<vmem>> -> memref<64x72xf32, #tpu.memory_space<vmem>>
        %dma_wait3A_894 = arith.constant 0 : i32
        %dma_wait3A_895 = arith.constant 0 : i32
        %dma_wait3A_896 = tpu.memref_slice %arg5[%dma_wait3A_894, %dma_wait3A_895] : memref<1568x72xf32, #tpu.memory_space<hbm>> -> memref<64x72xf32, #tpu.memory_space<hbm>>
        %dma_wait3A_897 = tpu.memref_slice %arg12[%select_n3A_746] : memref<3x!tpu.dma_semaphore, #tpu.memory_space<semaphore_mem>> -> memref<1x!tpu.dma_semaphore, #tpu.memory_space<semaphore_mem>>
        %dma_wait3A_898 = tpu.memref_squeeze %dma_wait3A_897 : memref<1x!tpu.dma_semaphore, #tpu.memory_space<semaphore_mem>> -> memref<!tpu.dma_semaphore, #tpu.memory_space<semaphore_mem>>
        %dma_wait3A_899 = arith.constant 0 : i32
        %dma_wait3A_900 = arith.constant 0 : i32
        %dma_wait3A_901 = tpu.memref_slice %arg9[%dma_wait3A_889, %dma_wait3A_899, %dma_wait3A_900] : memref<3x64x72xf32, #tpu.memory_space<vmem>> -> memref<1x64x72xf32, #tpu.memory_space<vmem>>
        %dma_wait3A_902 = tpu.memref_squeeze %dma_wait3A_901 : memref<1x64x72xf32, #tpu.memory_space<vmem>> -> memref<64x72xf32, #tpu.memory_space<vmem>>
        %dma_wait3A_903 = arith.constant 0 : i32
        %dma_wait3A_904 = arith.constant 0 : i32
        %dma_wait3A_905 = tpu.memref_slice %arg5[%dma_wait3A_903, %dma_wait3A_904] : memref<1568x72xf32, #tpu.memory_space<hbm>> -> memref<64x72xf32, #tpu.memory_space<hbm>>
        tpu.wait_dma2 semaphore(%dma_wait3A_898 : memref<!tpu.dma_semaphore, #tpu.memory_space<semaphore_mem>>) src(%dma_wait3A_905 : memref<64x72xf32, #tpu.memory_space<hbm>>) dst(%dma_wait3A_902 : memref<64x72xf32, #tpu.memory_space<vmem>>)
      } else {
      }
      %dma_wait3A_749 = arith.constant 0 : i32
      %dma_wait3A_750 = arith.constant 0 : i32
      %dma_wait3A_751 = arith.constant 0 : i32
      %dma_wait3A_752 = arith.constant 0 : i32
      %dma_wait3A_753 = tpu.memref_slice %arg8[%dma_wait3A_750, %dma_wait3A_751, %dma_wait3A_752] : memref<8x2x64xi32, #tpu.memory_space<vmem>> -> memref<1x2x64xi32, #tpu.memory_space<vmem>>
      %dma_wait3A_754 = tpu.memref_squeeze %dma_wait3A_753 : memref<1x2x64xi32, #tpu.memory_space<vmem>> -> memref<2x64xi32, #tpu.memory_space<vmem>>
      %dma_wait3A_755 = arith.constant 0 : i32
      %dma_wait3A_756 = arith.constant 0 : i32
      %dma_wait3A_757 = tpu.memref_slice %arg3[%dma_wait3A_749, %dma_wait3A_755, %dma_wait3A_756] : memref<12500x2x64xi32, #tpu.memory_space<hbm>> -> memref<1x2x64xi32, #tpu.memory_space<hbm>>
      %dma_wait3A_758 = tpu.memref_squeeze %dma_wait3A_757 : memref<1x2x64xi32, #tpu.memory_space<hbm>> -> memref<2x64xi32, #tpu.memory_space<hbm>>
      %dma_wait3A_759 = tpu.memref_slice %arg13[%select_n3A_730] : memref<8x!tpu.dma_semaphore, #tpu.memory_space<semaphore_mem>> -> memref<1x!tpu.dma_semaphore, #tpu.memory_space<semaphore_mem>>
      %dma_wait3A_760 = tpu.memref_squeeze %dma_wait3A_759 : memref<1x!tpu.dma_semaphore, #tpu.memory_space<semaphore_mem>> -> memref<!tpu.dma_semaphore, #tpu.memory_space<semaphore_mem>>
      %dma_wait3A_761 = arith.constant 0 : i32
      %dma_wait3A_762 = arith.constant 0 : i32
      %dma_wait3A_763 = tpu.memref_slice %arg8[%dma_wait3A_750, %dma_wait3A_761, %dma_wait3A_762] : memref<8x2x64xi32, #tpu.memory_space<vmem>> -> memref<1x2x64xi32, #tpu.memory_space<vmem>>
      %dma_wait3A_764 = tpu.memref_squeeze %dma_wait3A_763 : memref<1x2x64xi32, #tpu.memory_space<vmem>> -> memref<2x64xi32, #tpu.memory_space<vmem>>
      %dma_wait3A_765 = arith.constant 0 : i32
      %dma_wait3A_766 = arith.constant 0 : i32
      %dma_wait3A_767 = tpu.memref_slice %arg3[%dma_wait3A_749, %dma_wait3A_765, %dma_wait3A_766] : memref<12500x2x64xi32, #tpu.memory_space<hbm>> -> memref<1x2x64xi32, #tpu.memory_space<hbm>>
      %dma_wait3A_768 = tpu.memref_squeeze %dma_wait3A_767 : memref<1x2x64xi32, #tpu.memory_space<hbm>> -> memref<2x64xi32, #tpu.memory_space<hbm>>
      tpu.wait_dma2 semaphore(%dma_wait3A_760 : memref<!tpu.dma_semaphore, #tpu.memory_space<semaphore_mem>>) src(%dma_wait3A_768 : memref<2x64xi32, #tpu.memory_space<hbm>>) dst(%dma_wait3A_764 : memref<2x64xi32, #tpu.memory_space<vmem>>)
      %dma_start3A_769 = arith.constant 0 : i32
      %dma_start3A_770 = arith.constant 0 : i32
      %dma_start3A_771 = arith.constant 0 : i32
      %dma_start3A_772 = tpu.memref_slice %arg9[%select_n3A_746, %dma_start3A_770, %dma_start3A_771] : memref<3x64x72xf32, #tpu.memory_space<vmem>> -> memref<1x64x72xf32, #tpu.memory_space<vmem>>
      %dma_start3A_773 = tpu.memref_squeeze %dma_start3A_772 : memref<1x64x72xf32, #tpu.memory_space<vmem>> -> memref<64x72xf32, #tpu.memory_space<vmem>>
      %dma_start3A_774 = arith.constant 0 : i32
      %dma_start3A_775 = tpu.memref_slice %arg8[%select_n3A_730, %dma_start3A_769, %dma_start3A_774] : memref<8x2x64xi32, #tpu.memory_space<vmem>> -> memref<1x1x64xi32, #tpu.memory_space<vmem>>
      %dma_start3A_776 = tpu.memref_squeeze %dma_start3A_775 : memref<1x1x64xi32, #tpu.memory_space<vmem>> -> memref<64xi32, #tpu.memory_space<vmem>>
      %dma_start3A_777 = arith.constant 0 : i32
      %dma_start3A_778 = arith.constant 0 : i32
      %dma_start3A_779 = tpu.memref_slice %arg2[%dma_start3A_777, %dma_start3A_778] : memref<50000x72xf32, #tpu.memory_space<hbm>> -> memref<50000x72xf32, #tpu.memory_space<hbm>>
      %dma_start3A_780 = tpu.memref_slice %arg11[%select_n3A_746] : memref<3x!tpu.dma_semaphore, #tpu.memory_space<semaphore_mem>> -> memref<1x!tpu.dma_semaphore, #tpu.memory_space<semaphore_mem>>
      %dma_start3A_781 = tpu.memref_squeeze %dma_start3A_780 : memref<1x!tpu.dma_semaphore, #tpu.memory_space<semaphore_mem>> -> memref<!tpu.dma_semaphore, #tpu.memory_space<semaphore_mem>>
      tpu.enqueue_indirect_dma source(%dma_start3A_779 : memref<50000x72xf32, #tpu.memory_space<hbm>>) target(%dma_start3A_773 : memref<64x72xf32, #tpu.memory_space<vmem>>) offsets(%dma_start3A_776 : memref<64xi32, #tpu.memory_space<vmem>>) semaphore(%dma_start3A_781 : memref<!tpu.dma_semaphore, #tpu.memory_space<semaphore_mem>>)
      %mul3A_782 = arith.constant 16 : i32
      %mul3A_783 = arith.muli %arg1, %mul3A_782 : i32
      %add3A_784 = arith.constant 25088 : i32
      %add3A_785 = arith.addi %add3A_784, %mul3A_783 : i32
      %iota3A = tpu.iota {dimensions = array<i32: 0>} : vector<16xi32>
      %add3A_786 = vector.broadcast %add3A_785 : i32 to vector<16xi32>
      %add3A_787 = arith.addi %add3A_786, %iota3A : vector<16xi32>
      %get3A = arith.constant 1 : i32
      %get3A_788 = arith.index_cast %select_n3A_730 : i32 to index
      %get3A_789 = arith.index_cast %get3A : i32 to index
      %get3A_790 = arith.constant 0 : index
      %get3A_791 = tpu.vector_load %arg8[%get3A_788, %get3A_789, %get3A_790] {strides = array<i32>} : memref<8x2x64xi32, #tpu.memory_space<vmem>>, vector<1x1x16xi32>,
      %get3A_792 = vector.shape_cast %get3A_791 : vector<1x1x16xi32> to vector<16xi32>
      %sub3A_793 = vector.broadcast %mul3A_0 : i32 to vector<16xi32>
      %sub3A_794 = arith.subi %get3A_792, %sub3A_793 : vector<16xi32>
      %ge3A_795 = arith.constant 0 : i32
      %ge3A_796 = vector.broadcast %ge3A_795 : i32 to vector<16xi32>
      %ge3A_797 = arith.cmpi sge, %sub3A_794, %ge3A_796 : vector<16xi32>
      %lt3A_798 = arith.constant 25088 : i32
      %lt3A_799 = vector.broadcast %lt3A_798 : i32 to vector<16xi32>
      %lt3A_800 = arith.cmpi slt, %sub3A_794, %lt3A_799 : vector<16xi32>
      %and3A_801 = arith.andi %ge3A_797, %lt3A_800 : vector<16xi1>
      %select_n3A_802 = arith.select %and3A_801, %sub3A_794, %add3A_787 : vector<16xi1>, vector<16xi32>
      %swap3A = arith.constant 1 : i32
      %swap3A_803 = arith.index_cast %select_n3A_730 : i32 to index
      %swap3A_804 = arith.index_cast %swap3A : i32 to index
      %swap3A_805 = arith.constant 0 : index
      %swap3A_806 = tpu.vector_load %arg8[%swap3A_803, %swap3A_804, %swap3A_805] {strides = array<i32>} : memref<8x2x64xi32, #tpu.memory_space<vmem>>, vector<1x1x16xi32>,
      %swap3A_807 = vector.shape_cast %swap3A_806 : vector<1x1x16xi32> to vector<16xi32>
      %swap3A_808 = vector.shape_cast %select_n3A_802 : vector<16xi32> to vector<1x1x16xi32>
      tpu.vector_store %arg8[%swap3A_803, %swap3A_804, %swap3A_805], %swap3A_808 {strides = array<i32>} : memref<8x2x64xi32, #tpu.memory_space<vmem>>, vector<1x1x16xi32>,
      %get3A_809 = arith.constant 1 : i32
      %get3A_810 = arith.index_cast %select_n3A_730 : i32 to index
      %get3A_811 = arith.index_cast %get3A_809 : i32 to index
      %get3A_812 = arith.constant 16 : index
      %get3A_813 = tpu.vector_load %arg8[%get3A_810, %get3A_811, %get3A_812] {strides = array<i32>} : memref<8x2x64xi32, #tpu.memory_space<vmem>>, vector<1x1x16xi32>,
      %get3A_814 = vector.shape_cast %get3A_813 : vector<1x1x16xi32> to vector<16xi32>
      %sub3A_815 = vector.broadcast %mul3A_0 : i32 to vector<16xi32>
      %sub3A_816 = arith.subi %get3A_814, %sub3A_815 : vector<16xi32>
      %ge3A_817 = arith.constant 0 : i32
      %ge3A_818 = vector.broadcast %ge3A_817 : i32 to vector<16xi32>
      %ge3A_819 = arith.cmpi sge, %sub3A_816, %ge3A_818 : vector<16xi32>
      %lt3A_820 = arith.constant 25088 : i32
      %lt3A_821 = vector.broadcast %lt3A_820 : i32 to vector<16xi32>
      %lt3A_822 = arith.cmpi slt, %sub3A_816, %lt3A_821 : vector<16xi32>
      %and3A_823 = arith.andi %ge3A_819, %lt3A_822 : vector<16xi1>
      %select_n3A_824 = arith.select %and3A_823, %sub3A_816, %add3A_787 : vector<16xi1>, vector<16xi32>
      %swap3A_825 = arith.constant 1 : i32
      %swap3A_826 = arith.index_cast %select_n3A_730 : i32 to index
      %swap3A_827 = arith.index_cast %swap3A_825 : i32 to index
      %swap3A_828 = arith.constant 16 : index
      %swap3A_829 = tpu.vector_load %arg8[%swap3A_826, %swap3A_827, %swap3A_828] {strides = array<i32>} : memref<8x2x64xi32, #tpu.memory_space<vmem>>, vector<1x1x16xi32>,
      %swap3A_830 = vector.shape_cast %swap3A_829 : vector<1x1x16xi32> to vector<16xi32>
      %swap3A_831 = vector.shape_cast %select_n3A_824 : vector<16xi32> to vector<1x1x16xi32>
      tpu.vector_store %arg8[%swap3A_826, %swap3A_827, %swap3A_828], %swap3A_831 {strides = array<i32>} : memref<8x2x64xi32, #tpu.memory_space<vmem>>, vector<1x1x16xi32>,
      %get3A_832 = arith.constant 1 : i32
      %get3A_833 = arith.index_cast %select_n3A_730 : i32 to index
      %get3A_834 = arith.index_cast %get3A_832 : i32 to index
      %get3A_835 = arith.constant 32 : index
      %get3A_836 = tpu.vector_load %arg8[%get3A_833, %get3A_834, %get3A_835] {strides = array<i32>} : memref<8x2x64xi32, #tpu.memory_space<vmem>>, vector<1x1x16xi32>,
      %get3A_837 = vector.shape_cast %get3A_836 : vector<1x1x16xi32> to vector<16xi32>
      %sub3A_838 = vector.broadcast %mul3A_0 : i32 to vector<16xi32>
      %sub3A_839 = arith.subi %get3A_837, %sub3A_838 : vector<16xi32>
      %ge3A_840 = arith.constant 0 : i32
      %ge3A_841 = vector.broadcast %ge3A_840 : i32 to vector<16xi32>
      %ge3A_842 = arith.cmpi sge, %sub3A_839, %ge3A_841 : vector<16xi32>
      %lt3A_843 = arith.constant 25088 : i32
      %lt3A_844 = vector.broadcast %lt3A_843 : i32 to vector<16xi32>
      %lt3A_845 = arith.cmpi slt, %sub3A_839, %lt3A_844 : vector<16xi32>
      %and3A_846 = arith.andi %ge3A_842, %lt3A_845 : vector<16xi1>
      %select_n3A_847 = arith.select %and3A_846, %sub3A_839, %add3A_787 : vector<16xi1>, vector<16xi32>
      %swap3A_848 = arith.constant 1 : i32
      %swap3A_849 = arith.index_cast %select_n3A_730 : i32 to index
      %swap3A_850 = arith.index_cast %swap3A_848 : i32 to index
      %swap3A_851 = arith.constant 32 : index
      %swap3A_852 = tpu.vector_load %arg8[%swap3A_849, %swap3A_850, %swap3A_851] {strides = array<i32>} : memref<8x2x64xi32, #tpu.memory_space<vmem>>, vector<1x1x16xi32>,
      %swap3A_853 = vector.shape_cast %swap3A_852 : vector<1x1x16xi32> to vector<16xi32>
      %swap3A_854 = vector.shape_cast %select_n3A_847 : vector<16xi32> to vector<1x1x16xi32>
      tpu.vector_store %arg8[%swap3A_849, %swap3A_850, %swap3A_851], %swap3A_854 {strides = array<i32>} : memref<8x2x64xi32, #tpu.memory_space<vmem>>, vector<1x1x16xi32>,
      %get3A_855 = arith.constant 1 : i32
      %get3A_856 = arith.index_cast %select_n3A_730 : i32 to index
      %get3A_857 = arith.index_cast %get3A_855 : i32 to index
      %get3A_858 = arith.constant 48 : index
      %get3A_859 = tpu.vector_load %arg8[%get3A_856, %get3A_857, %get3A_858] {strides = array<i32>} : memref<8x2x64xi32, #tpu.memory_space<vmem>>, vector<1x1x16xi32>,
      %get3A_860 = vector.shape_cast %get3A_859 : vector<1x1x16xi32> to vector<16xi32>
      %sub3A_861 = vector.broadcast %mul3A_0 : i32 to vector<16xi32>
      %sub3A_862 = arith.subi %get3A_860, %sub3A_861 : vector<16xi32>
      %ge3A_863 = arith.constant 0 : i32
      %ge3A_864 = vector.broadcast %ge3A_863 : i32 to vector<16xi32>
      %ge3A_865 = arith.cmpi sge, %sub3A_862, %ge3A_864 : vector<16xi32>
      %lt3A_866 = arith.constant 25088 : i32
      %lt3A_867 = vector.broadcast %lt3A_866 : i32 to vector<16xi32>
      %lt3A_868 = arith.cmpi slt, %sub3A_862, %lt3A_867 : vector<16xi32>
      %and3A_869 = arith.andi %ge3A_865, %lt3A_868 : vector<16xi1>
      %select_n3A_870 = arith.select %and3A_869, %sub3A_862, %add3A_787 : vector<16xi1>, vector<16xi32>
      %swap3A_871 = arith.constant 1 : i32
      %swap3A_872 = arith.index_cast %select_n3A_730 : i32 to index
      %swap3A_873 = arith.index_cast %swap3A_871 : i32 to index
      %swap3A_874 = arith.constant 48 : index
      %swap3A_875 = tpu.vector_load %arg8[%swap3A_872, %swap3A_873, %swap3A_874] {strides = array<i32>} : memref<8x2x64xi32, #tpu.memory_space<vmem>>, vector<1x1x16xi32>,
      %swap3A_876 = vector.shape_cast %swap3A_875 : vector<1x1x16xi32> to vector<16xi32>
      %swap3A_877 = vector.shape_cast %select_n3A_870 : vector<16xi32> to vector<1x1x16xi32>
      tpu.vector_store %arg8[%swap3A_872, %swap3A_873, %swap3A_874], %swap3A_877 {strides = array<i32>} : memref<8x2x64xi32, #tpu.memory_space<vmem>>, vector<1x1x16xi32>,
      %add3A_878 = arith.constant 2 : i32
      %add3A_879 = arith.addi %while3A_714, %add3A_878 : i32
      %lt3A_880 = arith.cmpi slt, %add3A_879, %select_n3A_357 : i32
      %convert_element_type3A_881 = arith.extui %lt3A_880 : i1 to i32
      %cond3A_882 = arith.constant 0 : i32
      %cond3A_883 = arith.cmpi ne, %convert_element_type3A_881, %cond3A_882 : i32
      scf.if %cond3A_883 {
        %add3A_889 = arith.constant 2 : i32
        %add3A_890 = arith.addi %while3A_714, %add3A_889 : i32
        %jit3A_891 = arith.constant 8 : i32
        %eq3A_892 = arith.constant 0 : i32
        %eq3A_893 = arith.cmpi eq, %jit3A_891, %eq3A_892 : i32
        %jit3A_894 = arith.constant 1 : i32
        %select_n3A_895 = arith.select %eq3A_893, %jit3A_894, %jit3A_891 : i32
        %rem3A_896 = arith.remsi %add3A_890, %select_n3A_895 : i32
        %ne3A_897 = arith.constant 0 : i32
        %ne3A_898 = arith.cmpi ne, %rem3A_896, %ne3A_897 : i32
        %lt3A_899 = arith.constant 0 : i32
        %lt3A_900 = arith.cmpi slt, %rem3A_896, %lt3A_899 : i32
        %lt3A_901 = arith.constant 0 : i32
        %lt3A_902 = arith.cmpi slt, %select_n3A_895, %lt3A_901 : i32
        %ne3A_903 = arith.xori %lt3A_900, %lt3A_902 : i1
        %and3A_904 = arith.andi %ne3A_903, %ne3A_898 : i1
        %add3A_905 = arith.addi %rem3A_896, %select_n3A_895 : i32
        %select_n3A_906 = arith.select %and3A_904, %add3A_905, %rem3A_896 : i32
        %add3A_907 = arith.constant 2 : i32
        %add3A_908 = arith.addi %while3A_714, %add3A_907 : i32
        %mul3A_909 = arith.constant 16 : i32
        %mul3A_910 = arith.muli %mul3A_909, %add3A_908 : i32
        %add3A_911 = arith.addi %arg1, %mul3A_910 : i32
        %dma_start3A_912 = arith.constant 0 : i32
        %dma_start3A_913 = arith.constant 0 : i32
        %dma_start3A_914 = tpu.memref_slice %arg8[%select_n3A_906, %dma_start3A_912, %dma_start3A_913] : memref<8x2x64xi32, #tpu.memory_space<vmem>> -> memref<1x2x64xi32, #tpu.memory_space<vmem>>
        %dma_start3A_915 = tpu.memref_squeeze %dma_start3A_914 : memref<1x2x64xi32, #tpu.memory_space<vmem>> -> memref<2x64xi32, #tpu.memory_space<vmem>>
        %dma_start3A_916 = arith.constant 0 : i32
        %dma_start3A_917 = arith.constant 0 : i32
        %dma_start3A_918 = tpu.memref_slice %arg4[%add3A_911, %dma_start3A_916, %dma_start3A_917] : memref<12500x2x64xi32, #tpu.memory_space<hbm>> -> memref<1x2x64xi32, #tpu.memory_space<hbm>>
        %dma_start3A_919 = tpu.memref_squeeze %dma_start3A_918 : memref<1x2x64xi32, #tpu.memory_space<hbm>> -> memref<2x64xi32, #tpu.memory_space<hbm>>
        %dma_start3A_920 = tpu.memref_slice %arg13[%select_n3A_906] : memref<8x!tpu.dma_semaphore, #tpu.memory_space<semaphore_mem>> -> memref<1x!tpu.dma_semaphore, #tpu.memory_space<semaphore_mem>>
        %dma_start3A_921 = tpu.memref_squeeze %dma_start3A_920 : memref<1x!tpu.dma_semaphore, #tpu.memory_space<semaphore_mem>> -> memref<!tpu.dma_semaphore, #tpu.memory_space<semaphore_mem>>
        %dma_start3A_922 = arith.constant 0 : i32
        %dma_start3A_923 = arith.constant 0 : i32
        %dma_start3A_924 = tpu.memref_slice %arg8[%select_n3A_906, %dma_start3A_922, %dma_start3A_923] : memref<8x2x64xi32, #tpu.memory_space<vmem>> -> memref<1x2x64xi32, #tpu.memory_space<vmem>>
        %dma_start3A_925 = tpu.memref_squeeze %dma_start3A_924 : memref<1x2x64xi32, #tpu.memory_space<vmem>> -> memref<2x64xi32, #tpu.memory_space<vmem>>
        %dma_start3A_926 = arith.constant 0 : i32
        %dma_start3A_927 = arith.constant 0 : i32
        %dma_start3A_928 = tpu.memref_slice %arg4[%add3A_911, %dma_start3A_926, %dma_start3A_927] : memref<12500x2x64xi32, #tpu.memory_space<hbm>> -> memref<1x2x64xi32, #tpu.memory_space<hbm>>
        %dma_start3A_929 = tpu.memref_squeeze %dma_start3A_928 : memref<1x2x64xi32, #tpu.memory_space<hbm>> -> memref<2x64xi32, #tpu.memory_space<hbm>>
        tpu.enqueue_dma source(%dma_start3A_929 : memref<2x64xi32, #tpu.memory_space<hbm>>) target(%dma_start3A_925 : memref<2x64xi32, #tpu.memory_space<vmem>>) target_semaphore(%dma_start3A_921 : memref<!tpu.dma_semaphore, #tpu.memory_space<semaphore_mem>>)
      } else {
      }
      %ge3A_884 = arith.constant 2 : i32
      %ge3A_885 = arith.cmpi sge, %while3A_714, %ge3A_884 : i32
      %convert_element_type3A_886 = arith.extui %ge3A_885 : i1 to i32
      %cond3A_887 = arith.constant 0 : i32
      %cond3A_888 = arith.cmpi ne, %convert_element_type3A_886, %cond3A_887 : i32
      scf.if %cond3A_888 {
        %sub3A_889 = arith.constant 2 : i32
        %sub3A_890 = arith.subi %while3A_714, %sub3A_889 : i32
        %jit3A_891 = arith.constant 3 : i32
        %eq3A_892 = arith.constant 0 : i32
        %eq3A_893 = arith.cmpi eq, %jit3A_891, %eq3A_892 : i32
        %jit3A_894 = arith.constant 1 : i32
        %select_n3A_895 = arith.select %eq3A_893, %jit3A_894, %jit3A_891 : i32
        %rem3A_896 = arith.remsi %sub3A_890, %select_n3A_895 : i32
        %ne3A_897 = arith.constant 0 : i32
        %ne3A_898 = arith.cmpi ne, %rem3A_896, %ne3A_897 : i32
        %lt3A_899 = arith.constant 0 : i32
        %lt3A_900 = arith.cmpi slt, %rem3A_896, %lt3A_899 : i32
        %lt3A_901 = arith.constant 0 : i32
        %lt3A_902 = arith.cmpi slt, %select_n3A_895, %lt3A_901 : i32
        %ne3A_903 = arith.xori %lt3A_900, %lt3A_902 : i1
        %and3A_904 = arith.andi %ne3A_903, %ne3A_898 : i1
        %add3A_905 = arith.addi %rem3A_896, %select_n3A_895 : i32
        %select_n3A_906 = arith.select %and3A_904, %add3A_905, %rem3A_896 : i32
        %sub3A_907 = arith.constant 2 : i32
        %sub3A_908 = arith.subi %while3A_714, %sub3A_907 : i32
        %jit3A_909 = arith.constant 8 : i32
        %eq3A_910 = arith.constant 0 : i32
        %eq3A_911 = arith.cmpi eq, %jit3A_909, %eq3A_910 : i32
        %jit3A_912 = arith.constant 1 : i32
        %select_n3A_913 = arith.select %eq3A_911, %jit3A_912, %jit3A_909 : i32
        %rem3A_914 = arith.remsi %sub3A_908, %select_n3A_913 : i32
        %ne3A_915 = arith.constant 0 : i32
        %ne3A_916 = arith.cmpi ne, %rem3A_914, %ne3A_915 : i32
        %lt3A_917 = arith.constant 0 : i32
        %lt3A_918 = arith.cmpi slt, %rem3A_914, %lt3A_917 : i32
        %lt3A_919 = arith.constant 0 : i32
        %lt3A_920 = arith.cmpi slt, %select_n3A_913, %lt3A_919 : i32
        %ne3A_921 = arith.xori %lt3A_918, %lt3A_920 : i1
        %and3A_922 = arith.andi %ne3A_921, %ne3A_916 : i1
        %add3A_923 = arith.addi %rem3A_914, %select_n3A_913 : i32
        %select_n3A_924 = arith.select %and3A_922, %add3A_923, %rem3A_914 : i32
        %dma_wait3A_925 = arith.constant 0 : i32
        %dma_wait3A_926 = arith.constant 0 : i32
        %dma_wait3A_927 = arith.constant 0 : i32
        %dma_wait3A_928 = tpu.memref_slice %arg9[%dma_wait3A_925, %dma_wait3A_926, %dma_wait3A_927] : memref<3x64x72xf32, #tpu.memory_space<vmem>> -> memref<1x64x72xf32, #tpu.memory_space<vmem>>
        %dma_wait3A_929 = tpu.memref_squeeze %dma_wait3A_928 : memref<1x64x72xf32, #tpu.memory_space<vmem>> -> memref<64x72xf32, #tpu.memory_space<vmem>>
        %dma_wait3A_930 = arith.constant 0 : i32
        %dma_wait3A_931 = arith.constant 0 : i32
        %dma_wait3A_932 = tpu.memref_slice %arg5[%dma_wait3A_930, %dma_wait3A_931] : memref<1568x72xf32, #tpu.memory_space<hbm>> -> memref<64x72xf32, #tpu.memory_space<hbm>>
        %dma_wait3A_933 = tpu.memref_slice %arg11[%select_n3A_906] : memref<3x!tpu.dma_semaphore, #tpu.memory_space<semaphore_mem>> -> memref<1x!tpu.dma_semaphore, #tpu.memory_space<semaphore_mem>>
        %dma_wait3A_934 = tpu.memref_squeeze %dma_wait3A_933 : memref<1x!tpu.dma_semaphore, #tpu.memory_space<semaphore_mem>> -> memref<!tpu.dma_semaphore, #tpu.memory_space<semaphore_mem>>
        %dma_wait3A_935 = arith.constant 0 : i32
        %dma_wait3A_936 = arith.constant 0 : i32
        %dma_wait3A_937 = tpu.memref_slice %arg9[%dma_wait3A_925, %dma_wait3A_935, %dma_wait3A_936] : memref<3x64x72xf32, #tpu.memory_space<vmem>> -> memref<1x64x72xf32, #tpu.memory_space<vmem>>
        %dma_wait3A_938 = tpu.memref_squeeze %dma_wait3A_937 : memref<1x64x72xf32, #tpu.memory_space<vmem>> -> memref<64x72xf32, #tpu.memory_space<vmem>>
        %dma_wait3A_939 = arith.constant 0 : i32
        %dma_wait3A_940 = arith.constant 0 : i32
        %dma_wait3A_941 = tpu.memref_slice %arg5[%dma_wait3A_939, %dma_wait3A_940] : memref<1568x72xf32, #tpu.memory_space<hbm>> -> memref<64x72xf32, #tpu.memory_space<hbm>>
        tpu.wait_dma2 semaphore(%dma_wait3A_934 : memref<!tpu.dma_semaphore, #tpu.memory_space<semaphore_mem>>) src(%dma_wait3A_941 : memref<64x72xf32, #tpu.memory_space<hbm>>) dst(%dma_wait3A_938 : memref<64x72xf32, #tpu.memory_space<vmem>>)
        %dma_start3A_942 = arith.constant 1 : i32
        %dma_start3A_943 = arith.constant 0 : i32
        %dma_start3A_944 = arith.constant 0 : i32
        %dma_start3A_945 = tpu.memref_slice %arg9[%select_n3A_906, %dma_start3A_943, %dma_start3A_944] : memref<3x64x72xf32, #tpu.memory_space<vmem>> -> memref<1x64x72xf32, #tpu.memory_space<vmem>>
        %dma_start3A_946 = tpu.memref_squeeze %dma_start3A_945 : memref<1x64x72xf32, #tpu.memory_space<vmem>> -> memref<64x72xf32, #tpu.memory_space<vmem>>
        %dma_start3A_947 = arith.constant 0 : i32
        %dma_start3A_948 = tpu.memref_slice %arg8[%select_n3A_924, %dma_start3A_942, %dma_start3A_947] : memref<8x2x64xi32, #tpu.memory_space<vmem>> -> memref<1x1x64xi32, #tpu.memory_space<vmem>>
        %dma_start3A_949 = tpu.memref_squeeze %dma_start3A_948 : memref<1x1x64xi32, #tpu.memory_space<vmem>> -> memref<64xi32, #tpu.memory_space<vmem>>
        %dma_start3A_950 = arith.constant 0 : i32
        %dma_start3A_951 = arith.constant 0 : i32
        %dma_start3A_952 = tpu.memref_slice %arg10[%dma_start3A_950, %dma_start3A_951] : memref<25344x72xf32, #tpu.memory_space<vmem_shared>> -> memref<25344x72xf32, #tpu.memory_space<vmem_shared>>
        %dma_start3A_953 = tpu.memref_slice %arg12[%select_n3A_906] : memref<3x!tpu.dma_semaphore, #tpu.memory_space<semaphore_mem>> -> memref<1x!tpu.dma_semaphore, #tpu.memory_space<semaphore_mem>>
        %dma_start3A_954 = tpu.memref_squeeze %dma_start3A_953 : memref<1x!tpu.dma_semaphore, #tpu.memory_space<semaphore_mem>> -> memref<!tpu.dma_semaphore, #tpu.memory_space<semaphore_mem>>
        tpu.enqueue_indirect_dma source(%dma_start3A_946 : memref<64x72xf32, #tpu.memory_space<vmem>>) target(%dma_start3A_952 : memref<25344x72xf32, #tpu.memory_space<vmem_shared>>) offsets(%dma_start3A_949 : memref<64xi32, #tpu.memory_space<vmem>>) semaphore(%dma_start3A_954 : memref<!tpu.dma_semaphore, #tpu.memory_space<semaphore_mem>>) {add = true}
      } else {
      }
    }
    %while3A_411 = arith.constant 1 : i32
    scf.for %while3A_714 = %while3A_409 to %while3A_405 step %while3A_411  : i32 {
      %jit3A_715 = arith.constant 8 : i32
      %eq3A_716 = arith.constant 0 : i32
      %eq3A_717 = arith.cmpi eq, %jit3A_715, %eq3A_716 : i32
      %jit3A_718 = arith.constant 1 : i32
      %select_n3A_719 = arith.select %eq3A_717, %jit3A_718, %jit3A_715 : i32
      %rem3A_720 = arith.remsi %while3A_714, %select_n3A_719 : i32
      %ne3A_721 = arith.constant 0 : i32
      %ne3A_722 = arith.cmpi ne, %rem3A_720, %ne3A_721 : i32
      %lt3A_723 = arith.constant 0 : i32
      %lt3A_724 = arith.cmpi slt, %rem3A_720, %lt3A_723 : i32
      %lt3A_725 = arith.constant 0 : i32
      %lt3A_726 = arith.cmpi slt, %select_n3A_719, %lt3A_725 : i32
      %ne3A_727 = arith.xori %lt3A_724, %lt3A_726 : i1
      %and3A_728 = arith.andi %ne3A_727, %ne3A_722 : i1
      %add3A_729 = arith.addi %rem3A_720, %select_n3A_719 : i32
      %select_n3A_730 = arith.select %and3A_728, %add3A_729, %rem3A_720 : i32
      %jit3A_731 = arith.constant 3 : i32
      %eq3A_732 = arith.constant 0 : i32
      %eq3A_733 = arith.cmpi eq, %jit3A_731, %eq3A_732 : i32
      %jit3A_734 = arith.constant 1 : i32
      %select_n3A_735 = arith.select %eq3A_733, %jit3A_734, %jit3A_731 : i32
      %rem3A_736 = arith.remsi %while3A_714, %select_n3A_735 : i32
      %ne3A_737 = arith.constant 0 : i32
      %ne3A_738 = arith.cmpi ne, %rem3A_736, %ne3A_737 : i32
      %lt3A_739 = arith.constant 0 : i32
      %lt3A_740 = arith.cmpi slt, %rem3A_736, %lt3A_739 : i32
      %lt3A_741 = arith.constant 0 : i32
      %lt3A_742 = arith.cmpi slt, %select_n3A_735, %lt3A_741 : i32
      %ne3A_743 = arith.xori %lt3A_740, %lt3A_742 : i1
      %and3A_744 = arith.andi %ne3A_743, %ne3A_738 : i1
      %add3A_745 = arith.addi %rem3A_736, %select_n3A_735 : i32
      %select_n3A_746 = arith.select %and3A_744, %add3A_745, %rem3A_736 : i32
      %ge3A = arith.constant 3 : i32
      %ge3A_747 = arith.cmpi sge, %while3A_714, %ge3A : i32
      %convert_element_type3A = arith.extui %ge3A_747 : i1 to i32
      %cond3A = arith.constant 0 : i32
      %cond3A_748 = arith.cmpi ne, %convert_element_type3A, %cond3A : i32
      scf.if %cond3A_748 {
        %dma_wait3A_889 = arith.constant 0 : i32
        %dma_wait3A_890 = arith.constant 0 : i32
        %dma_wait3A_891 = arith.constant 0 : i32
        %dma_wait3A_892 = tpu.memref_slice %arg9[%dma_wait3A_889, %dma_wait3A_890, %dma_wait3A_891] : memref<3x64x72xf32, #tpu.memory_space<vmem>> -> memref<1x64x72xf32, #tpu.memory_space<vmem>>
        %dma_wait3A_893 = tpu.memref_squeeze %dma_wait3A_892 : memref<1x64x72xf32, #tpu.memory_space<vmem>> -> memref<64x72xf32, #tpu.memory_space<vmem>>
        %dma_wait3A_894 = arith.constant 0 : i32
        %dma_wait3A_895 = arith.constant 0 : i32
        %dma_wait3A_896 = tpu.memref_slice %arg5[%dma_wait3A_894, %dma_wait3A_895] : memref<1568x72xf32, #tpu.memory_space<hbm>> -> memref<64x72xf32, #tpu.memory_space<hbm>>
        %dma_wait3A_897 = tpu.memref_slice %arg12[%select_n3A_746] : memref<3x!tpu.dma_semaphore, #tpu.memory_space<semaphore_mem>> -> memref<1x!tpu.dma_semaphore, #tpu.memory_space<semaphore_mem>>
        %dma_wait3A_898 = tpu.memref_squeeze %dma_wait3A_897 : memref<1x!tpu.dma_semaphore, #tpu.memory_space<semaphore_mem>> -> memref<!tpu.dma_semaphore, #tpu.memory_space<semaphore_mem>>
        %dma_wait3A_899 = arith.constant 0 : i32
        %dma_wait3A_900 = arith.constant 0 : i32
        %dma_wait3A_901 = tpu.memref_slice %arg9[%dma_wait3A_889, %dma_wait3A_899, %dma_wait3A_900] : memref<3x64x72xf32, #tpu.memory_space<vmem>> -> memref<1x64x72xf32, #tpu.memory_space<vmem>>
        %dma_wait3A_902 = tpu.memref_squeeze %dma_wait3A_901 : memref<1x64x72xf32, #tpu.memory_space<vmem>> -> memref<64x72xf32, #tpu.memory_space<vmem>>
        %dma_wait3A_903 = arith.constant 0 : i32
        %dma_wait3A_904 = arith.constant 0 : i32
        %dma_wait3A_905 = tpu.memref_slice %arg5[%dma_wait3A_903, %dma_wait3A_904] : memref<1568x72xf32, #tpu.memory_space<hbm>> -> memref<64x72xf32, #tpu.memory_space<hbm>>
        tpu.wait_dma2 semaphore(%dma_wait3A_898 : memref<!tpu.dma_semaphore, #tpu.memory_space<semaphore_mem>>) src(%dma_wait3A_905 : memref<64x72xf32, #tpu.memory_space<hbm>>) dst(%dma_wait3A_902 : memref<64x72xf32, #tpu.memory_space<vmem>>)
      } else {
      }
      %dma_wait3A_749 = arith.constant 0 : i32
      %dma_wait3A_750 = arith.constant 0 : i32
      %dma_wait3A_751 = arith.constant 0 : i32
      %dma_wait3A_752 = arith.constant 0 : i32
      %dma_wait3A_753 = tpu.memref_slice %arg8[%dma_wait3A_750, %dma_wait3A_751, %dma_wait3A_752] : memref<8x2x64xi32, #tpu.memory_space<vmem>> -> memref<1x2x64xi32, #tpu.memory_space<vmem>>
      %dma_wait3A_754 = tpu.memref_squeeze %dma_wait3A_753 : memref<1x2x64xi32, #tpu.memory_space<vmem>> -> memref<2x64xi32, #tpu.memory_space<vmem>>
      %dma_wait3A_755 = arith.constant 0 : i32
      %dma_wait3A_756 = arith.constant 0 : i32
      %dma_wait3A_757 = tpu.memref_slice %arg3[%dma_wait3A_749, %dma_wait3A_755, %dma_wait3A_756] : memref<12500x2x64xi32, #tpu.memory_space<hbm>> -> memref<1x2x64xi32, #tpu.memory_space<hbm>>
      %dma_wait3A_758 = tpu.memref_squeeze %dma_wait3A_757 : memref<1x2x64xi32, #tpu.memory_space<hbm>> -> memref<2x64xi32, #tpu.memory_space<hbm>>
      %dma_wait3A_759 = tpu.memref_slice %arg13[%select_n3A_730] : memref<8x!tpu.dma_semaphore, #tpu.memory_space<semaphore_mem>> -> memref<1x!tpu.dma_semaphore, #tpu.memory_space<semaphore_mem>>
      %dma_wait3A_760 = tpu.memref_squeeze %dma_wait3A_759 : memref<1x!tpu.dma_semaphore, #tpu.memory_space<semaphore_mem>> -> memref<!tpu.dma_semaphore, #tpu.memory_space<semaphore_mem>>
      %dma_wait3A_761 = arith.constant 0 : i32
      %dma_wait3A_762 = arith.constant 0 : i32
      %dma_wait3A_763 = tpu.memref_slice %arg8[%dma_wait3A_750, %dma_wait3A_761, %dma_wait3A_762] : memref<8x2x64xi32, #tpu.memory_space<vmem>> -> memref<1x2x64xi32, #tpu.memory_space<vmem>>
      %dma_wait3A_764 = tpu.memref_squeeze %dma_wait3A_763 : memref<1x2x64xi32, #tpu.memory_space<vmem>> -> memref<2x64xi32, #tpu.memory_space<vmem>>
      %dma_wait3A_765 = arith.constant 0 : i32
      %dma_wait3A_766 = arith.constant 0 : i32
      %dma_wait3A_767 = tpu.memref_slice %arg3[%dma_wait3A_749, %dma_wait3A_765, %dma_wait3A_766] : memref<12500x2x64xi32, #tpu.memory_space<hbm>> -> memref<1x2x64xi32, #tpu.memory_space<hbm>>
      %dma_wait3A_768 = tpu.memref_squeeze %dma_wait3A_767 : memref<1x2x64xi32, #tpu.memory_space<hbm>> -> memref<2x64xi32, #tpu.memory_space<hbm>>
      tpu.wait_dma2 semaphore(%dma_wait3A_760 : memref<!tpu.dma_semaphore, #tpu.memory_space<semaphore_mem>>) src(%dma_wait3A_768 : memref<2x64xi32, #tpu.memory_space<hbm>>) dst(%dma_wait3A_764 : memref<2x64xi32, #tpu.memory_space<vmem>>)
      %dma_start3A_769 = arith.constant 0 : i32
      %dma_start3A_770 = arith.constant 0 : i32
      %dma_start3A_771 = arith.constant 0 : i32
      %dma_start3A_772 = tpu.memref_slice %arg9[%select_n3A_746, %dma_start3A_770, %dma_start3A_771] : memref<3x64x72xf32, #tpu.memory_space<vmem>> -> memref<1x64x72xf32, #tpu.memory_space<vmem>>
      %dma_start3A_773 = tpu.memref_squeeze %dma_start3A_772 : memref<1x64x72xf32, #tpu.memory_space<vmem>> -> memref<64x72xf32, #tpu.memory_space<vmem>>
      %dma_start3A_774 = arith.constant 0 : i32
      %dma_start3A_775 = tpu.memref_slice %arg8[%select_n3A_730, %dma_start3A_769, %dma_start3A_774] : memref<8x2x64xi32, #tpu.memory_space<vmem>> -> memref<1x1x64xi32, #tpu.memory_space<vmem>>
      %dma_start3A_776 = tpu.memref_squeeze %dma_start3A_775 : memref<1x1x64xi32, #tpu.memory_space<vmem>> -> memref<64xi32, #tpu.memory_space<vmem>>
      %dma_start3A_777 = arith.constant 0 : i32
      %dma_start3A_778 = arith.constant 0 : i32
      %dma_start3A_779 = tpu.memref_slice %arg2[%dma_start3A_777, %dma_start3A_778] : memref<50000x72xf32, #tpu.memory_space<hbm>> -> memref<50000x72xf32, #tpu.memory_space<hbm>>
      %dma_start3A_780 = tpu.memref_slice %arg11[%select_n3A_746] : memref<3x!tpu.dma_semaphore, #tpu.memory_space<semaphore_mem>> -> memref<1x!tpu.dma_semaphore, #tpu.memory_space<semaphore_mem>>
      %dma_start3A_781 = tpu.memref_squeeze %dma_start3A_780 : memref<1x!tpu.dma_semaphore, #tpu.memory_space<semaphore_mem>> -> memref<!tpu.dma_semaphore, #tpu.memory_space<semaphore_mem>>
      tpu.enqueue_indirect_dma source(%dma_start3A_779 : memref<50000x72xf32, #tpu.memory_space<hbm>>) target(%dma_start3A_773 : memref<64x72xf32, #tpu.memory_space<vmem>>) offsets(%dma_start3A_776 : memref<64xi32, #tpu.memory_space<vmem>>) semaphore(%dma_start3A_781 : memref<!tpu.dma_semaphore, #tpu.memory_space<semaphore_mem>>)
      %mul3A_782 = arith.constant 16 : i32
      %mul3A_783 = arith.muli %arg1, %mul3A_782 : i32
      %add3A_784 = arith.constant 25088 : i32
      %add3A_785 = arith.addi %add3A_784, %mul3A_783 : i32
      %iota3A = tpu.iota {dimensions = array<i32: 0>} : vector<16xi32>
      %add3A_786 = vector.broadcast %add3A_785 : i32 to vector<16xi32>
      %add3A_787 = arith.addi %add3A_786, %iota3A : vector<16xi32>
      %get3A = arith.constant 1 : i32
      %get3A_788 = arith.index_cast %select_n3A_730 : i32 to index
      %get3A_789 = arith.index_cast %get3A : i32 to index
      %get3A_790 = arith.constant 0 : index
      %get3A_791 = tpu.vector_load %arg8[%get3A_788, %get3A_789, %get3A_790] {strides = array<i32>} : memref<8x2x64xi32, #tpu.memory_space<vmem>>, vector<1x1x16xi32>,
      %get3A_792 = vector.shape_cast %get3A_791 : vector<1x1x16xi32> to vector<16xi32>
      %sub3A_793 = vector.broadcast %mul3A_0 : i32 to vector<16xi32>
      %sub3A_794 = arith.subi %get3A_792, %sub3A_793 : vector<16xi32>
      %ge3A_795 = arith.constant 0 : i32
      %ge3A_796 = vector.broadcast %ge3A_795 : i32 to vector<16xi32>
      %ge3A_797 = arith.cmpi sge, %sub3A_794, %ge3A_796 : vector<16xi32>
      %lt3A_798 = arith.constant 25088 : i32
      %lt3A_799 = vector.broadcast %lt3A_798 : i32 to vector<16xi32>
      %lt3A_800 = arith.cmpi slt, %sub3A_794, %lt3A_799 : vector<16xi32>
      %and3A_801 = arith.andi %ge3A_797, %lt3A_800 : vector<16xi1>
      %select_n3A_802 = arith.select %and3A_801, %sub3A_794, %add3A_787 : vector<16xi1>, vector<16xi32>
      %swap3A = arith.constant 1 : i32
      %swap3A_803 = arith.index_cast %select_n3A_730 : i32 to index
      %swap3A_804 = arith.index_cast %swap3A : i32 to index
      %swap3A_805 = arith.constant 0 : index
      %swap3A_806 = tpu.vector_load %arg8[%swap3A_803, %swap3A_804, %swap3A_805] {strides = array<i32>} : memref<8x2x64xi32, #tpu.memory_space<vmem>>, vector<1x1x16xi32>,
      %swap3A_807 = vector.shape_cast %swap3A_806 : vector<1x1x16xi32> to vector<16xi32>
      %swap3A_808 = vector.shape_cast %select_n3A_802 : vector<16xi32> to vector<1x1x16xi32>
      tpu.vector_store %arg8[%swap3A_803, %swap3A_804, %swap3A_805], %swap3A_808 {strides = array<i32>} : memref<8x2x64xi32, #tpu.memory_space<vmem>>, vector<1x1x16xi32>,
      %get3A_809 = arith.constant 1 : i32
      %get3A_810 = arith.index_cast %select_n3A_730 : i32 to index
      %get3A_811 = arith.index_cast %get3A_809 : i32 to index
      %get3A_812 = arith.constant 16 : index
      %get3A_813 = tpu.vector_load %arg8[%get3A_810, %get3A_811, %get3A_812] {strides = array<i32>} : memref<8x2x64xi32, #tpu.memory_space<vmem>>, vector<1x1x16xi32>,
      %get3A_814 = vector.shape_cast %get3A_813 : vector<1x1x16xi32> to vector<16xi32>
      %sub3A_815 = vector.broadcast %mul3A_0 : i32 to vector<16xi32>
      %sub3A_816 = arith.subi %get3A_814, %sub3A_815 : vector<16xi32>
      %ge3A_817 = arith.constant 0 : i32
      %ge3A_818 = vector.broadcast %ge3A_817 : i32 to vector<16xi32>
      %ge3A_819 = arith.cmpi sge, %sub3A_816, %ge3A_818 : vector<16xi32>
      %lt3A_820 = arith.constant 25088 : i32
      %lt3A_821 = vector.broadcast %lt3A_820 : i32 to vector<16xi32>
      %lt3A_822 = arith.cmpi slt, %sub3A_816, %lt3A_821 : vector<16xi32>
      %and3A_823 = arith.andi %ge3A_819, %lt3A_822 : vector<16xi1>
      %select_n3A_824 = arith.select %and3A_823, %sub3A_816, %add3A_787 : vector<16xi1>, vector<16xi32>
      %swap3A_825 = arith.constant 1 : i32
      %swap3A_826 = arith.index_cast %select_n3A_730 : i32 to index
      %swap3A_827 = arith.index_cast %swap3A_825 : i32 to index
      %swap3A_828 = arith.constant 16 : index
      %swap3A_829 = tpu.vector_load %arg8[%swap3A_826, %swap3A_827, %swap3A_828] {strides = array<i32>} : memref<8x2x64xi32, #tpu.memory_space<vmem>>, vector<1x1x16xi32>,
      %swap3A_830 = vector.shape_cast %swap3A_829 : vector<1x1x16xi32> to vector<16xi32>
      %swap3A_831 = vector.shape_cast %select_n3A_824 : vector<16xi32> to vector<1x1x16xi32>
      tpu.vector_store %arg8[%swap3A_826, %swap3A_827, %swap3A_828], %swap3A_831 {strides = array<i32>} : memref<8x2x64xi32, #tpu.memory_space<vmem>>, vector<1x1x16xi32>,
      %get3A_832 = arith.constant 1 : i32
      %get3A_833 = arith.index_cast %select_n3A_730 : i32 to index
      %get3A_834 = arith.index_cast %get3A_832 : i32 to index
      %get3A_835 = arith.constant 32 : index
      %get3A_836 = tpu.vector_load %arg8[%get3A_833, %get3A_834, %get3A_835] {strides = array<i32>} : memref<8x2x64xi32, #tpu.memory_space<vmem>>, vector<1x1x16xi32>,
      %get3A_837 = vector.shape_cast %get3A_836 : vector<1x1x16xi32> to vector<16xi32>
      %sub3A_838 = vector.broadcast %mul3A_0 : i32 to vector<16xi32>
      %sub3A_839 = arith.subi %get3A_837, %sub3A_838 : vector<16xi32>
      %ge3A_840 = arith.constant 0 : i32
      %ge3A_841 = vector.broadcast %ge3A_840 : i32 to vector<16xi32>
      %ge3A_842 = arith.cmpi sge, %sub3A_839, %ge3A_841 : vector<16xi32>
      %lt3A_843 = arith.constant 25088 : i32
      %lt3A_844 = vector.broadcast %lt3A_843 : i32 to vector<16xi32>
      %lt3A_845 = arith.cmpi slt, %sub3A_839, %lt3A_844 : vector<16xi32>
      %and3A_846 = arith.andi %ge3A_842, %lt3A_845 : vector<16xi1>
      %select_n3A_847 = arith.select %and3A_846, %sub3A_839, %add3A_787 : vector<16xi1>, vector<16xi32>
      %swap3A_848 = arith.constant 1 : i32
      %swap3A_849 = arith.index_cast %select_n3A_730 : i32 to index
      %swap3A_850 = arith.index_cast %swap3A_848 : i32 to index
      %swap3A_851 = arith.constant 32 : index
      %swap3A_852 = tpu.vector_load %arg8[%swap3A_849, %swap3A_850, %swap3A_851] {strides = array<i32>} : memref<8x2x64xi32, #tpu.memory_space<vmem>>, vector<1x1x16xi32>,
      %swap3A_853 = vector.shape_cast %swap3A_852 : vector<1x1x16xi32> to vector<16xi32>
      %swap3A_854 = vector.shape_cast %select_n3A_847 : vector<16xi32> to vector<1x1x16xi32>
      tpu.vector_store %arg8[%swap3A_849, %swap3A_850, %swap3A_851], %swap3A_854 {strides = array<i32>} : memref<8x2x64xi32, #tpu.memory_space<vmem>>, vector<1x1x16xi32>,
      %get3A_855 = arith.constant 1 : i32
      %get3A_856 = arith.index_cast %select_n3A_730 : i32 to index
      %get3A_857 = arith.index_cast %get3A_855 : i32 to index
      %get3A_858 = arith.constant 48 : index
      %get3A_859 = tpu.vector_load %arg8[%get3A_856, %get3A_857, %get3A_858] {strides = array<i32>} : memref<8x2x64xi32, #tpu.memory_space<vmem>>, vector<1x1x16xi32>,
      %get3A_860 = vector.shape_cast %get3A_859 : vector<1x1x16xi32> to vector<16xi32>
      %sub3A_861 = vector.broadcast %mul3A_0 : i32 to vector<16xi32>
      %sub3A_862 = arith.subi %get3A_860, %sub3A_861 : vector<16xi32>
      %ge3A_863 = arith.constant 0 : i32
      %ge3A_864 = vector.broadcast %ge3A_863 : i32 to vector<16xi32>
      %ge3A_865 = arith.cmpi sge, %sub3A_862, %ge3A_864 : vector<16xi32>
      %lt3A_866 = arith.constant 25088 : i32
      %lt3A_867 = vector.broadcast %lt3A_866 : i32 to vector<16xi32>
      %lt3A_868 = arith.cmpi slt, %sub3A_862, %lt3A_867 : vector<16xi32>
      %and3A_869 = arith.andi %ge3A_865, %lt3A_868 : vector<16xi1>
      %select_n3A_870 = arith.select %and3A_869, %sub3A_862, %add3A_787 : vector<16xi1>, vector<16xi32>
      %swap3A_871 = arith.constant 1 : i32
      %swap3A_872 = arith.index_cast %select_n3A_730 : i32 to index
      %swap3A_873 = arith.index_cast %swap3A_871 : i32 to index
      %swap3A_874 = arith.constant 48 : index
      %swap3A_875 = tpu.vector_load %arg8[%swap3A_872, %swap3A_873, %swap3A_874] {strides = array<i32>} : memref<8x2x64xi32, #tpu.memory_space<vmem>>, vector<1x1x16xi32>,
      %swap3A_876 = vector.shape_cast %swap3A_875 : vector<1x1x16xi32> to vector<16xi32>
      %swap3A_877 = vector.shape_cast %select_n3A_870 : vector<16xi32> to vector<1x1x16xi32>
      tpu.vector_store %arg8[%swap3A_872, %swap3A_873, %swap3A_874], %swap3A_877 {strides = array<i32>} : memref<8x2x64xi32, #tpu.memory_space<vmem>>, vector<1x1x16xi32>,
      %add3A_878 = arith.constant 2 : i32
      %add3A_879 = arith.addi %while3A_714, %add3A_878 : i32
      %lt3A_880 = arith.cmpi slt, %add3A_879, %select_n3A_357 : i32
      %convert_element_type3A_881 = arith.extui %lt3A_880 : i1 to i32
      %cond3A_882 = arith.constant 0 : i32
      %cond3A_883 = arith.cmpi ne, %convert_element_type3A_881, %cond3A_882 : i32
      scf.if %cond3A_883 {
        %add3A_889 = arith.constant 2 : i32
        %add3A_890 = arith.addi %while3A_714, %add3A_889 : i32
        %jit3A_891 = arith.constant 8 : i32
        %eq3A_892 = arith.constant 0 : i32
        %eq3A_893 = arith.cmpi eq, %jit3A_891, %eq3A_892 : i32
        %jit3A_894 = arith.constant 1 : i32
        %select_n3A_895 = arith.select %eq3A_893, %jit3A_894, %jit3A_891 : i32
        %rem3A_896 = arith.remsi %add3A_890, %select_n3A_895 : i32
        %ne3A_897 = arith.constant 0 : i32
        %ne3A_898 = arith.cmpi ne, %rem3A_896, %ne3A_897 : i32
        %lt3A_899 = arith.constant 0 : i32
        %lt3A_900 = arith.cmpi slt, %rem3A_896, %lt3A_899 : i32
        %lt3A_901 = arith.constant 0 : i32
        %lt3A_902 = arith.cmpi slt, %select_n3A_895, %lt3A_901 : i32
        %ne3A_903 = arith.xori %lt3A_900, %lt3A_902 : i1
        %and3A_904 = arith.andi %ne3A_903, %ne3A_898 : i1
        %add3A_905 = arith.addi %rem3A_896, %select_n3A_895 : i32
        %select_n3A_906 = arith.select %and3A_904, %add3A_905, %rem3A_896 : i32
        %add3A_907 = arith.constant 2 : i32
        %add3A_908 = arith.addi %while3A_714, %add3A_907 : i32
        %mul3A_909 = arith.constant 16 : i32
        %mul3A_910 = arith.muli %mul3A_909, %add3A_908 : i32
        %add3A_911 = arith.addi %arg1, %mul3A_910 : i32
        %dma_start3A_912 = arith.constant 0 : i32
        %dma_start3A_913 = arith.constant 0 : i32
        %dma_start3A_914 = tpu.memref_slice %arg8[%select_n3A_906, %dma_start3A_912, %dma_start3A_913] : memref<8x2x64xi32, #tpu.memory_space<vmem>> -> memref<1x2x64xi32, #tpu.memory_space<vmem>>
        %dma_start3A_915 = tpu.memref_squeeze %dma_start3A_914 : memref<1x2x64xi32, #tpu.memory_space<vmem>> -> memref<2x64xi32, #tpu.memory_space<vmem>>
        %dma_start3A_916 = arith.constant 0 : i32
        %dma_start3A_917 = arith.constant 0 : i32
        %dma_start3A_918 = tpu.memref_slice %arg4[%add3A_911, %dma_start3A_916, %dma_start3A_917] : memref<12500x2x64xi32, #tpu.memory_space<hbm>> -> memref<1x2x64xi32, #tpu.memory_space<hbm>>
        %dma_start3A_919 = tpu.memref_squeeze %dma_start3A_918 : memref<1x2x64xi32, #tpu.memory_space<hbm>> -> memref<2x64xi32, #tpu.memory_space<hbm>>
        %dma_start3A_920 = tpu.memref_slice %arg13[%select_n3A_906] : memref<8x!tpu.dma_semaphore, #tpu.memory_space<semaphore_mem>> -> memref<1x!tpu.dma_semaphore, #tpu.memory_space<semaphore_mem>>
        %dma_start3A_921 = tpu.memref_squeeze %dma_start3A_920 : memref<1x!tpu.dma_semaphore, #tpu.memory_space<semaphore_mem>> -> memref<!tpu.dma_semaphore, #tpu.memory_space<semaphore_mem>>
        %dma_start3A_922 = arith.constant 0 : i32
        %dma_start3A_923 = arith.constant 0 : i32
        %dma_start3A_924 = tpu.memref_slice %arg8[%select_n3A_906, %dma_start3A_922, %dma_start3A_923] : memref<8x2x64xi32, #tpu.memory_space<vmem>> -> memref<1x2x64xi32, #tpu.memory_space<vmem>>
        %dma_start3A_925 = tpu.memref_squeeze %dma_start3A_924 : memref<1x2x64xi32, #tpu.memory_space<vmem>> -> memref<2x64xi32, #tpu.memory_space<vmem>>
        %dma_start3A_926 = arith.constant 0 : i32
        %dma_start3A_927 = arith.constant 0 : i32
        %dma_start3A_928 = tpu.memref_slice %arg4[%add3A_911, %dma_start3A_926, %dma_start3A_927] : memref<12500x2x64xi32, #tpu.memory_space<hbm>> -> memref<1x2x64xi32, #tpu.memory_space<hbm>>
        %dma_start3A_929 = tpu.memref_squeeze %dma_start3A_928 : memref<1x2x64xi32, #tpu.memory_space<hbm>> -> memref<2x64xi32, #tpu.memory_space<hbm>>
        tpu.enqueue_dma source(%dma_start3A_929 : memref<2x64xi32, #tpu.memory_space<hbm>>) target(%dma_start3A_925 : memref<2x64xi32, #tpu.memory_space<vmem>>) target_semaphore(%dma_start3A_921 : memref<!tpu.dma_semaphore, #tpu.memory_space<semaphore_mem>>)
      } else {
      }
      %ge3A_884 = arith.constant 2 : i32
      %ge3A_885 = arith.cmpi sge, %while3A_714, %ge3A_884 : i32
      %convert_element_type3A_886 = arith.extui %ge3A_885 : i1 to i32
      %cond3A_887 = arith.constant 0 : i32
      %cond3A_888 = arith.cmpi ne, %convert_element_type3A_886, %cond3A_887 : i32
      scf.if %cond3A_888 {
        %sub3A_889 = arith.constant 2 : i32
        %sub3A_890 = arith.subi %while3A_714, %sub3A_889 : i32
        %jit3A_891 = arith.constant 3 : i32
        %eq3A_892 = arith.constant 0 : i32
        %eq3A_893 = arith.cmpi eq, %jit3A_891, %eq3A_892 : i32
        %jit3A_894 = arith.constant 1 : i32
        %select_n3A_895 = arith.select %eq3A_893, %jit3A_894, %jit3A_891 : i32
        %rem3A_896 = arith.remsi %sub3A_890, %select_n3A_895 : i32
        %ne3A_897 = arith.constant 0 : i32
        %ne3A_898 = arith.cmpi ne, %rem3A_896, %ne3A_897 : i32
        %lt3A_899 = arith.constant 0 : i32
        %lt3A_900 = arith.cmpi slt, %rem3A_896, %lt3A_899 : i32
        %lt3A_901 = arith.constant 0 : i32
        %lt3A_902 = arith.cmpi slt, %select_n3A_895, %lt3A_901 : i32
        %ne3A_903 = arith.xori %lt3A_900, %lt3A_902 : i1
        %and3A_904 = arith.andi %ne3A_903, %ne3A_898 : i1
        %add3A_905 = arith.addi %rem3A_896, %select_n3A_895 : i32
        %select_n3A_906 = arith.select %and3A_904, %add3A_905, %rem3A_896 : i32
        %sub3A_907 = arith.constant 2 : i32
        %sub3A_908 = arith.subi %while3A_714, %sub3A_907 : i32
        %jit3A_909 = arith.constant 8 : i32
        %eq3A_910 = arith.constant 0 : i32
        %eq3A_911 = arith.cmpi eq, %jit3A_909, %eq3A_910 : i32
        %jit3A_912 = arith.constant 1 : i32
        %select_n3A_913 = arith.select %eq3A_911, %jit3A_912, %jit3A_909 : i32
        %rem3A_914 = arith.remsi %sub3A_908, %select_n3A_913 : i32
        %ne3A_915 = arith.constant 0 : i32
        %ne3A_916 = arith.cmpi ne, %rem3A_914, %ne3A_915 : i32
        %lt3A_917 = arith.constant 0 : i32
        %lt3A_918 = arith.cmpi slt, %rem3A_914, %lt3A_917 : i32
        %lt3A_919 = arith.constant 0 : i32
        %lt3A_920 = arith.cmpi slt, %select_n3A_913, %lt3A_919 : i32
        %ne3A_921 = arith.xori %lt3A_918, %lt3A_920 : i1
        %and3A_922 = arith.andi %ne3A_921, %ne3A_916 : i1
        %add3A_923 = arith.addi %rem3A_914, %select_n3A_913 : i32
        %select_n3A_924 = arith.select %and3A_922, %add3A_923, %rem3A_914 : i32
        %dma_wait3A_925 = arith.constant 0 : i32
        %dma_wait3A_926 = arith.constant 0 : i32
        %dma_wait3A_927 = arith.constant 0 : i32
        %dma_wait3A_928 = tpu.memref_slice %arg9[%dma_wait3A_925, %dma_wait3A_926, %dma_wait3A_927] : memref<3x64x72xf32, #tpu.memory_space<vmem>> -> memref<1x64x72xf32, #tpu.memory_space<vmem>>
        %dma_wait3A_929 = tpu.memref_squeeze %dma_wait3A_928 : memref<1x64x72xf32, #tpu.memory_space<vmem>> -> memref<64x72xf32, #tpu.memory_space<vmem>>
        %dma_wait3A_930 = arith.constant 0 : i32
        %dma_wait3A_931 = arith.constant 0 : i32
        %dma_wait3A_932 = tpu.memref_slice %arg5[%dma_wait3A_930, %dma_wait3A_931] : memref<1568x72xf32, #tpu.memory_space<hbm>> -> memref<64x72xf32, #tpu.memory_space<hbm>>
        %dma_wait3A_933 = tpu.memref_slice %arg11[%select_n3A_906] : memref<3x!tpu.dma_semaphore, #tpu.memory_space<semaphore_mem>> -> memref<1x!tpu.dma_semaphore, #tpu.memory_space<semaphore_mem>>
        %dma_wait3A_934 = tpu.memref_squeeze %dma_wait3A_933 : memref<1x!tpu.dma_semaphore, #tpu.memory_space<semaphore_mem>> -> memref<!tpu.dma_semaphore, #tpu.memory_space<semaphore_mem>>
        %dma_wait3A_935 = arith.constant 0 : i32
        %dma_wait3A_936 = arith.constant 0 : i32
        %dma_wait3A_937 = tpu.memref_slice %arg9[%dma_wait3A_925, %dma_wait3A_935, %dma_wait3A_936] : memref<3x64x72xf32, #tpu.memory_space<vmem>> -> memref<1x64x72xf32, #tpu.memory_space<vmem>>
        %dma_wait3A_938 = tpu.memref_squeeze %dma_wait3A_937 : memref<1x64x72xf32, #tpu.memory_space<vmem>> -> memref<64x72xf32, #tpu.memory_space<vmem>>
        %dma_wait3A_939 = arith.constant 0 : i32
        %dma_wait3A_940 = arith.constant 0 : i32
        %dma_wait3A_941 = tpu.memref_slice %arg5[%dma_wait3A_939, %dma_wait3A_940] : memref<1568x72xf32, #tpu.memory_space<hbm>> -> memref<64x72xf32, #tpu.memory_space<hbm>>
        tpu.wait_dma2 semaphore(%dma_wait3A_934 : memref<!tpu.dma_semaphore, #tpu.memory_space<semaphore_mem>>) src(%dma_wait3A_941 : memref<64x72xf32, #tpu.memory_space<hbm>>) dst(%dma_wait3A_938 : memref<64x72xf32, #tpu.memory_space<vmem>>)
        %dma_start3A_942 = arith.constant 1 : i32
        %dma_start3A_943 = arith.constant 0 : i32
        %dma_start3A_944 = arith.constant 0 : i32
        %dma_start3A_945 = tpu.memref_slice %arg9[%select_n3A_906, %dma_start3A_943, %dma_start3A_944] : memref<3x64x72xf32, #tpu.memory_space<vmem>> -> memref<1x64x72xf32, #tpu.memory_space<vmem>>
        %dma_start3A_946 = tpu.memref_squeeze %dma_start3A_945 : memref<1x64x72xf32, #tpu.memory_space<vmem>> -> memref<64x72xf32, #tpu.memory_space<vmem>>
        %dma_start3A_947 = arith.constant 0 : i32
        %dma_start3A_948 = tpu.memref_slice %arg8[%select_n3A_924, %dma_start3A_942, %dma_start3A_947] : memref<8x2x64xi32, #tpu.memory_space<vmem>> -> memref<1x1x64xi32, #tpu.memory_space<vmem>>
        %dma_start3A_949 = tpu.memref_squeeze %dma_start3A_948 : memref<1x1x64xi32, #tpu.memory_space<vmem>> -> memref<64xi32, #tpu.memory_space<vmem>>
        %dma_start3A_950 = arith.constant 0 : i32
        %dma_start3A_951 = arith.constant 0 : i32
        %dma_start3A_952 = tpu.memref_slice %arg10[%dma_start3A_950, %dma_start3A_951] : memref<25344x72xf32, #tpu.memory_space<vmem_shared>> -> memref<25344x72xf32, #tpu.memory_space<vmem_shared>>
        %dma_start3A_953 = tpu.memref_slice %arg12[%select_n3A_906] : memref<3x!tpu.dma_semaphore, #tpu.memory_space<semaphore_mem>> -> memref<1x!tpu.dma_semaphore, #tpu.memory_space<semaphore_mem>>
        %dma_start3A_954 = tpu.memref_squeeze %dma_start3A_953 : memref<1x!tpu.dma_semaphore, #tpu.memory_space<semaphore_mem>> -> memref<!tpu.dma_semaphore, #tpu.memory_space<semaphore_mem>>
        tpu.enqueue_indirect_dma source(%dma_start3A_946 : memref<64x72xf32, #tpu.memory_space<vmem>>) target(%dma_start3A_952 : memref<25344x72xf32, #tpu.memory_space<vmem_shared>>) offsets(%dma_start3A_949 : memref<64xi32, #tpu.memory_space<vmem>>) semaphore(%dma_start3A_954 : memref<!tpu.dma_semaphore, #tpu.memory_space<semaphore_mem>>) {add = true}
      } else {
      }
    }
    %sub3A_412 = arith.constant 1 : i32
    %sub3A_413 = arith.subi %select_n3A_357, %sub3A_412 : i32
    %sub3A_414 = arith.constant 1 : i32
    %sub3A_415 = arith.subi %sub3A_413, %sub3A_414 : i32
    %jit3A_416 = arith.constant 3 : i32
    %eq3A_417 = arith.constant 0 : i32
    %eq3A_418 = arith.cmpi eq, %jit3A_416, %eq3A_417 : i32
    %jit3A_419 = arith.constant 1 : i32
    %select_n3A_420 = arith.select %eq3A_418, %jit3A_419, %jit3A_416 : i32
    %rem3A_421 = arith.remsi %sub3A_415, %select_n3A_420 : i32
    %ne3A_422 = arith.constant 0 : i32
    %ne3A_423 = arith.cmpi ne, %rem3A_421, %ne3A_422 : i32
    %lt3A_424 = arith.constant 0 : i32
    %lt3A_425 = arith.cmpi slt, %rem3A_421, %lt3A_424 : i32
    %lt3A_426 = arith.constant 0 : i32
    %lt3A_427 = arith.cmpi slt, %select_n3A_420, %lt3A_426 : i32
    %ne3A_428 = arith.xori %lt3A_425, %lt3A_427 : i1
    %and3A_429 = arith.andi %ne3A_428, %ne3A_423 : i1
    %add3A_430 = arith.addi %rem3A_421, %select_n3A_420 : i32
    %select_n3A_431 = arith.select %and3A_429, %add3A_430, %rem3A_421 : i32
    %dma_wait3A_432 = arith.constant 0 : i32
    %dma_wait3A_433 = arith.constant 0 : i32
    %dma_wait3A_434 = arith.constant 0 : i32
    %dma_wait3A_435 = tpu.memref_slice %arg9[%dma_wait3A_432, %dma_wait3A_433, %dma_wait3A_434] : memref<3x64x72xf32, #tpu.memory_space<vmem>> -> memref<1x64x72xf32, #tpu.memory_space<vmem>>
    %dma_wait3A_436 = tpu.memref_squeeze %dma_wait3A_435 : memref<1x64x72xf32, #tpu.memory_space<vmem>> -> memref<64x72xf32, #tpu.memory_space<vmem>>
    %dma_wait3A_437 = arith.constant 0 : i32
    %dma_wait3A_438 = arith.constant 0 : i32
    %dma_wait3A_439 = tpu.memref_slice %arg5[%dma_wait3A_437, %dma_wait3A_438] : memref<1568x72xf32, #tpu.memory_space<hbm>> -> memref<64x72xf32, #tpu.memory_space<hbm>>
    %dma_wait3A_440 = tpu.memref_slice %arg11[%select_n3A_431] : memref<3x!tpu.dma_semaphore, #tpu.memory_space<semaphore_mem>> -> memref<1x!tpu.dma_semaphore, #tpu.memory_space<semaphore_mem>>
    %dma_wait3A_441 = tpu.memref_squeeze %dma_wait3A_440 : memref<1x!tpu.dma_semaphore, #tpu.memory_space<semaphore_mem>> -> memref<!tpu.dma_semaphore, #tpu.memory_space<semaphore_mem>>
    %dma_wait3A_442 = arith.constant 0 : i32
    %dma_wait3A_443 = arith.constant 0 : i32
    %dma_wait3A_444 = tpu.memref_slice %arg9[%dma_wait3A_432, %dma_wait3A_442, %dma_wait3A_443] : memref<3x64x72xf32, #tpu.memory_space<vmem>> -> memref<1x64x72xf32, #tpu.memory_space<vmem>>
    %dma_wait3A_445 = tpu.memref_squeeze %dma_wait3A_444 : memref<1x64x72xf32, #tpu.memory_space<vmem>> -> memref<64x72xf32, #tpu.memory_space<vmem>>
    %dma_wait3A_446 = arith.constant 0 : i32
    %dma_wait3A_447 = arith.constant 0 : i32
    %dma_wait3A_448 = tpu.memref_slice %arg5[%dma_wait3A_446, %dma_wait3A_447] : memref<1568x72xf32, #tpu.memory_space<hbm>> -> memref<64x72xf32, #tpu.memory_space<hbm>>
    tpu.wait_dma2 semaphore(%dma_wait3A_441 : memref<!tpu.dma_semaphore, #tpu.memory_space<semaphore_mem>>) src(%dma_wait3A_448 : memref<64x72xf32, #tpu.memory_space<hbm>>) dst(%dma_wait3A_445 : memref<64x72xf32, #tpu.memory_space<vmem>>)
    %jit3A_449 = arith.constant 3 : i32
    %eq3A_450 = arith.constant 0 : i32
    %eq3A_451 = arith.cmpi eq, %jit3A_449, %eq3A_450 : i32
    %jit3A_452 = arith.constant 1 : i32
    %select_n3A_453 = arith.select %eq3A_451, %jit3A_452, %jit3A_449 : i32
    %rem3A_454 = arith.remsi %sub3A_415, %select_n3A_453 : i32
    %ne3A_455 = arith.constant 0 : i32
    %ne3A_456 = arith.cmpi ne, %rem3A_454, %ne3A_455 : i32
    %lt3A_457 = arith.constant 0 : i32
    %lt3A_458 = arith.cmpi slt, %rem3A_454, %lt3A_457 : i32
    %lt3A_459 = arith.constant 0 : i32
    %lt3A_460 = arith.cmpi slt, %select_n3A_453, %lt3A_459 : i32
    %ne3A_461 = arith.xori %lt3A_458, %lt3A_460 : i1
    %and3A_462 = arith.andi %ne3A_461, %ne3A_456 : i1
    %add3A_463 = arith.addi %rem3A_454, %select_n3A_453 : i32
    %select_n3A_464 = arith.select %and3A_462, %add3A_463, %rem3A_454 : i32
    %jit3A_465 = arith.constant 8 : i32
    %eq3A_466 = arith.constant 0 : i32
    %eq3A_467 = arith.cmpi eq, %jit3A_465, %eq3A_466 : i32
    %jit3A_468 = arith.constant 1 : i32
    %select_n3A_469 = arith.select %eq3A_467, %jit3A_468, %jit3A_465 : i32
    %rem3A_470 = arith.remsi %sub3A_415, %select_n3A_469 : i32
    %ne3A_471 = arith.constant 0 : i32
    %ne3A_472 = arith.cmpi ne, %rem3A_470, %ne3A_471 : i32
    %lt3A_473 = arith.constant 0 : i32
    %lt3A_474 = arith.cmpi slt, %rem3A_470, %lt3A_473 : i32
    %lt3A_475 = arith.constant 0 : i32
    %lt3A_476 = arith.cmpi slt, %select_n3A_469, %lt3A_475 : i32
    %ne3A_477 = arith.xori %lt3A_474, %lt3A_476 : i1
    %and3A_478 = arith.andi %ne3A_477, %ne3A_472 : i1
    %add3A_479 = arith.addi %rem3A_470, %select_n3A_469 : i32
    %select_n3A_480 = arith.select %and3A_478, %add3A_479, %rem3A_470 : i32
    %jit3A_481 = arith.constant 3 : i32
    %eq3A_482 = arith.constant 0 : i32
    %eq3A_483 = arith.cmpi eq, %jit3A_481, %eq3A_482 : i32
    %jit3A_484 = arith.constant 1 : i32
    %select_n3A_485 = arith.select %eq3A_483, %jit3A_484, %jit3A_481 : i32
    %rem3A_486 = arith.remsi %sub3A_415, %select_n3A_485 : i32
    %ne3A_487 = arith.constant 0 : i32
    %ne3A_488 = arith.cmpi ne, %rem3A_486, %ne3A_487 : i32
    %lt3A_489 = arith.constant 0 : i32
    %lt3A_490 = arith.cmpi slt, %rem3A_486, %lt3A_489 : i32
    %lt3A_491 = arith.constant 0 : i32
    %lt3A_492 = arith.cmpi slt, %select_n3A_485, %lt3A_491 : i32
    %ne3A_493 = arith.xori %lt3A_490, %lt3A_492 : i1
    %and3A_494 = arith.andi %ne3A_493, %ne3A_488 : i1
    %add3A_495 = arith.addi %rem3A_486, %select_n3A_485 : i32
    %select_n3A_496 = arith.select %and3A_494, %add3A_495, %rem3A_486 : i32
    %dma_start3A_497 = arith.constant 1 : i32
    %dma_start3A_498 = arith.constant 0 : i32
    %dma_start3A_499 = arith.constant 0 : i32
    %dma_start3A_500 = tpu.memref_slice %arg9[%select_n3A_464, %dma_start3A_498, %dma_start3A_499] : memref<3x64x72xf32, #tpu.memory_space<vmem>> -> memref<1x64x72xf32, #tpu.memory_space<vmem>>
    %dma_start3A_501 = tpu.memref_squeeze %dma_start3A_500 : memref<1x64x72xf32, #tpu.memory_space<vmem>> -> memref<64x72xf32, #tpu.memory_space<vmem>>
    %dma_start3A_502 = arith.constant 0 : i32
    %dma_start3A_503 = tpu.memref_slice %arg8[%select_n3A_480, %dma_start3A_497, %dma_start3A_502] : memref<8x2x64xi32, #tpu.memory_space<vmem>> -> memref<1x1x64xi32, #tpu.memory_space<vmem>>
    %dma_start3A_504 = tpu.memref_squeeze %dma_start3A_503 : memref<1x1x64xi32, #tpu.memory_space<vmem>> -> memref<64xi32, #tpu.memory_space<vmem>>
    %dma_start3A_505 = arith.constant 0 : i32
    %dma_start3A_506 = arith.constant 0 : i32
    %dma_start3A_507 = tpu.memref_slice %arg10[%dma_start3A_505, %dma_start3A_506] : memref<25344x72xf32, #tpu.memory_space<vmem_shared>> -> memref<25344x72xf32, #tpu.memory_space<vmem_shared>>
    %dma_start3A_508 = tpu.memref_slice %arg12[%select_n3A_496] : memref<3x!tpu.dma_semaphore, #tpu.memory_space<semaphore_mem>> -> memref<1x!tpu.dma_semaphore, #tpu.memory_space<semaphore_mem>>
    %dma_start3A_509 = tpu.memref_squeeze %dma_start3A_508 : memref<1x!tpu.dma_semaphore, #tpu.memory_space<semaphore_mem>> -> memref<!tpu.dma_semaphore, #tpu.memory_space<semaphore_mem>>
    tpu.enqueue_indirect_dma source(%dma_start3A_501 : memref<64x72xf32, #tpu.memory_space<vmem>>) target(%dma_start3A_507 : memref<25344x72xf32, #tpu.memory_space<vmem_shared>>) offsets(%dma_start3A_504 : memref<64xi32, #tpu.memory_space<vmem>>) semaphore(%dma_start3A_509 : memref<!tpu.dma_semaphore, #tpu.memory_space<semaphore_mem>>) {add = true}
    %sub3A_510 = arith.constant 0 : i32
    %sub3A_511 = arith.subi %sub3A_413, %sub3A_510 : i32
    %jit3A_512 = arith.constant 3 : i32
    %eq3A_513 = arith.constant 0 : i32
    %eq3A_514 = arith.cmpi eq, %jit3A_512, %eq3A_513 : i32
    %jit3A_515 = arith.constant 1 : i32
    %select_n3A_516 = arith.select %eq3A_514, %jit3A_515, %jit3A_512 : i32
    %rem3A_517 = arith.remsi %sub3A_511, %select_n3A_516 : i32
    %ne3A_518 = arith.constant 0 : i32
    %ne3A_519 = arith.cmpi ne, %rem3A_517, %ne3A_518 : i32
    %lt3A_520 = arith.constant 0 : i32
    %lt3A_521 = arith.cmpi slt, %rem3A_517, %lt3A_520 : i32
    %lt3A_522 = arith.constant 0 : i32
    %lt3A_523 = arith.cmpi slt, %select_n3A_516, %lt3A_522 : i32
    %ne3A_524 = arith.xori %lt3A_521, %lt3A_523 : i1
    %and3A_525 = arith.andi %ne3A_524, %ne3A_519 : i1
    %add3A_526 = arith.addi %rem3A_517, %select_n3A_516 : i32
    %select_n3A_527 = arith.select %and3A_525, %add3A_526, %rem3A_517 : i32
    %dma_wait3A_528 = arith.constant 0 : i32
    %dma_wait3A_529 = arith.constant 0 : i32
    %dma_wait3A_530 = arith.constant 0 : i32
    %dma_wait3A_531 = tpu.memref_slice %arg9[%dma_wait3A_528, %dma_wait3A_529, %dma_wait3A_530] : memref<3x64x72xf32, #tpu.memory_space<vmem>> -> memref<1x64x72xf32, #tpu.memory_space<vmem>>
    %dma_wait3A_532 = tpu.memref_squeeze %dma_wait3A_531 : memref<1x64x72xf32, #tpu.memory_space<vmem>> -> memref<64x72xf32, #tpu.memory_space<vmem>>
    %dma_wait3A_533 = arith.constant 0 : i32
    %dma_wait3A_534 = arith.constant 0 : i32
    %dma_wait3A_535 = tpu.memref_slice %arg5[%dma_wait3A_533, %dma_wait3A_534] : memref<1568x72xf32, #tpu.memory_space<hbm>> -> memref<64x72xf32, #tpu.memory_space<hbm>>
    %dma_wait3A_536 = tpu.memref_slice %arg11[%select_n3A_527] : memref<3x!tpu.dma_semaphore, #tpu.memory_space<semaphore_mem>> -> memref<1x!tpu.dma_semaphore, #tpu.memory_space<semaphore_mem>>
    %dma_wait3A_537 = tpu.memref_squeeze %dma_wait3A_536 : memref<1x!tpu.dma_semaphore, #tpu.memory_space<semaphore_mem>> -> memref<!tpu.dma_semaphore, #tpu.memory_space<semaphore_mem>>
    %dma_wait3A_538 = arith.constant 0 : i32
    %dma_wait3A_539 = arith.constant 0 : i32
    %dma_wait3A_540 = tpu.memref_slice %arg9[%dma_wait3A_528, %dma_wait3A_538, %dma_wait3A_539] : memref<3x64x72xf32, #tpu.memory_space<vmem>> -> memref<1x64x72xf32, #tpu.memory_space<vmem>>
    %dma_wait3A_541 = tpu.memref_squeeze %dma_wait3A_540 : memref<1x64x72xf32, #tpu.memory_space<vmem>> -> memref<64x72xf32, #tpu.memory_space<vmem>>
    %dma_wait3A_542 = arith.constant 0 : i32
    %dma_wait3A_543 = arith.constant 0 : i32
    %dma_wait3A_544 = tpu.memref_slice %arg5[%dma_wait3A_542, %dma_wait3A_543] : memref<1568x72xf32, #tpu.memory_space<hbm>> -> memref<64x72xf32, #tpu.memory_space<hbm>>
    tpu.wait_dma2 semaphore(%dma_wait3A_537 : memref<!tpu.dma_semaphore, #tpu.memory_space<semaphore_mem>>) src(%dma_wait3A_544 : memref<64x72xf32, #tpu.memory_space<hbm>>) dst(%dma_wait3A_541 : memref<64x72xf32, #tpu.memory_space<vmem>>)
    %jit3A_545 = arith.constant 3 : i32
    %eq3A_546 = arith.constant 0 : i32
    %eq3A_547 = arith.cmpi eq, %jit3A_545, %eq3A_546 : i32
    %jit3A_548 = arith.constant 1 : i32
    %select_n3A_549 = arith.select %eq3A_547, %jit3A_548, %jit3A_545 : i32
    %rem3A_550 = arith.remsi %sub3A_511, %select_n3A_549 : i32
    %ne3A_551 = arith.constant 0 : i32
    %ne3A_552 = arith.cmpi ne, %rem3A_550, %ne3A_551 : i32
    %lt3A_553 = arith.constant 0 : i32
    %lt3A_554 = arith.cmpi slt, %rem3A_550, %lt3A_553 : i32
    %lt3A_555 = arith.constant 0 : i32
    %lt3A_556 = arith.cmpi slt, %select_n3A_549, %lt3A_555 : i32
    %ne3A_557 = arith.xori %lt3A_554, %lt3A_556 : i1
    %and3A_558 = arith.andi %ne3A_557, %ne3A_552 : i1
    %add3A_559 = arith.addi %rem3A_550, %select_n3A_549 : i32
    %select_n3A_560 = arith.select %and3A_558, %add3A_559, %rem3A_550 : i32
    %jit3A_561 = arith.constant 8 : i32
    %eq3A_562 = arith.constant 0 : i32
    %eq3A_563 = arith.cmpi eq, %jit3A_561, %eq3A_562 : i32
    %jit3A_564 = arith.constant 1 : i32
    %select_n3A_565 = arith.select %eq3A_563, %jit3A_564, %jit3A_561 : i32
    %rem3A_566 = arith.remsi %sub3A_511, %select_n3A_565 : i32
    %ne3A_567 = arith.constant 0 : i32
    %ne3A_568 = arith.cmpi ne, %rem3A_566, %ne3A_567 : i32
    %lt3A_569 = arith.constant 0 : i32
    %lt3A_570 = arith.cmpi slt, %rem3A_566, %lt3A_569 : i32
    %lt3A_571 = arith.constant 0 : i32
    %lt3A_572 = arith.cmpi slt, %select_n3A_565, %lt3A_571 : i32
    %ne3A_573 = arith.xori %lt3A_570, %lt3A_572 : i1
    %and3A_574 = arith.andi %ne3A_573, %ne3A_568 : i1
    %add3A_575 = arith.addi %rem3A_566, %select_n3A_565 : i32
    %select_n3A_576 = arith.select %and3A_574, %add3A_575, %rem3A_566 : i32
    %jit3A_577 = arith.constant 3 : i32
    %eq3A_578 = arith.constant 0 : i32
    %eq3A_579 = arith.cmpi eq, %jit3A_577, %eq3A_578 : i32
    %jit3A_580 = arith.constant 1 : i32
    %select_n3A_581 = arith.select %eq3A_579, %jit3A_580, %jit3A_577 : i32
    %rem3A_582 = arith.remsi %sub3A_511, %select_n3A_581 : i32
    %ne3A_583 = arith.constant 0 : i32
    %ne3A_584 = arith.cmpi ne, %rem3A_582, %ne3A_583 : i32
    %lt3A_585 = arith.constant 0 : i32
    %lt3A_586 = arith.cmpi slt, %rem3A_582, %lt3A_585 : i32
    %lt3A_587 = arith.constant 0 : i32
    %lt3A_588 = arith.cmpi slt, %select_n3A_581, %lt3A_587 : i32
    %ne3A_589 = arith.xori %lt3A_586, %lt3A_588 : i1
    %and3A_590 = arith.andi %ne3A_589, %ne3A_584 : i1
    %add3A_591 = arith.addi %rem3A_582, %select_n3A_581 : i32
    %select_n3A_592 = arith.select %and3A_590, %add3A_591, %rem3A_582 : i32
    %dma_start3A_593 = arith.constant 1 : i32
    %dma_start3A_594 = arith.constant 0 : i32
    %dma_start3A_595 = arith.constant 0 : i32
    %dma_start3A_596 = tpu.memref_slice %arg9[%select_n3A_560, %dma_start3A_594, %dma_start3A_595] : memref<3x64x72xf32, #tpu.memory_space<vmem>> -> memref<1x64x72xf32, #tpu.memory_space<vmem>>
    %dma_start3A_597 = tpu.memref_squeeze %dma_start3A_596 : memref<1x64x72xf32, #tpu.memory_space<vmem>> -> memref<64x72xf32, #tpu.memory_space<vmem>>
    %dma_start3A_598 = arith.constant 0 : i32
    %dma_start3A_599 = tpu.memref_slice %arg8[%select_n3A_576, %dma_start3A_593, %dma_start3A_598] : memref<8x2x64xi32, #tpu.memory_space<vmem>> -> memref<1x1x64xi32, #tpu.memory_space<vmem>>
    %dma_start3A_600 = tpu.memref_squeeze %dma_start3A_599 : memref<1x1x64xi32, #tpu.memory_space<vmem>> -> memref<64xi32, #tpu.memory_space<vmem>>
    %dma_start3A_601 = arith.constant 0 : i32
    %dma_start3A_602 = arith.constant 0 : i32
    %dma_start3A_603 = tpu.memref_slice %arg10[%dma_start3A_601, %dma_start3A_602] : memref<25344x72xf32, #tpu.memory_space<vmem_shared>> -> memref<25344x72xf32, #tpu.memory_space<vmem_shared>>
    %dma_start3A_604 = tpu.memref_slice %arg12[%select_n3A_592] : memref<3x!tpu.dma_semaphore, #tpu.memory_space<semaphore_mem>> -> memref<1x!tpu.dma_semaphore, #tpu.memory_space<semaphore_mem>>
    %dma_start3A_605 = tpu.memref_squeeze %dma_start3A_604 : memref<1x!tpu.dma_semaphore, #tpu.memory_space<semaphore_mem>> -> memref<!tpu.dma_semaphore, #tpu.memory_space<semaphore_mem>>
    tpu.enqueue_indirect_dma source(%dma_start3A_597 : memref<64x72xf32, #tpu.memory_space<vmem>>) target(%dma_start3A_603 : memref<25344x72xf32, #tpu.memory_space<vmem_shared>>) offsets(%dma_start3A_600 : memref<64xi32, #tpu.memory_space<vmem>>) semaphore(%dma_start3A_605 : memref<!tpu.dma_semaphore, #tpu.memory_space<semaphore_mem>>) {add = true}
    %sub3A_606 = arith.constant 0 : i32
    %sub3A_607 = arith.subi %sub3A_413, %sub3A_606 : i32
    %jit3A_608 = arith.constant 3 : i32
    %eq3A_609 = arith.constant 0 : i32
    %eq3A_610 = arith.cmpi eq, %jit3A_608, %eq3A_609 : i32
    %jit3A_611 = arith.constant 1 : i32
    %select_n3A_612 = arith.select %eq3A_610, %jit3A_611, %jit3A_608 : i32
    %rem3A_613 = arith.remsi %sub3A_607, %select_n3A_612 : i32
    %ne3A_614 = arith.constant 0 : i32
    %ne3A_615 = arith.cmpi ne, %rem3A_613, %ne3A_614 : i32
    %lt3A_616 = arith.constant 0 : i32
    %lt3A_617 = arith.cmpi slt, %rem3A_613, %lt3A_616 : i32
    %lt3A_618 = arith.constant 0 : i32
    %lt3A_619 = arith.cmpi slt, %select_n3A_612, %lt3A_618 : i32
    %ne3A_620 = arith.xori %lt3A_617, %lt3A_619 : i1
    %and3A_621 = arith.andi %ne3A_620, %ne3A_615 : i1
    %add3A_622 = arith.addi %rem3A_613, %select_n3A_612 : i32
    %select_n3A_623 = arith.select %and3A_621, %add3A_622, %rem3A_613 : i32
    %dma_wait3A_624 = arith.constant 0 : i32
    %dma_wait3A_625 = arith.constant 0 : i32
    %dma_wait3A_626 = arith.constant 0 : i32
    %dma_wait3A_627 = tpu.memref_slice %arg9[%dma_wait3A_624, %dma_wait3A_625, %dma_wait3A_626] : memref<3x64x72xf32, #tpu.memory_space<vmem>> -> memref<1x64x72xf32, #tpu.memory_space<vmem>>
    %dma_wait3A_628 = tpu.memref_squeeze %dma_wait3A_627 : memref<1x64x72xf32, #tpu.memory_space<vmem>> -> memref<64x72xf32, #tpu.memory_space<vmem>>
    %dma_wait3A_629 = arith.constant 0 : i32
    %dma_wait3A_630 = arith.constant 0 : i32
    %dma_wait3A_631 = tpu.memref_slice %arg5[%dma_wait3A_629, %dma_wait3A_630] : memref<1568x72xf32, #tpu.memory_space<hbm>> -> memref<64x72xf32, #tpu.memory_space<hbm>>
    %dma_wait3A_632 = tpu.memref_slice %arg12[%select_n3A_623] : memref<3x!tpu.dma_semaphore, #tpu.memory_space<semaphore_mem>> -> memref<1x!tpu.dma_semaphore, #tpu.memory_space<semaphore_mem>>
    %dma_wait3A_633 = tpu.memref_squeeze %dma_wait3A_632 : memref<1x!tpu.dma_semaphore, #tpu.memory_space<semaphore_mem>> -> memref<!tpu.dma_semaphore, #tpu.memory_space<semaphore_mem>>
    %dma_wait3A_634 = arith.constant 0 : i32
    %dma_wait3A_635 = arith.constant 0 : i32
    %dma_wait3A_636 = tpu.memref_slice %arg9[%dma_wait3A_624, %dma_wait3A_634, %dma_wait3A_635] : memref<3x64x72xf32, #tpu.memory_space<vmem>> -> memref<1x64x72xf32, #tpu.memory_space<vmem>>
    %dma_wait3A_637 = tpu.memref_squeeze %dma_wait3A_636 : memref<1x64x72xf32, #tpu.memory_space<vmem>> -> memref<64x72xf32, #tpu.memory_space<vmem>>
    %dma_wait3A_638 = arith.constant 0 : i32
    %dma_wait3A_639 = arith.constant 0 : i32
    %dma_wait3A_640 = tpu.memref_slice %arg5[%dma_wait3A_638, %dma_wait3A_639] : memref<1568x72xf32, #tpu.memory_space<hbm>> -> memref<64x72xf32, #tpu.memory_space<hbm>>
    tpu.wait_dma2 semaphore(%dma_wait3A_633 : memref<!tpu.dma_semaphore, #tpu.memory_space<semaphore_mem>>) src(%dma_wait3A_640 : memref<64x72xf32, #tpu.memory_space<hbm>>) dst(%dma_wait3A_637 : memref<64x72xf32, #tpu.memory_space<vmem>>)
    %sub3A_641 = arith.constant 1 : i32
    %sub3A_642 = arith.subi %sub3A_413, %sub3A_641 : i32
    %jit3A_643 = arith.constant 3 : i32
    %eq3A_644 = arith.constant 0 : i32
    %eq3A_645 = arith.cmpi eq, %jit3A_643, %eq3A_644 : i32
    %jit3A_646 = arith.constant 1 : i32
    %select_n3A_647 = arith.select %eq3A_645, %jit3A_646, %jit3A_643 : i32
    %rem3A_648 = arith.remsi %sub3A_642, %select_n3A_647 : i32
    %ne3A_649 = arith.constant 0 : i32
    %ne3A_650 = arith.cmpi ne, %rem3A_648, %ne3A_649 : i32
    %lt3A_651 = arith.constant 0 : i32
    %lt3A_652 = arith.cmpi slt, %rem3A_648, %lt3A_651 : i32
    %lt3A_653 = arith.constant 0 : i32
    %lt3A_654 = arith.cmpi slt, %select_n3A_647, %lt3A_653 : i32
    %ne3A_655 = arith.xori %lt3A_652, %lt3A_654 : i1
    %and3A_656 = arith.andi %ne3A_655, %ne3A_650 : i1
    %add3A_657 = arith.addi %rem3A_648, %select_n3A_647 : i32
    %select_n3A_658 = arith.select %and3A_656, %add3A_657, %rem3A_648 : i32
    %dma_wait3A_659 = arith.constant 0 : i32
    %dma_wait3A_660 = arith.constant 0 : i32
    %dma_wait3A_661 = arith.constant 0 : i32
    %dma_wait3A_662 = tpu.memref_slice %arg9[%dma_wait3A_659, %dma_wait3A_660, %dma_wait3A_661] : memref<3x64x72xf32, #tpu.memory_space<vmem>> -> memref<1x64x72xf32, #tpu.memory_space<vmem>>
    %dma_wait3A_663 = tpu.memref_squeeze %dma_wait3A_662 : memref<1x64x72xf32, #tpu.memory_space<vmem>> -> memref<64x72xf32, #tpu.memory_space<vmem>>
    %dma_wait3A_664 = arith.constant 0 : i32
    %dma_wait3A_665 = arith.constant 0 : i32
    %dma_wait3A_666 = tpu.memref_slice %arg5[%dma_wait3A_664, %dma_wait3A_665] : memref<1568x72xf32, #tpu.memory_space<hbm>> -> memref<64x72xf32, #tpu.memory_space<hbm>>
    %dma_wait3A_667 = tpu.memref_slice %arg12[%select_n3A_658] : memref<3x!tpu.dma_semaphore, #tpu.memory_space<semaphore_mem>> -> memref<1x!tpu.dma_semaphore, #tpu.memory_space<semaphore_mem>>
    %dma_wait3A_668 = tpu.memref_squeeze %dma_wait3A_667 : memref<1x!tpu.dma_semaphore, #tpu.memory_space<semaphore_mem>> -> memref<!tpu.dma_semaphore, #tpu.memory_space<semaphore_mem>>
    %dma_wait3A_669 = arith.constant 0 : i32
    %dma_wait3A_670 = arith.constant 0 : i32
    %dma_wait3A_671 = tpu.memref_slice %arg9[%dma_wait3A_659, %dma_wait3A_669, %dma_wait3A_670] : memref<3x64x72xf32, #tpu.memory_space<vmem>> -> memref<1x64x72xf32, #tpu.memory_space<vmem>>
    %dma_wait3A_672 = tpu.memref_squeeze %dma_wait3A_671 : memref<1x64x72xf32, #tpu.memory_space<vmem>> -> memref<64x72xf32, #tpu.memory_space<vmem>>
    %dma_wait3A_673 = arith.constant 0 : i32
    %dma_wait3A_674 = arith.constant 0 : i32
    %dma_wait3A_675 = tpu.memref_slice %arg5[%dma_wait3A_673, %dma_wait3A_674] : memref<1568x72xf32, #tpu.memory_space<hbm>> -> memref<64x72xf32, #tpu.memory_space<hbm>>
    tpu.wait_dma2 semaphore(%dma_wait3A_668 : memref<!tpu.dma_semaphore, #tpu.memory_space<semaphore_mem>>) src(%dma_wait3A_675 : memref<64x72xf32, #tpu.memory_space<hbm>>) dst(%dma_wait3A_672 : memref<64x72xf32, #tpu.memory_space<vmem>>)
    %sub3A_676 = arith.constant 2 : i32
    %sub3A_677 = arith.subi %sub3A_413, %sub3A_676 : i32
    %jit3A_678 = arith.constant 3 : i32
    %eq3A_679 = arith.constant 0 : i32
    %eq3A_680 = arith.cmpi eq, %jit3A_678, %eq3A_679 : i32
    %jit3A_681 = arith.constant 1 : i32
    %select_n3A_682 = arith.select %eq3A_680, %jit3A_681, %jit3A_678 : i32
    %rem3A_683 = arith.remsi %sub3A_677, %select_n3A_682 : i32
    %ne3A_684 = arith.constant 0 : i32
    %ne3A_685 = arith.cmpi ne, %rem3A_683, %ne3A_684 : i32
    %lt3A_686 = arith.constant 0 : i32
    %lt3A_687 = arith.cmpi slt, %rem3A_683, %lt3A_686 : i32
    %lt3A_688 = arith.constant 0 : i32
    %lt3A_689 = arith.cmpi slt, %select_n3A_682, %lt3A_688 : i32
    %ne3A_690 = arith.xori %lt3A_687, %lt3A_689 : i1
    %and3A_691 = arith.andi %ne3A_690, %ne3A_685 : i1
    %add3A_692 = arith.addi %rem3A_683, %select_n3A_682 : i32
    %select_n3A_693 = arith.select %and3A_691, %add3A_692, %rem3A_683 : i32
    %dma_wait3A_694 = arith.constant 0 : i32
    %dma_wait3A_695 = arith.constant 0 : i32
    %dma_wait3A_696 = arith.constant 0 : i32
    %dma_wait3A_697 = tpu.memref_slice %arg9[%dma_wait3A_694, %dma_wait3A_695, %dma_wait3A_696] : memref<3x64x72xf32, #tpu.memory_space<vmem>> -> memref<1x64x72xf32, #tpu.memory_space<vmem>>
    %dma_wait3A_698 = tpu.memref_squeeze %dma_wait3A_697 : memref<1x64x72xf32, #tpu.memory_space<vmem>> -> memref<64x72xf32, #tpu.memory_space<vmem>>
    %dma_wait3A_699 = arith.constant 0 : i32
    %dma_wait3A_700 = arith.constant 0 : i32
    %dma_wait3A_701 = tpu.memref_slice %arg5[%dma_wait3A_699, %dma_wait3A_700] : memref<1568x72xf32, #tpu.memory_space<hbm>> -> memref<64x72xf32, #tpu.memory_space<hbm>>
    %dma_wait3A_702 = tpu.memref_slice %arg12[%select_n3A_693] : memref<3x!tpu.dma_semaphore, #tpu.memory_space<semaphore_mem>> -> memref<1x!tpu.dma_semaphore, #tpu.memory_space<semaphore_mem>>
    %dma_wait3A_703 = tpu.memref_squeeze %dma_wait3A_702 : memref<1x!tpu.dma_semaphore, #tpu.memory_space<semaphore_mem>> -> memref<!tpu.dma_semaphore, #tpu.memory_space<semaphore_mem>>
    %dma_wait3A_704 = arith.constant 0 : i32
    %dma_wait3A_705 = arith.constant 0 : i32
    %dma_wait3A_706 = tpu.memref_slice %arg9[%dma_wait3A_694, %dma_wait3A_704, %dma_wait3A_705] : memref<3x64x72xf32, #tpu.memory_space<vmem>> -> memref<1x64x72xf32, #tpu.memory_space<vmem>>
    %dma_wait3A_707 = tpu.memref_squeeze %dma_wait3A_706 : memref<1x64x72xf32, #tpu.memory_space<vmem>> -> memref<64x72xf32, #tpu.memory_space<vmem>>
    %dma_wait3A_708 = arith.constant 0 : i32
    %dma_wait3A_709 = arith.constant 0 : i32
    %dma_wait3A_710 = tpu.memref_slice %arg5[%dma_wait3A_708, %dma_wait3A_709] : memref<1568x72xf32, #tpu.memory_space<hbm>> -> memref<64x72xf32, #tpu.memory_space<hbm>>
    tpu.wait_dma2 semaphore(%dma_wait3A_703 : memref<!tpu.dma_semaphore, #tpu.memory_space<semaphore_mem>>) src(%dma_wait3A_710 : memref<64x72xf32, #tpu.memory_space<hbm>>) dst(%dma_wait3A_707 : memref<64x72xf32, #tpu.memory_space<vmem>>)
    %barrier3A_711 = arith.constant 0 : index
    tpu.barrier barrier_id(%barrier3A_711)
    %add3A_712 = arith.addi %mul3A_0, %mul3A_2 : i32
    "tpu.region"() ({
      %run_scoped3A = tpu.sem_alloc : memref<!tpu.dma_semaphore, #tpu.memory_space<semaphore_mem>>
      %dma_start3A_714 = arith.constant 0 : i32
      %dma_start3A_715 = tpu.memref_slice %arg7[%add3A_712, %dma_start3A_714] : memref<50176x72xf32, #tpu.memory_space<hbm>> -> memref<1568x72xf32, #tpu.memory_space<hbm>>
      %dma_start3A_716 = arith.constant 0 : i32
      %dma_start3A_717 = tpu.memref_slice %arg10[%mul3A_2, %dma_start3A_716] : memref<25344x72xf32, #tpu.memory_space<vmem_shared>> -> memref<1568x72xf32, #tpu.memory_space<vmem_shared>>
      tpu.enqueue_dma source(%dma_start3A_717 : memref<1568x72xf32, #tpu.memory_space<vmem_shared>>) target(%dma_start3A_715 : memref<1568x72xf32, #tpu.memory_space<hbm>>) target_semaphore(%run_scoped3A : memref<!tpu.dma_semaphore, #tpu.memory_space<semaphore_mem>>)
      %dma_wait3A_718 = arith.constant 0 : i32
      %dma_wait3A_719 = tpu.memref_slice %arg7[%add3A_712, %dma_wait3A_718] : memref<50176x72xf32, #tpu.memory_space<hbm>> -> memref<1568x72xf32, #tpu.memory_space<hbm>>
      %dma_wait3A_720 = arith.constant 0 : i32
      %dma_wait3A_721 = tpu.memref_slice %arg10[%mul3A_2, %dma_wait3A_720] : memref<25344x72xf32, #tpu.memory_space<vmem_shared>> -> memref<1568x72xf32, #tpu.memory_space<vmem_shared>>
      tpu.wait_dma2 semaphore(%run_scoped3A : memref<!tpu.dma_semaphore, #tpu.memory_space<semaphore_mem>>) src(%dma_wait3A_721 : memref<1568x72xf32, #tpu.memory_space<vmem_shared>>) dst(%dma_wait3A_719 : memref<1568x72xf32, #tpu.memory_space<hbm>>)
      tpu.yield
    }) : () -> ()
    %barrier3A_713 = arith.constant 0 : index
    tpu.barrier barrier_id(%barrier3A_713)
    return
  }
}

</mosaic_0001>

<sc_bundles>
// kernel: _sc_segsum.3.cloned.1.call-start
scs
__scs_entry_jumppad:
0x0: {  	(pc) =	sbr.rel $0x88, $3  }
0x1: {  	(tag) =	ssettag $0x0;
	lr =	simm.s32 $0x1  }
0x2: {  	[smem:$0x3F9D] =	sst lr;
	_ =	strace $0xD0000000  }
0x3: {  	_ = 	snop  }
0x4: {  	_ = 	snop  }
0x5: {  	_ = 	snop  }
0x6: {  	_ = 	snop  }
0x7: {  	_ = 	snop  }
__scs_overlays_trampoline_lowered:
0x8: {  	[smem:$0x3FAC] =	sst s0  }
0x9: {  	[smem:$0x3FAD] =	sst s1  }
0xa: {  	[smem:$0x3FAE] =	sst s2  }
0xb: {  	[smem:$0x3FAF] =	sst s3  }
0xc: {  	[smem:$0x3FB0] =	sst s4  }
0xd: {  	[smem:$0x3FB1] =	sst s5  }
0xe: {  	[smem:$0x3FB2] =	sst s6  }
0xf: {  	[smem:$0x3FB3] =	sst s7  }
0x10: {  	[smem:$0x3FB4] =	sst s8  }
0x11: {  	[smem:$0x3FB5] =	sst s9;
	s0 =	simm.s32 @!p0 $0x0  }
0x12: {  	s1 =	sld [smem:$0x3F9B];
	s0 =	simm.s32 @p0 $0x1  }
0x13: {  	[smem:$0x3FB6] =	sst s0;
	s0 =	simm.s32 @!p1 $0x0  }
0x14: {  	s2 =	sld [smem:$0x3F9A];
	s0 =	simm.s32 @p1 $0x1  }
0x15: {  	[smem:$0x3FB7] =	sst s0;
	s0 =	simm.s32 @!p2 $0x0  }
0x16: {  	s3 =	sld [smem:$0x3FDB];
	s0 =	simm.s32 @p2 $0x1  }
0x17: {  	s4 =	simm.s32 $0x1BF5;
	[smem:$0x3FB9] =	sst s0  }
0x18: {  	s0 =	sld [smem:$0x3F9C];
	_ =	swait.ge [sflag:s4], $0x0  }
0x19: {  	s7 =	sld [smem:$0x3F9D]  }
0x1a: {  	s8 =	sadd.s32 $0xFFFFE003, lr  }
0x1b: {  	s9 =	sadd.s32 $0xFFFFFEF7, lr;
	s5 =	simm.s32 $0xFFFFFFFF;
	p2 =	slt.u32 s8, $0xFFFFF086  }
0x1c: {  	p1 =	slt.u32 s9, $0xF7A;
	s5 =	simm.s32 @!p2 $0x0  }
0x1d: {  	s5 =	simm.s32 @p1 $0x1;
	p0 =	seq.s32 s7, s2  }
0x1e: {  	s7 =	smul.u32 @!p0 $0xF7A, s2;
	p2 =	seq.s32 @!p0 s5, $0x0  }
0x1f: {  	s9 =	smul.u32 $0xF7A, s1;
	s8 =	simm.s32 @!p0 $0x1BF5;
	p2 =	por !p2, p0  }
0x20: {  	[sflag:s8] =	ssyncset.s32 @!p0 $0xFFFFF086;
	s6 =	sadd.s32 @!p0 s3, s7;
	s7 =	simm.s32 @!p0 $0x108  }
0x21: {  	s3 =	sadd.s32 s3, s9;
	s6 =	sadd.s32 @!p0 $0x88, s6;
	s7 =	simm.s32 @p2 $0x1082  }
0x22: {  	[simem:s7], [sflag:s8] =	dma.local @!p0 [hbm:s6], $0xF7A  }
0x23: {  	s9 =	sor.u32 $0xD0000000, s2;
	s6 =	simm.s32 $0x108;
	_ =	swait.ge @!p0 [sflag:s8], $0x0  }
0x24: {  	s3 =	sadd.s32 $0x88, s3;
	s6 =	simm.s32 @!p1 $0x1082;
	[sflag:s4] =	ssyncset.s32 $0xFFFFF086  }
0x25: {  	[simem:s6], [sflag:s4] =	dma.local [hbm:s3], $0xF7A  }
0x26: {  	[smem:$0x3F9D] =	sst s1;
	(tag) =	ssettag s2;
	_ =	strace s9  }
0x27: {  	s1 =	sld [smem:$0x3FAD]  }
0x28: {  	s2 =	sld [smem:$0x3FAE]  }
0x29: {  	s4 =	sld [smem:$0x3FB0]  }
0x2a: {  	p0 =	seq.s32 s5, $0x0;
	s5 =	sld [smem:$0x3FB1]  }
0x2b: {  	s6 =	sld [smem:$0x3FB2]  }
0x2c: {  	s7 =	sld [smem:$0x3FB3]  }
0x2d: {  	s3 =	simm.s32 $0x108;
	s8 =	sld [smem:$0x3FB4]  }
0x2e: {  	s3 =	simm.s32 @!p0 $0x1082;
	s9 =	sld [smem:$0x3FB5]  }
0x2f: {  	lr =	sadd.s32 s0, s3;
	s0 =	sld [smem:$0x3FAC]  }
0x30: {  	s3 =	sld [smem:$0x3FAF]  }
0x31: {  	[smem:$0x3FB8] =	sst s10  }
0x32: {  	s10 =	sld [smem:$0x3FB6];
	_ =	sdelay $0x3  }
0x33: {  	p0 =	seq.s32 s10, $0x1;
	s10 =	sld [smem:$0x3FB8];
	_ =	sdelay $0x3  }
0x34: {  	[smem:$0x3FB8] =	sst s10  }
0x35: {  	s10 =	sld [smem:$0x3FB7];
	_ =	sdelay $0x3  }
0x36: {  	p1 =	seq.s32 s10, $0x1;
	s10 =	sld [smem:$0x3FB8];
	_ =	sdelay $0x3  }
0x37: {  	[smem:$0x3FB8] =	sst s10  }
0x38: {  	s10 =	sld [smem:$0x3FB9]  }
0x39: {  	_ = 	snop;
	(pc) =	sbr.ind lr, $3  }
0x3a: {  	_ = 	snop  }
0x3b: {  	_ = 	snop  }
0x3c: {  	p2 =	seq.s32 s10, $0x1;
	s10 =	sld [smem:$0x3FB8]  }
0x3d: {  	_ =	shalt  }
0x3e: {  	_ =	shalt  }
0x3f: {  	_ =	shalt  }
0x40: {  	_ =	shalt  }
0x41: {  	_ =	shalt  }
0x42: {  	_ =	shalt  }
0x43: {  	_ =	shalt  }
0x44: {  	_ =	shalt  }
0x45: {  	_ =	shalt  }
0x46: {  	_ =	shalt  }
0x47: {  	_ =	shalt  }
0x48: {  	_ =	shalt  }
0x49: {  	_ =	shalt  }
0x4a: {  	_ =	shalt  }
0x4b: {  	_ =	shalt  }
0x4c: {  	_ =	shalt  }
0x4d: {  	_ =	shalt  }
0x4e: {  	_ =	shalt  }
0x4f: {  	_ =	shalt  }
0x50: {  	_ =	shalt  }
0x51: {  	_ =	shalt  }
0x52: {  	_ =	shalt  }
0x53: {  	_ =	shalt  }
0x54: {  	_ =	shalt  }
0x55: {  	_ =	shalt  }
0x56: {  	_ =	shalt  }
0x57: {  	_ =	shalt  }
0x58: {  	_ =	shalt  }
0x59: {  	_ =	shalt  }
0x5a: {  	_ =	shalt  }
0x5b: {  	_ =	shalt  }
0x5c: {  	_ =	shalt  }
0x5d: {  	_ =	shalt  }
0x5e: {  	_ =	shalt  }
0x5f: {  	_ =	shalt  }
0x60: {  	_ =	shalt  }
0x61: {  	_ =	shalt  }
0x62: {  	_ =	shalt  }
0x63: {  	_ =	shalt  }
0x64: {  	_ =	shalt  }
0x65: {  	_ =	shalt  }
0x66: {  	_ =	shalt  }
0x67: {  	_ =	shalt  }
0x68: {  	_ =	shalt  }
0x69: {  	_ =	shalt  }
0x6a: {  	_ =	shalt  }
0x6b: {  	_ =	shalt  }
0x6c: {  	_ =	shalt  }
0x6d: {  	_ =	shalt  }
0x6e: {  	_ =	shalt  }
0x6f: {  	_ =	shalt  }
0x70: {  	_ =	shalt  }
0x71: {  	_ =	shalt  }
0x72: {  	_ =	shalt  }
0x73: {  	_ =	shalt  }
0x74: {  	_ =	shalt  }
0x75: {  	_ =	shalt  }
0x76: {  	_ =	shalt  }
0x77: {  	_ =	shalt  }
0x78: {  	_ =	shalt  }
0x79: {  	_ =	shalt  }
0x7a: {  	_ =	shalt  }
0x7b: {  	_ =	shalt  }
0x7c: {  	_ =	shalt  }
0x7d: {  	_ =	shalt  }
0x7e: {  	_ =	shalt  }
0x7f: {  	_ =	shalt  }
0x80: {  	_ =	shalt  }
0x81: {  	_ =	shalt  }
0x82: {  	_ =	shalt  }
0x83: {  	_ =	shalt  }
0x84: {  	_ =	shalt  }
0x85: {  	_ =	shalt  }
0x86: {  	_ =	shalt  }
0x87: {  	_ =	shalt  }
.Lfunc_end0:
.L_simem_size_0:
called_computation_lowered:
.L_overlay_start_0:
0x88: {  	s2 =	sld [smem:$0x3FD9]  }
0x89: {  	s3 =	sld [smem:$0x3FFE];
	_ =	sdelay $0x1  }
0x8a: {  	s1 =	srdreg.scid  }
0x8b: {  	s0 =	sand.u32 $0x1, s1  }
0x8c: {  	s14 =	sshll.u32 s0, $0xA;
	s2 =	sadd.s32 s3, s2  }
0x8d: {  	s2 =	sadd.s32 s2, s14  }
0x8e: {  	[smem:$0x3FC4] =	sst s2  }
0x8f: {  	_ = 	snop  }
0x90: {  	s2 =	sld [smem:$0x3FD0];
	_ =	sdelay $0x2  }
0x91: {  	s15 =	simm.s32 $0xA;
	s4 =	simm.s32 $0x10  }
0x92: {  	[smem:s4], [sflag:s15] =	dma.local [hbm:s2], $0x1  }
0x93: {  	_ =	swait.eq [sflag:s15], $0x1  }
0x94: {  	[sflag:s15] =	ssyncset.done $0x0  }
0x95: {  	s16 =	sld [smem:$0x10];
	[sflag:s15] =	ssyncadd.s32 $0xFFFFFFFF  }
0x96: {  	s17 =	sld [smem:$0x11];
	(tm) =	ssettm $0x1  }
0x97: {  	s18 =	sld [smem:$0x3FFB];
	_ =	sdelay $0x3  }
0x98: {  	_ =	strace s18  }
0x99: {  	s4 =	sld [smem:$0x3FFC];
	_ =	sdelay $0x3  }
0x9a: {  	_ =	strace s4  }
0x9b: {  	s4 =	sld [smem:$0x3FFD];
	_ =	sdelay $0x3  }
0x9c: {  	_ =	strace s4  }
0x9d: {  	_ =	strace $0x8FFFFFFF  }
0x9e: {  	s19 =	sld [smem:$0x3FDB];
	_ =	sdelay $0x1  }
0x9f: {  	s5 =	simm.s32 $_scs_section_size  }
0xa0: {  	s6 =	simm.s32 $_size__tile_overlayer_lowered;
	s7 =	simm.s32 $_tile_overlayer_lowered  }
0xa1: {  	s22 =	simm.s32 $0x1BFF;
	s21 =	sshll.u32 s7, $0x1;
	s4 =	sadd.s32 s5, s19  }
0xa2: {  	s8 =	simm.s32 $0x0;
	s20 =	sshll.u32 s6, $0x1;
	s6 =	sadd.s32 s21, s4  }
0xa3: {  	[timem:s8], [sflag:s22] =	dma.local [hbm:s6], s20  }
0xa4: {  	_ =	swait.ge [sflag:s22], s20  }
0xa5: {  	s5 =	ssub.s32 $0x0, s20;
	[sflag:s22] =	ssyncset.done $0x0  }
0xa6: {  	[sflag:s22] =	ssyncadd.s32 s5;
	_ =	sdelay $0x1  }
0xa7: {  	s23 =	simm.s32 $0x1B8B  }
0xa8: {  	_ =	swait.ge [sflag:s23], $0x1  }
0xa9: {  	[sflag:s23] =	ssyncset.done $0x0  }
0xaa: {  	s25 =	simm.s32 $0x1B8E;
	s24 =	sld [smem:$0x3FFE];
	[sflag:s23] =	ssyncadd.s32 $0xFFFFFFFF  }
0xab: {  	s26 =	simm.s32 $execute0_lowered;
	[smem:$0x3FD2] =	sst s25  }
0xac: {  	s6 =	sshll.u32 s26, $0x1;
	_ =	strace $0x80000046;
	[dreg:$0x1] =	wrdreg $0xFFFFFFFF  }
0xad: {  	s28 =	simm.s32 $_size_execute0_lowered;
	s4 =	sadd.s32 s4, s6;
	[dreg:$0x0] =	wrdreg $0x0  }
0xae: {  	s6 =	sshll.u32 s28, $0x1;
	[dreg:$0x2] =	wrdreg s4  }
0xaf: {  	[dreg:$0x3] =	wrdreg s6  }
0xb0: {  	[dreg:$0x4] =	wrdreg $0xC0  }
0xb1: {  	_ =	task [dreg:s8], $0x5FFFF  }
0xb2: {  	[dreg:$0x1] =	wrdreg $0xFFFFFFFF  }
0xb3: {  	[dreg:$0x0] =	wrdreg $0x60  }
0xb4: {  	[dreg:$0x2] =	wrdreg s24  }
0xb5: {  	[dreg:$0x3] =	wrdreg s16  }
0xb6: {  	[dreg:$0x4] =	wrdreg s17  }
0xb7: {  	[dreg:$0x5] =	wrdreg $0x3A000  }
0xb8: {  	[dreg:$0x6] =	wrdreg $0x9  }
0xb9: {  	_ =	task.clear_ibuf [dreg:s8], $0x7FFFF;
	_ =	strace $0x90000046  }
0xba: {  	s29 =	simm.s32 $0x9;
	_ =	strace $0x80000048  }
0xbb: {  	_ =	swait.ge [sflag:s29], $0x1  }
0xbc: {  	[sflag:s29] =	ssyncadd.s32 $0xFFFFFFFF  }
0xbd: {  	_ =	strace $0x90000048  }
0xbe: {  	_ =	sfence  }
0xbf: {  	s30 =	sld [smem:$0x0];
	_ =	sdelay $0x2  }
0xc0: {  	s31 =	sshll.u32 s1, $0xD;
	s1 =	sshrl.u32 s1, $0x2  }
0xc1: {  	s3 =	sand.u32 $0x4000, s31;
	s1 =	sadd.s32 s1, s30  }
0xc2: {  	s0 =	sor.u32 s3, s0;
	s1 =	sshll.u32 s1, $0x11  }
0xc3: {  	s0 =	sor.u32 s1, s0  }
0xc4: {  	s0 =	sadd.s32 $0x8F2B, s0  }
0xc5: {  	[sflag:s0] =	ssyncadd.remote.s32 $0x1  }
0xc6: {  	_ =	sfence.sel $0xFFFF  }
0xc7: {  	[dreg:$0x0] =	wrdreg $0xFFFFFFFF;
	(pc) =	sbr.abs _section_cstart, $3  }
0xc8: {  	[dreg:$0x1] =	wrdreg $0xFFFFFFFF  }
0xc9: {  	_ =	task.clear_ibuf [dreg:s8], $0x2FFFF;
	_ =	strace $0x9FFFFFFF  }
0xca: {  	(tm) =	ssettm $0x7FFFFFFF  }
0xcb: {  	_ =	shalt  }
tec
execute0_lowered:
.L_overlay_start_1:
0x0: {  	(tag) =	ssettag $0x1  }
0x1: {  	s0 =	rddreg [dreg:$0x0]  }
0x2: {  	s1 =	rddreg [dreg:$0x1]  }
0x3: {  	s2 =	rddreg [dreg:$0x2]  }
0x4: {  	s11 =	rddreg [dreg:$0x3]  }
0x5: {  	s3 =	simm.s32 $0x0;
	s5 =	srdreg.scid;
	s4 =	stileid.u32  }
0x6: {  	s26 =	simm.s32 $0x30E;
	[smem:$0x7FF] =	sst s3;
	s22 =	sadd.s32 $0x66400, s0  }
0x7: {  	s17 =	sadd.s32 $0x4800, s0;
	s6 =	sadd.s32 $0x35600, s0;
	s7 =	sand.u32 $0x1, s5  }
0x8: {  	p0 =	slt.u32 s4, $0x4;
	s9 =	smul.u32 $0x6E400, s4;
	s16 =	sadd.s32 $0x1000, s0  }
0x9: {  	s20 =	smul.u32 $0x620, s4;
	s24 =	sshll.u32 s4, $0x6;
	s12 =	sshll.u32 s4, $0x4  }
0xa: {  	_ =	strace $0x80000047;
	s8 =	ssub.s32 $0x2, s7;
	s26 =	simm.s32 @!p0 $0x30D  }
0xb: {  	s7 =	smul.u32 $0x6200, s7;
	s29 =	sor.u32 $0x1C0F, s24;
	[dreg:$0x7] =	wrdreg s16  }
0xc: {  	s25 =	sor.u32 $0x100, s12;
	s4 =	sadd.s32 s17, s12;
	[dreg:$0x6] =	wrdreg s22  }
0xd: {  	s13 =	sor.u32 $0x6200, s12;
	s5 =	sadd.s32 s6, s12;
	[dreg:$0xa] =	wrdreg s4  }
0xe: {  	s18 =	sshrl.u32 s8, $0x1;
	s10 =	smul.u32 $0x5556, s26;
	[dreg:$0xd] =	wrdreg s5  }
0xf: {  	s19 =	sshrl.u32 s9, $0x2;
	s3 =	sadd.s32 s17, s25;
	[dreg:$0x5] =	wrdreg s26  }
0x10: {  	s28 =	sadd.s32 $0xFFFFFFFE, s26;
	s15 =	sadd.s32 $0xFFFFFFFF, s26;
	[dreg:$0x9] =	wrdreg s29  }
0x11: {  	s6 =	sadd.s32 s6, s25;
	s0 =	ssub.s32 s8, s18;
	[dreg:$0xb] =	wrdreg s3  }
0x12: {  	s21 =	sadd.s32 s19, s11;
	s9 =	sadd.s32 s20, s7;
	[dreg:$0xe] =	wrdreg s6  }
0x13: {  	s3 =	sshll.u32 s28, $0x7;
	s20 =	sshll.u32 s15, $0x7;
	[dreg:$0x8] =	wrdreg s21  }
0x14: {  	s23 =	sadd.s32 $0xFFFF5554, s10;
	s14 =	sadd.s32 $0xFFFFAAAA, s10;
	s9 =	smul.u32 $0x9, s9  }
0x15: {  	s10 =	sadd.s32 $0xFFFEFFFE, s10;
	s3 =	sand.u32 $0x380, s3;
	s21 =	sand.u32 $0x380, s20  }
0x16: {  	s0 =	smax.u32 s0, $0x1;
	s8 =	sshrl.u32 s23, $0x10;
	s14 =	sshrl.u32 s14, $0x10  }
0x17: {  	s3 =	sor.u32 $0x40, s3;
	[dreg:$0x19] =	wrdreg s0;
	s8 =	smul.u32 $0x3, s8  }
0x18: {  	s14 =	smul.u32 $0x3, s14;
	s1 =	sadd.s32 s1, s9;
	[dreg:$0x12] =	wrdreg s3  }
0x19: {  	s18 =	sshrl.u32 s10, $0x10;
	[dreg:$0xf] =	wrdreg s1;
	s8 =	ssub.s32 s28, s8  }
0x1a: {  	s12 =	ssub.s32 s15, s14;
	s14 =	sadd.s32 s2, s9;
	s2 =	smul.u32 $0x3, s18  }
0x1b: {  	s28 =	sadd.s32 $0x200, s4;
	s8 =	sand.u32 $0xFFFF, s8;
	[dreg:$0x10] =	wrdreg s14  }
0x1c: {  	s11 =	sand.u32 $0xFFFF, s12;
	[dreg:$0x1a] =	wrdreg s28;
	s19 =	sor.u32 $0x4, s8  }
0x1d: {  	s31 =	sadd.s32 $0x1, s8;
	s24 =	sadd.s32 $0x1, s11;
	[dreg:$0x13] =	wrdreg s19  }
0x1e: {  	s30 =	smul.u32 $0x4800, s8;
	s25 =	sor.u32 $0x4, s11;
	[dreg:$0x16] =	wrdreg s24  }
0x1f: {  	s17 =	smul.u32 $0x4800, s11;
	s2 =	ssub.s32 s26, s2;
	[dreg:$0x17] =	wrdreg s25  }
0x20: {  	[dreg:$0xc] =	wrdreg s31;
	s6 =	sshrl.u32 s30, $0x2;
	s30 =	sadd.s32 $0x200, s5  }
0x21: {  	s1 =	sshrl.u32 s17, $0x2;
	s6 =	sadd.s32 $0x400, s6;
	[dreg:$0x1b] =	wrdreg s30  }
0x22: {  	s2 =	sadd.s32 $0xFFFFFFFD, s2;
	s1 =	sadd.s32 $0x400, s1;
	[dreg:$0x11] =	wrdreg s6  }
0x23: {  	s23 =	sor.u32 $0x4, s2;
	[dreg:$0x14] =	wrdreg s1;
	s1 =	sor.u32 $0x40, s21  }
0x24: {  	v0 =	vlaneseq.u32;
	[dreg:$0x15] =	wrdreg s1;
	s1 =	sand.u32 $0xFFFF, s23  }
0x25: {  	v0 =	vor.u32 s13, v0;
	v1 =	vmov s7;
	s2 =	simm.s32 $0x0;
	[dreg:$0x18] =	wrdreg s1;
	s1 =	simm.s32 $0xF  }
.LBB2_1:
0x26: {  	s0 =	rddreg [dreg:$0x8]  }
0x27: {  	[dreg:$0x1c] =	wrdreg s2;
	s0 =	sshrl.u32 s0, $0x3  }
0x28: {  	[dreg:$0x1d] =	wrdreg s0  }
0x29: {  	[spmem:s0], [sflag:s29] =	dma.local [hbm:s16], $0x3720  }
0x2a: {  	s16 =	simm.s32 $0x0;
	_ =	swait.ge [sflag:s1], $0x3720  }
0x2b: {  	s17 =	smulhi.u32 $0xAAAAAAAB, s16;
	[sflag:s1] =	ssyncset.done $0x0  }
0x2c: {  	[sflag:s1] =	ssyncadd.s32 $0xFFFFC8E0  }
0x2d: {  	s0 =	sshrl.u32 s17, $0x1;
	[bflag:$0x0] =	sbarrier.arrive $0xFFFF  }
0x2e: {  	s19 =	smul.u32 $0xFFFFFFF4, s0;
	s18 =	rddreg [dreg:$0xa]  }
0x2f: {  	[tilespmem:s16], [sflag:$0x7] =	stream.linear.gather [hbm4b:s18+s16], $0x80, $0x38;
	[tilespmem:$0x1F780] =	vst v63  }
0x30: {  	s4 =	simm.s32 $0x80;
	p0 =	por $0x1, $0x1;
	s1 =	sshra.s32 s19, $0x2  }
0x31: {  	s21 =	simm.s32 $0x40;
	s3 =	rddreg [dreg:$0xb];
	s2 =	sadd.s32 $0x4, s1  }
0x32: {  	[tilespmem:s4], [sflag:$0x8] =	stream.linear.gather [hbm4b:s3+s16], $0x80, $0x38;
	[tilespmem:$0x1F780] =	vst v63  }
0x33: {  	s24 =	simm.s32 $0xFFFFFFFE;
	s3 =	simm.s32 $0x0;
	_ =	swait.ge @!p0 [sflag:s2], $0x1200  }
0x34: {  	s0 =	smul.u32 $0xFFFF2800, s0;
	s6 =	sand.u32 $0x7, s3;
	[sflag:s2] =	ssyncset.done @!p0 $0x0  }
0x35: {  	s14 =	simm.s32 $0x2;
	s20 =	sadd.s32 $0x7, s6;
	[sflag:s2] =	ssyncadd.s32 @!p0 $0xFFFFEE00  }
0x36: {  	s13 =	simm.s32 $0xFFFFE000;
	s0 =	sshra.s32 s0, $0x2;
	_ =	swait.ge [sflag:s20], $0x80  }
0x37: {  	s9 =	simm.s32 $0xFFFFFF00;
	s0 =	sadd.s32 $0x400, s0;
	[sflag:s20] =	ssyncset.done $0x0  }
0x38: {  	s1 =	sadd.s32 $0x1, s1;
	s23 =	sshll.u32 s6, $0x7;
	[sflag:s20] =	ssyncadd.s32 $0xFFFFFF80  }
0x39: {  	[tilespmem:s0], [sflag:s1] =	stream.indirect.gather [hbm4b:s22+s21], $0x48, s23, s21, $0xb8;
	[tilespmem:$0x1F780] =	vst v63  }
0x3a: {  	p1 =	sne.s32 s26, $0x1;
	s26 =	simm.s32 $0xFFFFF200;
	s8 =	simm.s32 $0xFFFFFFFF;
	v2 =	vld [tilespmem:s23+$0x40]  }
0x3b: {  	s11 =	simm.s32 $0x0;
	s31 =	simm.s32 $0x2;
	s25 =	smulhi.u32 $0xAAAAAAAB, s24;
	v3 =	vld [tilespmem:s23+$0x50]  }
0x3c: {  	s24 =	simm.s32 $0x2;
	s29 =	simm.s32 $0xFFFFFFFF;
	s17 =	simm.s32 $0xFFFFFF80;
	v4 =	vld [tilespmem:s23+$0x60]  }
0x3d: {  	s18 =	simm.s32 $0xFFFFE000;
	s16 =	simm.s32 $0x5;
	s6 =	simm.s32 $0x3;
	v5 =	vld [tilespmem:s23+$0x70]  }
.Ltmp0:
0x3e: {  	s2 =	simm.s32 $0x1600;
	[dreg:$0x1e] =	wrdreg s20;
	(pc) =	sbr.rel @!p1 .LBB2_3-.Ltmp0, $4  }
0x3f: {  	s7 =	smov.u32 s23;
	s28 =	rddreg [dreg:$0x1a];
	s1 =	sshrl.u32 s25, $0x1;
	v2 =	vsub.s32 v2, v1  }
0x40: {  	s19 =	sadd.s32 $0x100, s28;
	s20 =	simm.s32 $0xFFFFFFFF;
	s30 =	smul.u32 $0xFFFFFFF4, s1;
	v3 =	vsub.s32 v3, v1;
	vm0 =	vlt.u32 v2, $0x6200  }
0x41: {  	s0 =	simm.s32 $0x1;
	s25 =	simm.s32 $0x3;
	s22 =	simm.s32 $0xFFFFFF00;
	v4 =	vsub.s32 v4, v1;
	v2 =	vsel vm0, v2, v0;
	vm0 =	vlt.u32 v3, $0x6200  }
0x42: {  	s21 =	simm.s32 $0x2;
	s15 =	smov.u32 s1;
	s12 =	smov.u32 s30;
	[tilespmem:s23+$0x40] =	vst v2;
	v2 =	vsel vm0, v3, v0;
	vm0 =	vlt.u32 v4, $0x6200;
	v3 =	vsub.s32 v5, v1  }
.LBB2_2:
0x43: {  	s15 =	smul.u32 $0xFFFF2800, s15  }
0x44: {  	s0 =	smulhi.u32 $0xAAAAAAAB, s0  }
0x45: {  	p1 =	slt.u32 s11, $0x2;
	s10 =	rddreg [dreg:$0x5];
	s12 =	sshra.s32 s12, $0x2  }
0x46: {  	v4 =	vsel vm0, v4, v0;
	vm0 =	vlt.u32 v3, $0x6200;
	[tilespmem:s7+$0x50] =	vst v2;
	p2 =	sge.u32 s31, s10;
	s11 =	sand.u32 @!p1 $0x380, s22;
	s29 =	sadd.s32 s12, s29  }
0x47: {  	[tilespmem:s7+$0x60] =	vst v4;
	v2 =	vsel vm0, v3, v0;
	s31 =	sand.u32 @!p2 $0x7, s31;
	s4 =	sor.u32 @!p1 $0x40, s11;
	s5 =	sshrl.u32 s0, $0x1  }
0x48: {  	[tilespmem:s7+$0x70] =	vst v2;
	s11 =	simm.s32 @!p2 $0x0;
	s0 =	sshll.u32 @!p2 s31, $0x7;
	s7 =	sadd.s32 @!p2 $0x7, s31  }
0x49: {  	[tilespmem:s0], [sflag:s7] =	stream.linear.gather @!p2 [hbm4b:s28+s11], $0x80, $0x38;
	[tilespmem:$0x1F780] =	vst v63  }
0x4a: {  	s15 =	sshra.s32 s15, $0x2;
	_ =	swait.ge @!p1 [sflag:s29], $0x1200  }
0x4b: {  	s15 =	sadd.s32 s15, s18;
	s18 =	smul.u32 $0xFFFFFFF4, s5;
	[sflag:s29] =	ssyncset.done @!p1 $0x0  }
0x4c: {  	s22 =	simm.s32 @!p1 $0x40;
	s11 =	sadd.s32 $0xFFFFFFFE, s6;
	[sflag:s29] =	ssyncadd.s32 @!p1 $0xFFFFEE00  }
0x4d: {  	s7 =	sadd.s32 s12, s21;
	s12 =	sshra.s32 s18, $0x2;
	s18 =	rddreg [dreg:$0x3]  }
0x4e: {  	[spmem:s18] =	stream.indirect.scatter.add.f32 @!p1 [tilespmem:s15], [sflag:s7], $0x48, s4, s22, $0xb8;
	[tilespmem:$0x1F780] =	vst v63  }
0x4f: {  	p2 =	slt.u32 s11, $0x3;
	s4 =	sadd.s32 s12, s16  }
0x50: {  	s5 =	smul.u32 $0xFFFF2800, s5;
	_ =	swait.ge @!p2 [sflag:s4], $0x1200  }
0x51: {  	s0 =	sadd.s32 $0x1, s11;
	s22 =	sand.u32 $0x7, s11;
	[sflag:s4] =	ssyncset.done @!p2 $0x0  }
0x52: {  	s5 =	sshra.s32 s5, $0x2;
	s15 =	sadd.s32 $0x7, s22;
	[sflag:s4] =	ssyncadd.s32 @!p2 $0xFFFFEE00  }
0x53: {  	s5 =	sadd.s32 s5, s2;
	p1 =	sne.s32 s0, s10;
	_ =	swait.ge [sflag:s15], $0x80  }
0x54: {  	s10 =	sadd.s32 s12, s24;
	s12 =	simm.s32 $0x40;
	[sflag:s15] =	ssyncset.done $0x0  }
0x55: {  	s7 =	sshll.u32 s22, $0x7;
	[sflag:s15] =	ssyncadd.s32 $0xFFFFFF80;
	s15 =	rddreg [dreg:$0x6]  }
0x56: {  	[tilespmem:s5], [sflag:s10] =	stream.indirect.gather [hbm4b:s15+s12], $0x48, s7, s12, $0xb8;
	[tilespmem:$0x1F780] =	vst v63  }
0x57: {  	v2 =	vld [tilespmem:s7+$0x40]  }
0x58: {  	v3 =	vld [tilespmem:s7+$0x50]  }
0x59: {  	s8 =	sadd.s32 $0x1, s8;
	s31 =	smov.u32 s6;
	v4 =	vld [tilespmem:s7+$0x60]  }
0x5a: {  	s28 =	smov.u32 s19;
	s21 =	smov.u32 s25;
	s6 =	sadd.s32 $0x1, s6;
	v5 =	vld [tilespmem:s7+$0x70]  }
.Ltmp1:
0x5b: {  	s19 =	sadd.s32 $0x100, s19;
	s25 =	sadd.s32 $0x1, s25;
	(pc) =	sbr.rel @p1 .LBB2_2-.Ltmp1, $4  }
0x5c: {  	s2 =	sadd.s32 $0x1200, s2;
	s29 =	smov.u32 s8;
	s15 =	smulhi.u32 $0xAAAAAAAB, s20;
	v2 =	vsub.s32 v2, v1  }
0x5d: {  	s18 =	smov.u32 s26;
	s24 =	sadd.s32 $0x1, s24;
	s16 =	sadd.s32 $0x1, s16;
	v3 =	vsub.s32 v3, v1;
	vm0 =	vlt.u32 v2, $0x6200  }
0x5e: {  	s26 =	sadd.s32 $0x1200, s26;
	s22 =	smov.u32 s17;
	s15 =	sshrl.u32 s15, $0x1;
	v4 =	vsub.s32 v4, v1;
	v2 =	vsel vm0, v2, v0;
	vm0 =	vlt.u32 v3, $0x6200  }
0x5f: {  	s17 =	sadd.s32 $0x80, s17;
	s20 =	sadd.s32 $0x1, s20;
	s12 =	smul.u32 $0xFFFFFFF4, s15;
	[tilespmem:s7+$0x40] =	vst v2;
	v2 =	vsel vm0, v3, v0;
	vm0 =	vlt.u32 v4, $0x6200;
	v3 =	vsub.s32 v5, v1  }
.LBB2_3:
0x60: {  	s26 =	rddreg [dreg:$0x5]  }
0x61: {  	v4 =	vsel vm0, v4, v0;
	s2 =	smul.u32 $0xFFFF2800, s15;
	vm0 =	vlt.u32 v3, $0x6200;
	[tilespmem:s7+$0x50] =	vst v2;
	s0 =	sshra.s32 s12, $0x2;
	p2 =	sge.u32 s31, s26  }
0x62: {  	p1 =	slt.u32 s11, $0x2;
	[tilespmem:s7+$0x60] =	vst v4;
	v2 =	vsel vm0, v3, v0;
	s4 =	sadd.s32 s0, s29;
	s5 =	sand.u32 @!p2 $0x7, s31  }
0x63: {  	[tilespmem:s7+$0x70] =	vst v2;
	s7 =	simm.s32 @!p2 $0x0;
	s6 =	sshll.u32 @!p2 s5, $0x7;
	s5 =	sadd.s32 @!p2 $0x7, s5  }
0x64: {  	[tilespmem:s6], [sflag:s5] =	stream.linear.gather @!p2 [hbm4b:s28+s7], $0x80, $0x38;
	[tilespmem:$0x1F780] =	vst v63  }
0x65: {  	s2 =	sshra.s32 s2, $0x2;
	_ =	swait.ge @!p1 [sflag:s4], $0x1200  }
0x66: {  	s0 =	sadd.s32 s0, s21;
	s2 =	sadd.s32 s2, s18;
	[sflag:s4] =	ssyncset.done @!p1 $0x0  }
0x67: {  	s5 =	sand.u32 @!p1 $0x380, s22;
	s31 =	rddreg [dreg:$0xc];
	[sflag:s4] =	ssyncadd.s32 @!p1 $0xFFFFEE00  }
0x68: {  	s6 =	simm.s32 @!p1 $0x40;
	s5 =	sor.u32 @!p1 $0x40, s5;
	s18 =	rddreg [dreg:$0x3]  }
0x69: {  	[spmem:s18] =	stream.indirect.scatter.add.f32 @!p1 [tilespmem:s2], [sflag:s0], $0x48, s5, s6, $0xb8;
	[tilespmem:$0x1F780] =	vst v63  }
0x6a: {  	_ =	swait.ge [sflag:s31], $0x1200  }
0x6b: {  	s17 =	rddreg [dreg:$0x11]  }
0x6c: {  	s19 =	rddreg [dreg:$0x12]  }
0x6d: {  	[sflag:s31] =	ssyncset.done $0x0;
	s20 =	rddreg [dreg:$0x13]  }
0x6e: {  	s7 =	simm.s32 $0x40;
	s21 =	rddreg [dreg:$0x16];
	[sflag:s31] =	ssyncadd.s32 $0xFFFFEE00  }
0x6f: {  	[spmem:s18] =	stream.indirect.scatter.add.f32 [tilespmem:s17], [sflag:s20], $0x48, s19, s7, $0xb8;
	[tilespmem:$0x1F780] =	vst v63  }
0x70: {  	_ =	swait.ge [sflag:s21], $0x1200  }
0x71: {  	s22 =	rddreg [dreg:$0x14]  }
0x72: {  	[sflag:s21] =	ssyncset.done $0x0;
	s24 =	rddreg [dreg:$0x15]  }
0x73: {  	s25 =	rddreg [dreg:$0x17];
	[sflag:s21] =	ssyncadd.s32 $0xFFFFEE00  }
0x74: {  	[spmem:s18] =	stream.indirect.scatter.add.f32 [tilespmem:s22], [sflag:s25], $0x48, s24, s7, $0xb8;
	[tilespmem:$0x1F780] =	vst v63  }
0x75: {  	_ =	swait.ge [sflag:s25], $0x1200  }
0x76: {  	[sflag:s25] =	ssyncset.done $0x0  }
0x77: {  	[sflag:s25] =	ssyncadd.s32 $0xFFFFEE00  }
0x78: {  	_ =	swait.ge [sflag:s20], $0x1200  }
0x79: {  	[sflag:s20] =	ssyncset.done $0x0  }
0x7a: {  	s4 =	rddreg [dreg:$0x18];
	[sflag:s20] =	ssyncadd.s32 $0xFFFFEE00  }
0x7b: {  	_ =	swait.ge [sflag:s4], $0x1200  }
0x7c: {  	[sflag:s4] =	ssyncset.done $0x0  }
0x7d: {  	[sflag:s4] =	ssyncadd.s32 $0xFFFFEE00  }
0x7e: {  	[bflag:$0x0] =	sbarrier.arrive $0xFFFF  }
0x7f: {  	s29 =	rddreg [dreg:$0x9]  }
0x80: {  	s5 =	rddreg [dreg:$0xf]  }
0x81: {  	s8 =	simm.s32 $0xF;
	s6 =	rddreg [dreg:$0x1d]  }
0x82: {  	[hbm:s5], [sflag:s29] =	dma.local [spmem:s6], $0x3720  }
0x83: {  	_ =	swait.ge [sflag:s8], $0x3720  }
0x84: {  	[sflag:s8] =	ssyncset.done $0x0  }
0x85: {  	[sflag:s8] =	ssyncadd.s32 $0xFFFFC8E0  }
0x86: {  	s11 =	simm.s32 $0x0;
	[bflag:$0x0] =	sbarrier.arrive $0xFFFF  }
0x87: {  	s12 =	smulhi.u32 $0xAAAAAAAB, s11;
	s10 =	rddreg [dreg:$0x7]  }
0x88: {  	[spmem:s6], [sflag:s29] =	dma.local [hbm:s10], $0x3720  }
0x89: {  	_ =	swait.ge [sflag:s8], $0x3720  }
0x8a: {  	s2 =	sshrl.u32 s12, $0x1;
	[sflag:s8] =	ssyncset.done $0x0  }
0x8b: {  	s16 =	smul.u32 $0xFFFFFFF4, s2;
	[sflag:s8] =	ssyncadd.s32 $0xFFFFC8E0  }
0x8c: {  	[bflag:$0x0] =	sbarrier.arrive $0xFFFF  }
0x8d: {  	s20 =	sshra.s32 s16, $0x2;
	s15 =	rddreg [dreg:$0xd]  }
0x8e: {  	[tilespmem:s11], [sflag:$0x7] =	stream.linear.gather [hbm4b:s15+s11], $0x80, $0x38;
	[tilespmem:$0x1F780] =	vst v63  }
0x8f: {  	s19 =	simm.s32 $0x80;
	s4 =	sadd.s32 $0x4, s20;
	s17 =	rddreg [dreg:$0xe]  }
0x90: {  	[tilespmem:s19], [sflag:$0x8] =	stream.linear.gather [hbm4b:s17+s11], $0x80, $0x38;
	[tilespmem:$0x1F780] =	vst v63  }
0x91: {  	_ =	swait.ge @!p0 [sflag:s4], $0x1200  }
0x92: {  	s2 =	smul.u32 $0xFFFF2800, s2;
	[sflag:s4] =	ssyncset.done @!p0 $0x0  }
0x93: {  	s21 =	rddreg [dreg:$0x1e];
	[sflag:s4] =	ssyncadd.s32 @!p0 $0xFFFFEE00  }
0x94: {  	s2 =	sshra.s32 s2, $0x2;
	_ =	swait.ge [sflag:s21], $0x80  }
0x95: {  	s2 =	sadd.s32 $0x400, s2;
	[sflag:s21] =	ssyncset.done $0x0  }
0x96: {  	s0 =	sadd.s32 $0x1, s20;
	s22 =	rddreg [dreg:$0x6];
	[sflag:s21] =	ssyncadd.s32 $0xFFFFFF80  }
0x97: {  	[tilespmem:s2], [sflag:s0] =	stream.indirect.gather [hbm4b:s22+s7], $0x48, s23, s7, $0xb8;
	[tilespmem:$0x1F780] =	vst v63  }
0x98: {  	v2 =	vld [tilespmem:s23+$0x40]  }
0x99: {  	v3 =	vld [tilespmem:s23+$0x50]  }
0x9a: {  	v4 =	vld [tilespmem:s23+$0x60]  }
0x9b: {  	s28 =	simm.s32 $0x40;
	s24 =	simm.s32 $0x3;
	p0 =	sne.s32 s26, $0x1;
	v5 =	vld [tilespmem:s23+$0x70]  }
.Ltmp2:
0x9c: {  	s25 =	simm.s32 $0xFFFFFFFF;
	s16 =	simm.s32 $0x5;
	(pc) =	sbr.rel @!p0 .LBB2_5-.Ltmp2, $4  }
0x9d: {  	s20 =	simm.s32 $0xFFFFFFFF;
	s6 =	simm.s32 $0x1600;
	s10 =	simm.s32 $0xFFFFFFFF;
	v2 =	vsub.s32 v2, v1  }
0x9e: {  	s8 =	simm.s32 $0x3;
	s17 =	simm.s32 $0xFFFFFF80;
	s11 =	simm.s32 $0x2;
	v3 =	vsub.s32 v3, v1;
	vm0 =	vlt.u32 v2, $0x6200  }
0x9f: {  	s21 =	rddreg [dreg:$0x1b];
	s7 =	simm.s32 $0x1;
	s2 =	simm.s32 $0x2;
	v4 =	vsub.s32 v4, v1;
	v2 =	vsel vm0, v2, v0;
	vm0 =	vlt.u32 v3, $0x6200  }
0xa0: {  	s19 =	sadd.s32 $0x100, s21;
	s0 =	simm.s32 $0xFFFFF200;
	s22 =	smov.u32 s22;
	[tilespmem:s23+$0x40] =	vst v2;
	v2 =	vsel vm0, v3, v0;
	vm0 =	vlt.u32 v4, $0x6200;
	v3 =	vsub.s32 v5, v1  }
.LBB2_4:
0xa1: {  	s4 =	sshra.s32 s30, $0x2;
	s1 =	smul.u32 $0xFFFF2800, s1;
	v4 =	vsel vm0, v4, v0;
	s25 =	sadd.s32 $0x1, s25  }
0xa2: {  	s5 =	smulhi.u32 $0xAAAAAAAB, s7;
	p0 =	slt.u32 s3, $0x2;
	s10 =	sadd.s32 s4, s10;
	[tilespmem:s23+$0x60] =	vst v4  }
0xa3: {  	p1 =	sge.u32 s14, s26;
	s3 =	sand.u32 @!p0 $0x380, s9;
	s9 =	simm.s32 @!p0 $0x40  }
0xa4: {  	vm0 =	vlt.u32 v3, $0x6200;
	s7 =	sand.u32 @!p1 $0x7, s14;
	s1 =	sshra.s32 s1, $0x2;
	s12 =	sor.u32 @!p0 $0x40, s3  }
0xa5: {  	s5 =	sshrl.u32 s5, $0x1;
	s3 =	sshll.u32 @!p1 s7, $0x7;
	s1 =	sadd.s32 s1, s13;
	[tilespmem:s23+$0x50] =	vst v2;
	v2 =	vsel vm0, v3, v0  }
0xa6: {  	s14 =	simm.s32 @!p1 $0x0;
	s7 =	sadd.s32 @!p1 $0x7, s7;
	s13 =	smul.u32 $0xFFFFFFF4, s5;
	[tilespmem:s23+$0x70] =	vst v2  }
0xa7: {  	[tilespmem:s3], [sflag:s7] =	stream.linear.gather @!p1 [hbm4b:s21+s14], $0x80, $0x38;
	[tilespmem:$0x1F780] =	vst v63  }
0xa8: {  	s4 =	sadd.s32 s4, s11;
	s3 =	sadd.s32 $0xFFFFFFFE, s8;
	_ =	swait.ge @!p0 [sflag:s10], $0x1200  }
0xa9: {  	p1 =	slt.u32 s3, $0x3;
	s7 =	sadd.s32 $0x1, s3;
	[sflag:s10] =	ssyncset.done @!p0 $0x0  }
0xaa: {  	s5 =	smul.u32 $0xFFFF2800, s5;
	s15 =	sshra.s32 s13, $0x2;
	[sflag:s10] =	ssyncadd.s32 @!p0 $0xFFFFEE00  }
0xab: {  	[spmem:s18] =	stream.indirect.scatter.add.f32 @!p0 [tilespmem:s1], [sflag:s4], $0x48, s12, s9, $0xb8;
	[tilespmem:$0x1F780] =	vst v63  }
0xac: {  	s1 =	sadd.s32 s15, s16;
	s4 =	sshra.s32 s5, $0x2;
	s5 =	sand.u32 $0x7, s3  }
0xad: {  	p0 =	sne.s32 s7, s26;
	s23 =	sshll.u32 s5, $0x7;
	_ =	swait.ge @!p1 [sflag:s1], $0x1200  }
0xae: {  	s10 =	smov.u32 s25;
	s5 =	sadd.s32 $0x7, s5;
	[sflag:s1] =	ssyncset.done @!p1 $0x0  }
0xaf: {  	s14 =	smov.u32 s8;
	s9 =	smov.u32 s17;
	[sflag:s1] =	ssyncadd.s32 @!p1 $0xFFFFEE00  }
0xb0: {  	s11 =	smov.u32 s24;
	s21 =	smov.u32 s19;
	_ =	swait.ge [sflag:s5], $0x80  }
0xb1: {  	s13 =	smov.u32 s0;
	s1 =	sadd.s32 s4, s6;
	[sflag:s5] =	ssyncset.done $0x0  }
0xb2: {  	s4 =	sadd.s32 s15, s2;
	[sflag:s5] =	ssyncadd.s32 $0xFFFFFF80  }
0xb3: {  	[tilespmem:s1], [sflag:s4] =	stream.indirect.gather [hbm4b:s22+s28], $0x48, s23, s28, $0xb8;
	[tilespmem:$0x1F780] =	vst v63  }
0xb4: {  	v2 =	vld [tilespmem:s23+$0x40]  }
0xb5: {  	v3 =	vld [tilespmem:s23+$0x50]  }
0xb6: {  	v4 =	vld [tilespmem:s23+$0x60]  }
0xb7: {  	s1 =	smulhi.u32 $0xAAAAAAAB, s20;
	v5 =	vld [tilespmem:s23+$0x70]  }
.Ltmp3:
0xb8: {  	(pc) =	sbr.rel @p0 .LBB2_4-.Ltmp3, $4  }
0xb9: {  	s2 =	sadd.s32 $0x1, s2;
	s6 =	sadd.s32 $0x1200, s6;
	v2 =	vsub.s32 v2, v1  }
0xba: {  	s8 =	sadd.s32 $0x1, s8;
	s16 =	sadd.s32 $0x1, s16;
	s1 =	sshrl.u32 s1, $0x1;
	vm0 =	vlt.u32 v2, $0x6200;
	v3 =	vsub.s32 v3, v1  }
0xbb: {  	s19 =	sadd.s32 $0x100, s19;
	s17 =	sadd.s32 $0x80, s17;
	s30 =	smul.u32 $0xFFFFFFF4, s1;
	v2 =	vsel vm0, v2, v0;
	vm0 =	vlt.u32 v3, $0x6200;
	v4 =	vsub.s32 v4, v1  }
0xbc: {  	s24 =	sadd.s32 $0x1, s24;
	s0 =	sadd.s32 $0x1200, s0;
	s20 =	sadd.s32 $0x1, s20;
	[tilespmem:s23+$0x40] =	vst v2;
	v2 =	vsel vm0, v3, v0;
	vm0 =	vlt.u32 v4, $0x6200;
	v3 =	vsub.s32 v5, v1  }
.LBB2_5:
0xbd: {  	v4 =	vsel vm0, v4, v0;
	p0 =	sge.u32 s14, s26;
	vm15 =	vlt.u32 v3, $0x6200;
	[tilespmem:s23+$0x50] =	vst v2  }
0xbe: {  	s8 =	smul.u32 $0xFFFF2800, s1;
	s12 =	sshra.s32 s30, $0x2;
	[tilespmem:s23+$0x60] =	vst v4;
	s0 =	sand.u32 @!p0 $0x7, s14;
	v2 =	vsel vm15, v3, v0  }
0xbf: {  	s4 =	simm.s32 @!p0 $0x0;
	s2 =	sshll.u32 @!p0 s0, $0x7;
	[tilespmem:s23+$0x70] =	vst v2;
	s0 =	sadd.s32 @!p0 $0x7, s0  }
0xc0: {  	[tilespmem:s2], [sflag:s0] =	stream.linear.gather @!p0 [hbm4b:s21+s4], $0x80, $0x38;
	[tilespmem:$0x1F780] =	vst v63  }
0xc1: {  	p0 =	slt.u32 s3, $0x2;
	s2 =	sadd.s32 s12, s10  }
0xc2: {  	s1 =	sadd.s32 s12, s11;
	s0 =	sshra.s32 s8, $0x2;
	_ =	swait.ge @!p0 [sflag:s2], $0x1200  }
0xc3: {  	s0 =	sadd.s32 s0, s13;
	s3 =	sand.u32 @!p0 $0x380, s9;
	[sflag:s2] =	ssyncset.done @!p0 $0x0  }
0xc4: {  	s3 =	sor.u32 @!p0 $0x40, s3;
	[sflag:s2] =	ssyncadd.s32 @!p0 $0xFFFFEE00;
	s2 =	simm.s32 @!p0 $0x40  }
0xc5: {  	[spmem:s18] =	stream.indirect.scatter.add.f32 @!p0 [tilespmem:s0], [sflag:s1], $0x48, s3, s2, $0xb8;
	[tilespmem:$0x1F780] =	vst v63  }
0xc6: {  	_ =	swait.ge [sflag:s31], $0x1200  }
0xc7: {  	s14 =	rddreg [dreg:$0x11]  }
0xc8: {  	s15 =	rddreg [dreg:$0x12]  }
0xc9: {  	[sflag:s31] =	ssyncset.done $0x0;
	s16 =	rddreg [dreg:$0x13]  }
0xca: {  	s17 =	simm.s32 $0x40;
	s19 =	rddreg [dreg:$0x16];
	[sflag:s31] =	ssyncadd.s32 $0xFFFFEE00  }
0xcb: {  	[spmem:s18] =	stream.indirect.scatter.add.f32 [tilespmem:s14], [sflag:s16], $0x48, s15, s17, $0xb8;
	[tilespmem:$0x1F780] =	vst v63  }
0xcc: {  	_ =	swait.ge [sflag:s19], $0x1200  }
0xcd: {  	s20 =	rddreg [dreg:$0x14]  }
0xce: {  	[sflag:s19] =	ssyncset.done $0x0;
	s21 =	rddreg [dreg:$0x15]  }
0xcf: {  	s23 =	rddreg [dreg:$0x17];
	[sflag:s19] =	ssyncadd.s32 $0xFFFFEE00  }
0xd0: {  	[spmem:s18] =	stream.indirect.scatter.add.f32 [tilespmem:s20], [sflag:s23], $0x48, s21, s17, $0xb8;
	[tilespmem:$0x1F780] =	vst v63  }
0xd1: {  	_ =	swait.ge [sflag:s23], $0x1200  }
0xd2: {  	[sflag:s23] =	ssyncset.done $0x0  }
0xd3: {  	[sflag:s23] =	ssyncadd.s32 $0xFFFFEE00  }
0xd4: {  	_ =	swait.ge [sflag:s16], $0x1200  }
0xd5: {  	[sflag:s16] =	ssyncset.done $0x0  }
0xd6: {  	s24 =	rddreg [dreg:$0x18];
	[sflag:s16] =	ssyncadd.s32 $0xFFFFEE00  }
0xd7: {  	_ =	swait.ge [sflag:s24], $0x1200  }
0xd8: {  	[sflag:s24] =	ssyncset.done $0x0  }
0xd9: {  	[sflag:s24] =	ssyncadd.s32 $0xFFFFEE00  }
0xda: {  	[bflag:$0x0] =	sbarrier.arrive $0xFFFF  }
0xdb: {  	s25 =	rddreg [dreg:$0x10]  }
0xdc: {  	s1 =	simm.s32 $0xF;
	s28 =	rddreg [dreg:$0x1d]  }
0xdd: {  	[hbm:s25], [sflag:s29] =	dma.local [spmem:s28], $0x3720  }
0xde: {  	_ =	swait.ge [sflag:s1], $0x3720  }
0xdf: {  	s30 =	rddreg [dreg:$0x1c]  }
0xe0: {  	s31 =	rddreg [dreg:$0x19];
	s2 =	sadd.s32 $0x1, s30  }
0xe1: {  	p0 =	sne.s32 s2, s31  }
.Ltmp4:
0xe2: {  	_ = 	snop;
	(pc) =	sbr.rel @p0 .LBB2_1-.Ltmp4, $4  }
0xe3: {  	[sflag:s1] =	ssyncset.done $0x0  }
0xe4: {  	[sflag:s1] =	ssyncadd.s32 $0xFFFFC8E0  }
0xe5: {  	[bflag:$0x0] =	sbarrier.arrive $0xFFFF  }
0xe6: {  	s16 =	rddreg [dreg:$0x7]  }
0xe7: {  	_ =	sfence.sel $0x180000  }
0xe8: {  	[bflag:$0x0] =	sbarrier.arrive $0xFFFF  }
0xe9: {  	_ =	strace $0x90000047  }
0xea: {  	s0 =	stileid.u32;
	[bflag:$0x2] =	sbarrier.arrive $0xFFFF  }
0xeb: {  	p0 =	sne.s32 s0, $0x0;
	s0 =	rddreg [dreg:$0x4]  }
0xec: {  	s0 =	sadd.s32 @!p0 $0x100000, s0  }
0xed: {  	[sflag:s0] =	ssyncadd.tile.s32 @!p0 $0x1;
	_ =	shalt  }
.Lfunc_end2:
_tile_overlayer_lowered:
.L_overlay_start_2:
0xee: {  	(tag) =	ssettag $0x2  }
0xef: {  	s0 =	rddreg [dreg:$0x0];
	s2 =	stileid.u32  }
0xf0: {  	s1 =	rddreg [dreg:$0x1];
	p0 =	sne.s32 s2, $0x0  }
0xf1: {  	s3 =	rddreg [dreg:$0x2];
	[bflag:$0x3] =	sbarrier.arrive $0xFFFF;
	s2 =	simm.s32 @!p0 $0x1C0F  }
0xf2: {  	[timem:s3], [sflag:s2] =	dma.local @!p0 [hbm:s0], s1  }
0xf3: {  	s0 =	simm.s32 @!p0 $0xF  }
0xf4: {  	_ =	swait.ge @!p0 [sflag:s0], s1  }
0xf5: {  	s1 =	ssub.s32 @!p0 $0x0, s1;
	[sflag:s0] =	ssyncset.done @!p0 $0x0  }
0xf6: {  	[sflag:s0] =	ssyncadd.s32 @!p0 s1  }
0xf7: {  	[bflag:$0x3] =	sbarrier.arrive $0xFFFF  }
0xf8: {  	_ =	shalt  }

</sc_bundles>
